<compile_context>
chip_gen: v7x
topology: tpu7x:2x2x1
jax: 0.10.2.dev20260603
libtpu: 0.0.44.dev20260713+nightly
codegen_flags: <defaults>
</compile_context>

<pallas_src>
import jax
import jax.numpy as jnp
from jax import lax
from jax.experimental import pallas as pl
from jax.experimental.pallas import tpu as pltpu
from jax.experimental.pallas import tpu_sc as plsc

_N_BLOCKS = 512
_KH = _KW = 16
_H = _W = 512
_GH = _H // _KH
_GW = _W // _KW
_K = _N_BLOCKS
_B = 32
_NC = 2
_L = 16


def _body(fidx_hbm, seq_hbm, blocks_hbm, out_hbm,
          fidx_v, logits_a, logits_b, idx_a, idx_b, band_a, band_b,
          sem_la, sem_lb, sem_ga, sem_gb, sem_sa, sem_sb):
    b = lax.axis_index("s") * _NC + lax.axis_index("c")
    iota = lax.iota(jnp.int32, _L)
    t_lo = iota
    t_hi = iota + _L

    pltpu.sync_copy(fidx_hbm, fidx_v.at[pl.ds(0, _B)])
    fvec = plsc.load_gather(fidx_v, [jnp.full((_L,), b, jnp.int32)])

    fidx_v[pl.ds(_B, _L)] = fvec
    fscal = fidx_v[pl.ds(_B, _L)][0]

    def start_load(gy, logits_v, sem):
        row0 = jnp.minimum(gy, _GH - 1) * 4
        pltpu.async_copy(seq_hbm.at[fscal, pl.ds(row0, 4)], logits_v, sem)

    def wait_load(logits_v, sem):
        pltpu.make_async_copy(seq_hbm.at[0, pl.ds(0, 4)],
                              logits_v, sem).wait()

    i0_lo = jnp.right_shift(t_lo, 3)
    i0_hi = i0_lo + 2
    r128 = jnp.left_shift(t_lo & 7, 7)

    def amax(logits_v):
        def outer(q, st):
            m0, mi0, m1, mi1 = st
            for j in range(8):
                ev = jnp.full((_L,), q * 8 + j, jnp.int32) ^ iota
                col = r128 + (jnp.left_shift(ev & 0x180, 3) | (ev & 127))
                v0 = plsc.load_gather(logits_v, [i0_lo, col])
                v1 = plsc.load_gather(logits_v, [i0_hi, col])

                def upd(v, m, mi):
                    tie = jnp.where(v == m, jnp.minimum(mi, ev), mi)
                    return jnp.maximum(v, m), jnp.where(v > m, ev, tie)

                m0, mi0 = upd(v0, m0, mi0)
                m1, mi1 = upd(v1, m1, mi1)
            return (m0, mi0, m1, mi1)

        ninf = jnp.full((_L,), -jnp.inf, jnp.float32)
        zero = jnp.zeros((_L,), jnp.int32)
        _, mi0, _, mi1 = lax.fori_loop(
            0, _K // 8, outer, (ninf, zero, ninf, zero))
        return mi0, mi1

    def fill_idx(idx2_v, mi0, mi1):
        p0 = mi0 * _KH
        p1 = mi1 * _KH
        for r in range(_KH):
            row, off = r // 4, (r % 4) * (2 * _L)
            idx2_v[row, pl.ds(off, _L)] = p0 + r
            idx2_v[row, pl.ds(off + _L, _L)] = p1 + r

    def start_gathers(idx2_v, band_v, sem):
        for j in range(4):
            pltpu.async_copy(blocks_hbm.at[idx2_v.at[j]],
                             band_v.at[pl.ds(j * 128, 128)], sem)

    def wait_gathers(idx2_v, band_v, sem):
        for j in range(4):
            pltpu.make_async_copy(blocks_hbm.at[idx2_v.at[j]],
                                  band_v.at[pl.ds(j * 128, 128)], sem).wait()

    bufs = ((logits_a, idx_a, band_a, sem_la, sem_ga, sem_sa),
            (logits_b, idx_b, band_b, sem_lb, sem_gb, sem_sb))

    def chunk(m, gy, this, prev, first_reuse, prev_exists):
        logits_v, idx2_v, band_v, sem_l, sem_g, sem_s = this
        _, idx2_p, band_p, _, sem_gp, sem_sp = prev

        wait_load(logits_v, sem_l)
        mi0, mi1 = amax(logits_v)
        start_load(gy + 2, logits_v, sem_l)

        @pl.when(first_reuse)
        def _():
            pltpu.make_async_copy(band_v, out_hbm.at[0], sem_s).wait()

        fill_idx(idx2_v, mi0, mi1)
        start_gathers(idx2_v, band_v, sem_g)

        @pl.when(prev_exists)
        def _():
            wait_gathers(idx2_p, band_p, sem_gp)
            pltpu.async_copy(band_p, out_hbm.at[b * _GH + gy - 1], sem_sp)

    start_load(jnp.int32(0), logits_a, sem_la)
    start_load(jnp.int32(1), logits_b, sem_lb)

    def pair(m, carry):
        chunk(m, 2 * m, bufs[0], bufs[1], m >= 1, m >= 1)
        chunk(m, 2 * m + 1, bufs[1], bufs[0], m >= 1, m >= 0)
        return carry

    lax.fori_loop(0, _GH // 2, pair, jnp.int32(0))

    wait_gathers(idx_b, band_b, sem_gb)
    pltpu.async_copy(band_b, out_hbm.at[b * _GH + _GH - 1], sem_sb)
    pltpu.make_async_copy(band_a, out_hbm.at[0], sem_sa).wait()
    pltpu.make_async_copy(band_b, out_hbm.at[0], sem_sb).wait()
    wait_load(logits_a, sem_la)
    wait_load(logits_b, sem_lb)


@jax.jit
def _sc_reconstruct(frame_idxs, seq_rows, blocks16):
    run = pl.kernel(
        _body,
        out_type=jax.ShapeDtypeStruct((_B * _GH, _W, _KW), jnp.float32),
        mesh=plsc.VectorSubcoreMesh(core_axis_name="c", subcore_axis_name="s"),
        compiler_params=pltpu.CompilerParams(
            needs_layout_passes=False, use_tc_tiling_on_sc=False),
        scratch_types=[
            pltpu.VMEM((_B + _L,), jnp.int32),
            pltpu.VMEM((4, 4096), jnp.float32),
            pltpu.VMEM((4, 4096), jnp.float32),
            pltpu.VMEM((4, 128), jnp.int32),
            pltpu.VMEM((4, 128), jnp.int32),
            pltpu.VMEM((_KH * _GW, _KW), jnp.float32),
            pltpu.VMEM((_KH * _GW, _KW), jnp.float32),
            pltpu.SemaphoreType.DMA,
            pltpu.SemaphoreType.DMA,
            pltpu.SemaphoreType.DMA,
            pltpu.SemaphoreType.DMA,
            pltpu.SemaphoreType.DMA,
            pltpu.SemaphoreType.DMA,
        ],
    )
    return run(frame_idxs, seq_rows, blocks16)


def kernel(frame_idxs, sequence, blocks):
    n_frames = sequence.shape[0]
    seq_t = jnp.transpose(
        sequence.reshape(n_frames, 128, 8, 4, 128), (0, 1, 3, 2, 4))
    seq_t = seq_t.reshape(n_frames, 128, 4096)
    blocks16 = blocks.reshape(_N_BLOCKS * _KH, _KW)
    out = _sc_reconstruct(frame_idxs, seq_t, blocks16)
    return out.reshape(_B, 1, _H, _W)

# --- scband reference (transcript-rebuilt; emitter-appended) ---
"""Pipeline reference for scband-image-reconstruction-55825984913931 (READ-ONLY COPY).

The authoritative reference and input builder live on the scoring server;
editing this copy changes nothing except your own understanding.
"""

import jax, jax.numpy as jnp
import numpy as np

N_BLOCKS = 512
IMG_SIZE = (512, 512)
BLOCK_SIZE = (16, 16)
N_FRAMES = 100
TILES_PER_IMG = (IMG_SIZE[0] // BLOCK_SIZE[0]) * (IMG_SIZE[1] // BLOCK_SIZE[1])


def setup_inputs(seed: int = 0) -> dict:
    key = jax.random.key(seed)
    k1, k2, k3 = jax.random.split(key, 3)
    frame_idxs = jax.random.randint(k1, (32,), 0, N_FRAMES, dtype=jnp.int32)
    # learned params (module attributes set via init_sequence / init_blocks_tiledata)
    scale = float(np.sqrt(N_BLOCKS / 2))
    sequence = jax.random.normal(k2, (N_FRAMES, TILES_PER_IMG, N_BLOCKS), dtype=jnp.float32) * scale
    blocks = jax.random.normal(k3, (N_BLOCKS, BLOCK_SIZE[0], BLOCK_SIZE[1]), dtype=jnp.float32)
    return {"frame_idxs": frame_idxs, "sequence": sequence, "blocks": blocks}


def reference(frame_idxs, sequence, blocks):
    kh, kw = BLOCK_SIZE
    block_len = kh * kw
    H, W = IMG_SIZE
    gh, gw = H // kh, W // kw
    # eval path: hard one-hot over codebook from stored sequence logits
    logits = jnp.take(sequence, frame_idxs, axis=0)            # (B, L, K)
    idx = jnp.argmax(logits, axis=-1)                          # (B, L)
    block_weights = jax.nn.one_hot(idx, N_BLOCKS, dtype=jnp.float32)  # (B, L, K)
    # assemble tiles: (B, L, K) @ (K, block_len) -> (B, L, block_len)
    uf = jnp.matmul(block_weights, blocks.reshape(N_BLOCKS, block_len))
    uf = jnp.transpose(uf, (0, 2, 1))                          # (B, block_len, L)
    B = uf.shape[0]
    # torch.nn.Fold with stride == kernel_size (non-overlapping)
    x = uf.reshape(B, kh, kw, gh, gw)
    x = jnp.transpose(x, (0, 3, 1, 4, 2))                      # (B, gh, kh, gw, kw)
    reconstructed = x.reshape(B, 1, H, W)
    return reconstructed

if __name__ == "__main__":
    import jax
    _d = setup_inputs()
    print(jax.jit(kernel)(*tuple(_d.values())))

</pallas_src>

<mosaic_0001>
#map = affine_map<(d0, d1) -> (0)>
#map1 = affine_map<(d0, d1) -> (0, 0, 0)>
#map2 = affine_map<(d0, d1) -> (0, 0)>
module attributes {stable_mosaic.version = 14 : i64} {
  func.func @_body(%arg0: i32, %arg1: i32, %arg2: memref<32xi32, #tpu.memory_space<hbm>>, %arg3: memref<100x128x4096xf32, #tpu.memory_space<hbm>>, %arg4: memref<8192x16xf32, #tpu.memory_space<hbm>>, %arg5: memref<1024x512x16xf32, #tpu.memory_space<hbm>>, %arg6: memref<48xi32, #tpu.memory_space<vmem>>, %arg7: memref<4x4096xf32, #tpu.memory_space<vmem>>, %arg8: memref<4x4096xf32, #tpu.memory_space<vmem>>, %arg9: memref<4x128xi32, #tpu.memory_space<vmem>>, %arg10: memref<4x128xi32, #tpu.memory_space<vmem>>, %arg11: memref<512x16xf32, #tpu.memory_space<vmem>>, %arg12: memref<512x16xf32, #tpu.memory_space<vmem>>, %arg13: memref<!tpu.dma_semaphore, #tpu.memory_space<semaphore_mem>>, %arg14: memref<!tpu.dma_semaphore, #tpu.memory_space<semaphore_mem>>, %arg15: memref<!tpu.dma_semaphore, #tpu.memory_space<semaphore_mem>>, %arg16: memref<!tpu.dma_semaphore, #tpu.memory_space<semaphore_mem>>, %arg17: memref<!tpu.dma_semaphore, #tpu.memory_space<semaphore_mem>>, %arg18: memref<!tpu.dma_semaphore, #tpu.memory_space<semaphore_mem>>) attributes {dimension_semantics = [#tpu.dimension_semantics<core_parallel>, #tpu.dimension_semantics<subcore_parallel>], iteration_bounds = array<i64: 2, 16>, scalar_prefetch = 0 : i64, scratch_operands = 13 : i64, tpu.core_type = #tpu.core_type<sc_vector_subcore>, window_params = [{transform_indices = #map}, {transform_indices = #map1}, {transform_indices = #map2}, {transform_indices = #map1}]} {
    %mul3A = arith.constant 2 : i32
    %mul3A_0 = arith.muli %arg1, %mul3A : i32
    %add3A = arith.addi %mul3A_0, %arg0 : i32
    %iota3A = tpu.iota {dimensions = array<i32: 0>} : vector<16xi32>
    %add3A_1 = arith.constant 16 : i32
    %add3A_2 = vector.broadcast %add3A_1 : i32 to vector<16xi32>
    %add3A_3 = arith.addi %iota3A, %add3A_2 : vector<16xi32>
    "tpu.region"() ({
      %run_scoped3A = tpu.sem_alloc : memref<!tpu.dma_semaphore, #tpu.memory_space<semaphore_mem>>
      %dma_start3A_128 = arith.constant 0 : i32
      %dma_start3A_129 = tpu.memref_slice %arg6[%dma_start3A_128] : memref<48xi32, #tpu.memory_space<vmem>> -> memref<32xi32, #tpu.memory_space<vmem>>
      %dma_start3A_130 = arith.constant 0 : i32
      %dma_start3A_131 = tpu.memref_slice %arg6[%dma_start3A_130] : memref<48xi32, #tpu.memory_space<vmem>> -> memref<32xi32, #tpu.memory_space<vmem>>
      tpu.enqueue_dma source(%arg2 : memref<32xi32, #tpu.memory_space<hbm>>) target(%dma_start3A_131 : memref<32xi32, #tpu.memory_space<vmem>>) target_semaphore(%run_scoped3A : memref<!tpu.dma_semaphore, #tpu.memory_space<semaphore_mem>>)
      %dma_wait3A_132 = arith.constant 0 : i32
      %dma_wait3A_133 = tpu.memref_slice %arg6[%dma_wait3A_132] : memref<48xi32, #tpu.memory_space<vmem>> -> memref<32xi32, #tpu.memory_space<vmem>>
      %dma_wait3A_134 = arith.constant 0 : i32
      %dma_wait3A_135 = tpu.memref_slice %arg6[%dma_wait3A_134] : memref<48xi32, #tpu.memory_space<vmem>> -> memref<32xi32, #tpu.memory_space<vmem>>
      tpu.wait_dma2 semaphore(%run_scoped3A : memref<!tpu.dma_semaphore, #tpu.memory_space<semaphore_mem>>) src(%arg2 : memref<32xi32, #tpu.memory_space<hbm>>) dst(%dma_wait3A_135 : memref<32xi32, #tpu.memory_space<vmem>>)
      tpu.yield
    }) : () -> ()
    %broadcast_in_dim3A = vector.broadcast %add3A : i32 to vector<16xi32>
    %gather3A = tpu.vector_load_idx %arg6[%broadcast_in_dim3A] : memref<48xi32, #tpu.memory_space<vmem>>[vector<16xi32>], vector<16xi32>,
    %swap3A = arith.constant 32 : index
    %swap3A_4 = tpu.vector_load %arg6[%swap3A] {strides = array<i32>} : memref<48xi32, #tpu.memory_space<vmem>>, vector<16xi32>,
    tpu.vector_store %arg6[%swap3A], %gather3A {strides = array<i32>} : memref<48xi32, #tpu.memory_space<vmem>>, vector<16xi32>,
    %get3A = arith.constant 32 : index
    %get3A_5 = tpu.vector_load %arg6[%get3A] {strides = array<i32>} : memref<48xi32, #tpu.memory_space<vmem>>, vector<16xi32>,
    %slice3A = vector.extract_strided_slice %get3A_5 {offsets = [0], sizes = [1], strides = [1]} : vector<16xi32> to vector<1xi32>
    %squeeze3A = vector.extract %slice3A[0] : i32 from vector<1xi32>
    %shift_right_arithmetic3A = arith.constant 3 : i32
    %shift_right_arithmetic3A_6 = vector.broadcast %shift_right_arithmetic3A : i32 to vector<16xi32>
    %shift_right_arithmetic3A_7 = arith.shrsi %iota3A, %shift_right_arithmetic3A_6 : vector<16xi32>
    %add3A_8 = arith.constant 2 : i32
    %add3A_9 = vector.broadcast %add3A_8 : i32 to vector<16xi32>
    %add3A_10 = arith.addi %shift_right_arithmetic3A_7, %add3A_9 : vector<16xi32>
    %and3A = arith.constant 7 : i32
    %and3A_11 = vector.broadcast %and3A : i32 to vector<16xi32>
    %and3A_12 = arith.andi %iota3A, %and3A_11 : vector<16xi32>
    %shift_left3A = arith.constant 7 : i32
    %shift_left3A_13 = vector.broadcast %shift_left3A : i32 to vector<16xi32>
    %shift_left3A_14 = arith.shli %and3A_12, %shift_left3A_13 : vector<16xi32>
    %min3A = arith.constant 0 : i32
    %min3A_15 = arith.constant 31 : i32
    %min3A_16 = arith.minsi %min3A, %min3A_15 : i32
    %mul3A_17 = arith.constant 4 : i32
    %mul3A_18 = arith.muli %min3A_16, %mul3A_17 : i32
    %dma_start3A = arith.constant 0 : i32
    %dma_start3A_19 = tpu.memref_slice %arg3[%squeeze3A, %mul3A_18, %dma_start3A] : memref<100x128x4096xf32, #tpu.memory_space<hbm>> -> memref<1x4x4096xf32, #tpu.memory_space<hbm>>
    %dma_start3A_20 = tpu.memref_squeeze %dma_start3A_19 : memref<1x4x4096xf32, #tpu.memory_space<hbm>> -> memref<4x4096xf32, #tpu.memory_space<hbm>>
    %dma_start3A_21 = arith.constant 0 : i32
    %dma_start3A_22 = tpu.memref_slice %arg3[%squeeze3A, %mul3A_18, %dma_start3A_21] : memref<100x128x4096xf32, #tpu.memory_space<hbm>> -> memref<1x4x4096xf32, #tpu.memory_space<hbm>>
    %dma_start3A_23 = tpu.memref_squeeze %dma_start3A_22 : memref<1x4x4096xf32, #tpu.memory_space<hbm>> -> memref<4x4096xf32, #tpu.memory_space<hbm>>
    tpu.enqueue_dma source(%dma_start3A_23 : memref<4x4096xf32, #tpu.memory_space<hbm>>) target(%arg7 : memref<4x4096xf32, #tpu.memory_space<vmem>>) target_semaphore(%arg13 : memref<!tpu.dma_semaphore, #tpu.memory_space<semaphore_mem>>)
    %min3A_24 = arith.constant 1 : i32
    %min3A_25 = arith.constant 31 : i32
    %min3A_26 = arith.minsi %min3A_24, %min3A_25 : i32
    %mul3A_27 = arith.constant 4 : i32
    %mul3A_28 = arith.muli %min3A_26, %mul3A_27 : i32
    %dma_start3A_29 = arith.constant 0 : i32
    %dma_start3A_30 = tpu.memref_slice %arg3[%squeeze3A, %mul3A_28, %dma_start3A_29] : memref<100x128x4096xf32, #tpu.memory_space<hbm>> -> memref<1x4x4096xf32, #tpu.memory_space<hbm>>
    %dma_start3A_31 = tpu.memref_squeeze %dma_start3A_30 : memref<1x4x4096xf32, #tpu.memory_space<hbm>> -> memref<4x4096xf32, #tpu.memory_space<hbm>>
    %dma_start3A_32 = arith.constant 0 : i32
    %dma_start3A_33 = tpu.memref_slice %arg3[%squeeze3A, %mul3A_28, %dma_start3A_32] : memref<100x128x4096xf32, #tpu.memory_space<hbm>> -> memref<1x4x4096xf32, #tpu.memory_space<hbm>>
    %dma_start3A_34 = tpu.memref_squeeze %dma_start3A_33 : memref<1x4x4096xf32, #tpu.memory_space<hbm>> -> memref<4x4096xf32, #tpu.memory_space<hbm>>
    tpu.enqueue_dma source(%dma_start3A_34 : memref<4x4096xf32, #tpu.memory_space<hbm>>) target(%arg8 : memref<4x4096xf32, #tpu.memory_space<vmem>>) target_semaphore(%arg14 : memref<!tpu.dma_semaphore, #tpu.memory_space<semaphore_mem>>)
    %scan3A = arith.constant 0 : i32
    %scan3A_35 = arith.constant 0 : i32
    %scan3A_36 = arith.constant 16 : i32
    %scan3A_37 = arith.addi %scan3A_35, %scan3A_36 : i32
    %scan3A_38 = arith.constant 1 : i32
    scf.for %scan3A_128 = %scan3A_35 to %scan3A_37 step %scan3A_38  : i32 {
      %mul3A_129 = arith.constant 2 : i32
      %mul3A_130 = arith.muli %mul3A_129, %scan3A_128 : i32
      %ge3A = arith.constant 1 : i32
      %ge3A_131 = arith.cmpi sge, %scan3A_128, %ge3A : i32
      %ge3A_132 = arith.constant 1 : i32
      %ge3A_133 = arith.cmpi sge, %scan3A_128, %ge3A_132 : i32
      %dma_wait3A_134 = arith.constant 0 : i32
      %dma_wait3A_135 = arith.constant 0 : i32
      %dma_wait3A_136 = arith.constant 0 : i32
      %dma_wait3A_137 = tpu.memref_slice %arg3[%dma_wait3A_134, %dma_wait3A_135, %dma_wait3A_136] : memref<100x128x4096xf32, #tpu.memory_space<hbm>> -> memref<1x4x4096xf32, #tpu.memory_space<hbm>>
      %dma_wait3A_138 = tpu.memref_squeeze %dma_wait3A_137 : memref<1x4x4096xf32, #tpu.memory_space<hbm>> -> memref<4x4096xf32, #tpu.memory_space<hbm>>
      %dma_wait3A_139 = arith.constant 0 : i32
      %dma_wait3A_140 = arith.constant 0 : i32
      %dma_wait3A_141 = tpu.memref_slice %arg3[%dma_wait3A_134, %dma_wait3A_139, %dma_wait3A_140] : memref<100x128x4096xf32, #tpu.memory_space<hbm>> -> memref<1x4x4096xf32, #tpu.memory_space<hbm>>
      %dma_wait3A_142 = tpu.memref_squeeze %dma_wait3A_141 : memref<1x4x4096xf32, #tpu.memory_space<hbm>> -> memref<4x4096xf32, #tpu.memory_space<hbm>>
      tpu.wait_dma2 semaphore(%arg13 : memref<!tpu.dma_semaphore, #tpu.memory_space<semaphore_mem>>) src(%dma_wait3A_142 : memref<4x4096xf32, #tpu.memory_space<hbm>>) dst(%arg7 : memref<4x4096xf32, #tpu.memory_space<vmem>>)
      %broadcast_in_dim3A_143 = arith.constant 0xFF800000 : f32
      %broadcast_in_dim3A_144 = vector.broadcast %broadcast_in_dim3A_143 : f32 to vector<16xf32>
      %broadcast_in_dim3A_145 = arith.constant 0 : i32
      %broadcast_in_dim3A_146 = vector.broadcast %broadcast_in_dim3A_145 : i32 to vector<16xi32>
      %scan3A_147 = arith.constant 0 : i32
      %scan3A_148 = arith.constant 64 : i32
      %scan3A_149 = arith.addi %scan3A_147, %scan3A_148 : i32
      %scan3A_150 = arith.constant 1 : i32
      %scan3A_151:4 = scf.for %scan3A_754 = %scan3A_147 to %scan3A_149 step %scan3A_150 iter_args(%scan3A_755 = %broadcast_in_dim3A_144, %scan3A_756 = %broadcast_in_dim3A_146, %scan3A_757 = %broadcast_in_dim3A_144, %scan3A_758 = %broadcast_in_dim3A_146) -> (vector<16xf32>, vector<16xi32>, vector<16xf32>, vector<16xi32>)  : i32 {
        %mul3A_759 = arith.constant 8 : i32
        %mul3A_760 = arith.muli %scan3A_754, %mul3A_759 : i32
        %add3A_761 = arith.constant 0 : i32
        %add3A_762 = arith.addi %mul3A_760, %add3A_761 : i32
        %broadcast_in_dim3A_763 = vector.broadcast %add3A_762 : i32 to vector<16xi32>
        %xor3A = arith.xori %broadcast_in_dim3A_763, %iota3A : vector<16xi32>
        %and3A_764 = arith.constant 384 : i32
        %and3A_765 = vector.broadcast %and3A_764 : i32 to vector<16xi32>
        %and3A_766 = arith.andi %xor3A, %and3A_765 : vector<16xi32>
        %shift_left3A_767 = arith.constant 3 : i32
        %shift_left3A_768 = vector.broadcast %shift_left3A_767 : i32 to vector<16xi32>
        %shift_left3A_769 = arith.shli %and3A_766, %shift_left3A_768 : vector<16xi32>
        %and3A_770 = arith.constant 127 : i32
        %and3A_771 = vector.broadcast %and3A_770 : i32 to vector<16xi32>
        %and3A_772 = arith.andi %xor3A, %and3A_771 : vector<16xi32>
        %or3A = arith.ori %shift_left3A_769, %and3A_772 : vector<16xi32>
        %add3A_773 = arith.addi %shift_left3A_14, %or3A : vector<16xi32>
        %gather3A_774 = tpu.vector_load_idx %arg7[%shift_right_arithmetic3A_7, %add3A_773] : memref<4x4096xf32, #tpu.memory_space<vmem>>[vector<16xi32>, vector<16xi32>], vector<16xf32>,
        %gather3A_775 = tpu.vector_load_idx %arg7[%add3A_10, %add3A_773] : memref<4x4096xf32, #tpu.memory_space<vmem>>[vector<16xi32>, vector<16xi32>], vector<16xf32>,
        %eq3A = arith.cmpf oeq, %gather3A_774, %scan3A_755 : vector<16xf32>
        %min3A_776 = arith.minsi %scan3A_756, %xor3A : vector<16xi32>
        %select_n3A = arith.select %eq3A, %min3A_776, %scan3A_756 : vector<16xi1>, vector<16xi32>
        %max3A = arith.maximumf %gather3A_774, %scan3A_755 : vector<16xf32>
        %gt3A = arith.cmpf ogt, %gather3A_774, %scan3A_755 : vector<16xf32>
        %select_n3A_777 = arith.select %gt3A, %xor3A, %select_n3A : vector<16xi1>, vector<16xi32>
        %eq3A_778 = arith.cmpf oeq, %gather3A_775, %scan3A_757 : vector<16xf32>
        %min3A_779 = arith.minsi %scan3A_758, %xor3A : vector<16xi32>
        %select_n3A_780 = arith.select %eq3A_778, %min3A_779, %scan3A_758 : vector<16xi1>, vector<16xi32>
        %max3A_781 = arith.maximumf %gather3A_775, %scan3A_757 : vector<16xf32>
        %gt3A_782 = arith.cmpf ogt, %gather3A_775, %scan3A_757 : vector<16xf32>
        %select_n3A_783 = arith.select %gt3A_782, %xor3A, %select_n3A_780 : vector<16xi1>, vector<16xi32>
        %mul3A_784 = arith.constant 8 : i32
        %mul3A_785 = arith.muli %scan3A_754, %mul3A_784 : i32
        %add3A_786 = arith.constant 1 : i32
        %add3A_787 = arith.addi %mul3A_785, %add3A_786 : i32
        %broadcast_in_dim3A_788 = vector.broadcast %add3A_787 : i32 to vector<16xi32>
        %xor3A_789 = arith.xori %broadcast_in_dim3A_788, %iota3A : vector<16xi32>
        %and3A_790 = arith.constant 384 : i32
        %and3A_791 = vector.broadcast %and3A_790 : i32 to vector<16xi32>
        %and3A_792 = arith.andi %xor3A_789, %and3A_791 : vector<16xi32>
        %shift_left3A_793 = arith.constant 3 : i32
        %shift_left3A_794 = vector.broadcast %shift_left3A_793 : i32 to vector<16xi32>
        %shift_left3A_795 = arith.shli %and3A_792, %shift_left3A_794 : vector<16xi32>
        %and3A_796 = arith.constant 127 : i32
        %and3A_797 = vector.broadcast %and3A_796 : i32 to vector<16xi32>
        %and3A_798 = arith.andi %xor3A_789, %and3A_797 : vector<16xi32>
        %or3A_799 = arith.ori %shift_left3A_795, %and3A_798 : vector<16xi32>
        %add3A_800 = arith.addi %shift_left3A_14, %or3A_799 : vector<16xi32>
        %gather3A_801 = tpu.vector_load_idx %arg7[%shift_right_arithmetic3A_7, %add3A_800] : memref<4x4096xf32, #tpu.memory_space<vmem>>[vector<16xi32>, vector<16xi32>], vector<16xf32>,
        %gather3A_802 = tpu.vector_load_idx %arg7[%add3A_10, %add3A_800] : memref<4x4096xf32, #tpu.memory_space<vmem>>[vector<16xi32>, vector<16xi32>], vector<16xf32>,
        %eq3A_803 = arith.cmpf oeq, %gather3A_801, %max3A : vector<16xf32>
        %min3A_804 = arith.minsi %select_n3A_777, %xor3A_789 : vector<16xi32>
        %select_n3A_805 = arith.select %eq3A_803, %min3A_804, %select_n3A_777 : vector<16xi1>, vector<16xi32>
        %max3A_806 = arith.maximumf %gather3A_801, %max3A : vector<16xf32>
        %gt3A_807 = arith.cmpf ogt, %gather3A_801, %max3A : vector<16xf32>
        %select_n3A_808 = arith.select %gt3A_807, %xor3A_789, %select_n3A_805 : vector<16xi1>, vector<16xi32>
        %eq3A_809 = arith.cmpf oeq, %gather3A_802, %max3A_781 : vector<16xf32>
        %min3A_810 = arith.minsi %select_n3A_783, %xor3A_789 : vector<16xi32>
        %select_n3A_811 = arith.select %eq3A_809, %min3A_810, %select_n3A_783 : vector<16xi1>, vector<16xi32>
        %max3A_812 = arith.maximumf %gather3A_802, %max3A_781 : vector<16xf32>
        %gt3A_813 = arith.cmpf ogt, %gather3A_802, %max3A_781 : vector<16xf32>
        %select_n3A_814 = arith.select %gt3A_813, %xor3A_789, %select_n3A_811 : vector<16xi1>, vector<16xi32>
        %mul3A_815 = arith.constant 8 : i32
        %mul3A_816 = arith.muli %scan3A_754, %mul3A_815 : i32
        %add3A_817 = arith.constant 2 : i32
        %add3A_818 = arith.addi %mul3A_816, %add3A_817 : i32
        %broadcast_in_dim3A_819 = vector.broadcast %add3A_818 : i32 to vector<16xi32>
        %xor3A_820 = arith.xori %broadcast_in_dim3A_819, %iota3A : vector<16xi32>
        %and3A_821 = arith.constant 384 : i32
        %and3A_822 = vector.broadcast %and3A_821 : i32 to vector<16xi32>
        %and3A_823 = arith.andi %xor3A_820, %and3A_822 : vector<16xi32>
        %shift_left3A_824 = arith.constant 3 : i32
        %shift_left3A_825 = vector.broadcast %shift_left3A_824 : i32 to vector<16xi32>
        %shift_left3A_826 = arith.shli %and3A_823, %shift_left3A_825 : vector<16xi32>
        %and3A_827 = arith.constant 127 : i32
        %and3A_828 = vector.broadcast %and3A_827 : i32 to vector<16xi32>
        %and3A_829 = arith.andi %xor3A_820, %and3A_828 : vector<16xi32>
        %or3A_830 = arith.ori %shift_left3A_826, %and3A_829 : vector<16xi32>
        %add3A_831 = arith.addi %shift_left3A_14, %or3A_830 : vector<16xi32>
        %gather3A_832 = tpu.vector_load_idx %arg7[%shift_right_arithmetic3A_7, %add3A_831] : memref<4x4096xf32, #tpu.memory_space<vmem>>[vector<16xi32>, vector<16xi32>], vector<16xf32>,
        %gather3A_833 = tpu.vector_load_idx %arg7[%add3A_10, %add3A_831] : memref<4x4096xf32, #tpu.memory_space<vmem>>[vector<16xi32>, vector<16xi32>], vector<16xf32>,
        %eq3A_834 = arith.cmpf oeq, %gather3A_832, %max3A_806 : vector<16xf32>
        %min3A_835 = arith.minsi %select_n3A_808, %xor3A_820 : vector<16xi32>
        %select_n3A_836 = arith.select %eq3A_834, %min3A_835, %select_n3A_808 : vector<16xi1>, vector<16xi32>
        %max3A_837 = arith.maximumf %gather3A_832, %max3A_806 : vector<16xf32>
        %gt3A_838 = arith.cmpf ogt, %gather3A_832, %max3A_806 : vector<16xf32>
        %select_n3A_839 = arith.select %gt3A_838, %xor3A_820, %select_n3A_836 : vector<16xi1>, vector<16xi32>
        %eq3A_840 = arith.cmpf oeq, %gather3A_833, %max3A_812 : vector<16xf32>
        %min3A_841 = arith.minsi %select_n3A_814, %xor3A_820 : vector<16xi32>
        %select_n3A_842 = arith.select %eq3A_840, %min3A_841, %select_n3A_814 : vector<16xi1>, vector<16xi32>
        %max3A_843 = arith.maximumf %gather3A_833, %max3A_812 : vector<16xf32>
        %gt3A_844 = arith.cmpf ogt, %gather3A_833, %max3A_812 : vector<16xf32>
        %select_n3A_845 = arith.select %gt3A_844, %xor3A_820, %select_n3A_842 : vector<16xi1>, vector<16xi32>
        %mul3A_846 = arith.constant 8 : i32
        %mul3A_847 = arith.muli %scan3A_754, %mul3A_846 : i32
        %add3A_848 = arith.constant 3 : i32
        %add3A_849 = arith.addi %mul3A_847, %add3A_848 : i32
        %broadcast_in_dim3A_850 = vector.broadcast %add3A_849 : i32 to vector<16xi32>
        %xor3A_851 = arith.xori %broadcast_in_dim3A_850, %iota3A : vector<16xi32>
        %and3A_852 = arith.constant 384 : i32
        %and3A_853 = vector.broadcast %and3A_852 : i32 to vector<16xi32>
        %and3A_854 = arith.andi %xor3A_851, %and3A_853 : vector<16xi32>
        %shift_left3A_855 = arith.constant 3 : i32
        %shift_left3A_856 = vector.broadcast %shift_left3A_855 : i32 to vector<16xi32>
        %shift_left3A_857 = arith.shli %and3A_854, %shift_left3A_856 : vector<16xi32>
        %and3A_858 = arith.constant 127 : i32
        %and3A_859 = vector.broadcast %and3A_858 : i32 to vector<16xi32>
        %and3A_860 = arith.andi %xor3A_851, %and3A_859 : vector<16xi32>
        %or3A_861 = arith.ori %shift_left3A_857, %and3A_860 : vector<16xi32>
        %add3A_862 = arith.addi %shift_left3A_14, %or3A_861 : vector<16xi32>
        %gather3A_863 = tpu.vector_load_idx %arg7[%shift_right_arithmetic3A_7, %add3A_862] : memref<4x4096xf32, #tpu.memory_space<vmem>>[vector<16xi32>, vector<16xi32>], vector<16xf32>,
        %gather3A_864 = tpu.vector_load_idx %arg7[%add3A_10, %add3A_862] : memref<4x4096xf32, #tpu.memory_space<vmem>>[vector<16xi32>, vector<16xi32>], vector<16xf32>,
        %eq3A_865 = arith.cmpf oeq, %gather3A_863, %max3A_837 : vector<16xf32>
        %min3A_866 = arith.minsi %select_n3A_839, %xor3A_851 : vector<16xi32>
        %select_n3A_867 = arith.select %eq3A_865, %min3A_866, %select_n3A_839 : vector<16xi1>, vector<16xi32>
        %max3A_868 = arith.maximumf %gather3A_863, %max3A_837 : vector<16xf32>
        %gt3A_869 = arith.cmpf ogt, %gather3A_863, %max3A_837 : vector<16xf32>
        %select_n3A_870 = arith.select %gt3A_869, %xor3A_851, %select_n3A_867 : vector<16xi1>, vector<16xi32>
        %eq3A_871 = arith.cmpf oeq, %gather3A_864, %max3A_843 : vector<16xf32>
        %min3A_872 = arith.minsi %select_n3A_845, %xor3A_851 : vector<16xi32>
        %select_n3A_873 = arith.select %eq3A_871, %min3A_872, %select_n3A_845 : vector<16xi1>, vector<16xi32>
        %max3A_874 = arith.maximumf %gather3A_864, %max3A_843 : vector<16xf32>
        %gt3A_875 = arith.cmpf ogt, %gather3A_864, %max3A_843 : vector<16xf32>
        %select_n3A_876 = arith.select %gt3A_875, %xor3A_851, %select_n3A_873 : vector<16xi1>, vector<16xi32>
        %mul3A_877 = arith.constant 8 : i32
        %mul3A_878 = arith.muli %scan3A_754, %mul3A_877 : i32
        %add3A_879 = arith.constant 4 : i32
        %add3A_880 = arith.addi %mul3A_878, %add3A_879 : i32
        %broadcast_in_dim3A_881 = vector.broadcast %add3A_880 : i32 to vector<16xi32>
        %xor3A_882 = arith.xori %broadcast_in_dim3A_881, %iota3A : vector<16xi32>
        %and3A_883 = arith.constant 384 : i32
        %and3A_884 = vector.broadcast %and3A_883 : i32 to vector<16xi32>
        %and3A_885 = arith.andi %xor3A_882, %and3A_884 : vector<16xi32>
        %shift_left3A_886 = arith.constant 3 : i32
        %shift_left3A_887 = vector.broadcast %shift_left3A_886 : i32 to vector<16xi32>
        %shift_left3A_888 = arith.shli %and3A_885, %shift_left3A_887 : vector<16xi32>
        %and3A_889 = arith.constant 127 : i32
        %and3A_890 = vector.broadcast %and3A_889 : i32 to vector<16xi32>
        %and3A_891 = arith.andi %xor3A_882, %and3A_890 : vector<16xi32>
        %or3A_892 = arith.ori %shift_left3A_888, %and3A_891 : vector<16xi32>
        %add3A_893 = arith.addi %shift_left3A_14, %or3A_892 : vector<16xi32>
        %gather3A_894 = tpu.vector_load_idx %arg7[%shift_right_arithmetic3A_7, %add3A_893] : memref<4x4096xf32, #tpu.memory_space<vmem>>[vector<16xi32>, vector<16xi32>], vector<16xf32>,
        %gather3A_895 = tpu.vector_load_idx %arg7[%add3A_10, %add3A_893] : memref<4x4096xf32, #tpu.memory_space<vmem>>[vector<16xi32>, vector<16xi32>], vector<16xf32>,
        %eq3A_896 = arith.cmpf oeq, %gather3A_894, %max3A_868 : vector<16xf32>
        %min3A_897 = arith.minsi %select_n3A_870, %xor3A_882 : vector<16xi32>
        %select_n3A_898 = arith.select %eq3A_896, %min3A_897, %select_n3A_870 : vector<16xi1>, vector<16xi32>
        %max3A_899 = arith.maximumf %gather3A_894, %max3A_868 : vector<16xf32>
        %gt3A_900 = arith.cmpf ogt, %gather3A_894, %max3A_868 : vector<16xf32>
        %select_n3A_901 = arith.select %gt3A_900, %xor3A_882, %select_n3A_898 : vector<16xi1>, vector<16xi32>
        %eq3A_902 = arith.cmpf oeq, %gather3A_895, %max3A_874 : vector<16xf32>
        %min3A_903 = arith.minsi %select_n3A_876, %xor3A_882 : vector<16xi32>
        %select_n3A_904 = arith.select %eq3A_902, %min3A_903, %select_n3A_876 : vector<16xi1>, vector<16xi32>
        %max3A_905 = arith.maximumf %gather3A_895, %max3A_874 : vector<16xf32>
        %gt3A_906 = arith.cmpf ogt, %gather3A_895, %max3A_874 : vector<16xf32>
        %select_n3A_907 = arith.select %gt3A_906, %xor3A_882, %select_n3A_904 : vector<16xi1>, vector<16xi32>
        %mul3A_908 = arith.constant 8 : i32
        %mul3A_909 = arith.muli %scan3A_754, %mul3A_908 : i32
        %add3A_910 = arith.constant 5 : i32
        %add3A_911 = arith.addi %mul3A_909, %add3A_910 : i32
        %broadcast_in_dim3A_912 = vector.broadcast %add3A_911 : i32 to vector<16xi32>
        %xor3A_913 = arith.xori %broadcast_in_dim3A_912, %iota3A : vector<16xi32>
        %and3A_914 = arith.constant 384 : i32
        %and3A_915 = vector.broadcast %and3A_914 : i32 to vector<16xi32>
        %and3A_916 = arith.andi %xor3A_913, %and3A_915 : vector<16xi32>
        %shift_left3A_917 = arith.constant 3 : i32
        %shift_left3A_918 = vector.broadcast %shift_left3A_917 : i32 to vector<16xi32>
        %shift_left3A_919 = arith.shli %and3A_916, %shift_left3A_918 : vector<16xi32>
        %and3A_920 = arith.constant 127 : i32
        %and3A_921 = vector.broadcast %and3A_920 : i32 to vector<16xi32>
        %and3A_922 = arith.andi %xor3A_913, %and3A_921 : vector<16xi32>
        %or3A_923 = arith.ori %shift_left3A_919, %and3A_922 : vector<16xi32>
        %add3A_924 = arith.addi %shift_left3A_14, %or3A_923 : vector<16xi32>
        %gather3A_925 = tpu.vector_load_idx %arg7[%shift_right_arithmetic3A_7, %add3A_924] : memref<4x4096xf32, #tpu.memory_space<vmem>>[vector<16xi32>, vector<16xi32>], vector<16xf32>,
        %gather3A_926 = tpu.vector_load_idx %arg7[%add3A_10, %add3A_924] : memref<4x4096xf32, #tpu.memory_space<vmem>>[vector<16xi32>, vector<16xi32>], vector<16xf32>,
        %eq3A_927 = arith.cmpf oeq, %gather3A_925, %max3A_899 : vector<16xf32>
        %min3A_928 = arith.minsi %select_n3A_901, %xor3A_913 : vector<16xi32>
        %select_n3A_929 = arith.select %eq3A_927, %min3A_928, %select_n3A_901 : vector<16xi1>, vector<16xi32>
        %max3A_930 = arith.maximumf %gather3A_925, %max3A_899 : vector<16xf32>
        %gt3A_931 = arith.cmpf ogt, %gather3A_925, %max3A_899 : vector<16xf32>
        %select_n3A_932 = arith.select %gt3A_931, %xor3A_913, %select_n3A_929 : vector<16xi1>, vector<16xi32>
        %eq3A_933 = arith.cmpf oeq, %gather3A_926, %max3A_905 : vector<16xf32>
        %min3A_934 = arith.minsi %select_n3A_907, %xor3A_913 : vector<16xi32>
        %select_n3A_935 = arith.select %eq3A_933, %min3A_934, %select_n3A_907 : vector<16xi1>, vector<16xi32>
        %max3A_936 = arith.maximumf %gather3A_926, %max3A_905 : vector<16xf32>
        %gt3A_937 = arith.cmpf ogt, %gather3A_926, %max3A_905 : vector<16xf32>
        %select_n3A_938 = arith.select %gt3A_937, %xor3A_913, %select_n3A_935 : vector<16xi1>, vector<16xi32>
        %mul3A_939 = arith.constant 8 : i32
        %mul3A_940 = arith.muli %scan3A_754, %mul3A_939 : i32
        %add3A_941 = arith.constant 6 : i32
        %add3A_942 = arith.addi %mul3A_940, %add3A_941 : i32
        %broadcast_in_dim3A_943 = vector.broadcast %add3A_942 : i32 to vector<16xi32>
        %xor3A_944 = arith.xori %broadcast_in_dim3A_943, %iota3A : vector<16xi32>
        %and3A_945 = arith.constant 384 : i32
        %and3A_946 = vector.broadcast %and3A_945 : i32 to vector<16xi32>
        %and3A_947 = arith.andi %xor3A_944, %and3A_946 : vector<16xi32>
        %shift_left3A_948 = arith.constant 3 : i32
        %shift_left3A_949 = vector.broadcast %shift_left3A_948 : i32 to vector<16xi32>
        %shift_left3A_950 = arith.shli %and3A_947, %shift_left3A_949 : vector<16xi32>
        %and3A_951 = arith.constant 127 : i32
        %and3A_952 = vector.broadcast %and3A_951 : i32 to vector<16xi32>
        %and3A_953 = arith.andi %xor3A_944, %and3A_952 : vector<16xi32>
        %or3A_954 = arith.ori %shift_left3A_950, %and3A_953 : vector<16xi32>
        %add3A_955 = arith.addi %shift_left3A_14, %or3A_954 : vector<16xi32>
        %gather3A_956 = tpu.vector_load_idx %arg7[%shift_right_arithmetic3A_7, %add3A_955] : memref<4x4096xf32, #tpu.memory_space<vmem>>[vector<16xi32>, vector<16xi32>], vector<16xf32>,
        %gather3A_957 = tpu.vector_load_idx %arg7[%add3A_10, %add3A_955] : memref<4x4096xf32, #tpu.memory_space<vmem>>[vector<16xi32>, vector<16xi32>], vector<16xf32>,
        %eq3A_958 = arith.cmpf oeq, %gather3A_956, %max3A_930 : vector<16xf32>
        %min3A_959 = arith.minsi %select_n3A_932, %xor3A_944 : vector<16xi32>
        %select_n3A_960 = arith.select %eq3A_958, %min3A_959, %select_n3A_932 : vector<16xi1>, vector<16xi32>
        %max3A_961 = arith.maximumf %gather3A_956, %max3A_930 : vector<16xf32>
        %gt3A_962 = arith.cmpf ogt, %gather3A_956, %max3A_930 : vector<16xf32>
        %select_n3A_963 = arith.select %gt3A_962, %xor3A_944, %select_n3A_960 : vector<16xi1>, vector<16xi32>
        %eq3A_964 = arith.cmpf oeq, %gather3A_957, %max3A_936 : vector<16xf32>
        %min3A_965 = arith.minsi %select_n3A_938, %xor3A_944 : vector<16xi32>
        %select_n3A_966 = arith.select %eq3A_964, %min3A_965, %select_n3A_938 : vector<16xi1>, vector<16xi32>
        %max3A_967 = arith.maximumf %gather3A_957, %max3A_936 : vector<16xf32>
        %gt3A_968 = arith.cmpf ogt, %gather3A_957, %max3A_936 : vector<16xf32>
        %select_n3A_969 = arith.select %gt3A_968, %xor3A_944, %select_n3A_966 : vector<16xi1>, vector<16xi32>
        %mul3A_970 = arith.constant 8 : i32
        %mul3A_971 = arith.muli %scan3A_754, %mul3A_970 : i32
        %add3A_972 = arith.constant 7 : i32
        %add3A_973 = arith.addi %mul3A_971, %add3A_972 : i32
        %broadcast_in_dim3A_974 = vector.broadcast %add3A_973 : i32 to vector<16xi32>
        %xor3A_975 = arith.xori %broadcast_in_dim3A_974, %iota3A : vector<16xi32>
        %and3A_976 = arith.constant 384 : i32
        %and3A_977 = vector.broadcast %and3A_976 : i32 to vector<16xi32>
        %and3A_978 = arith.andi %xor3A_975, %and3A_977 : vector<16xi32>
        %shift_left3A_979 = arith.constant 3 : i32
        %shift_left3A_980 = vector.broadcast %shift_left3A_979 : i32 to vector<16xi32>
        %shift_left3A_981 = arith.shli %and3A_978, %shift_left3A_980 : vector<16xi32>
        %and3A_982 = arith.constant 127 : i32
        %and3A_983 = vector.broadcast %and3A_982 : i32 to vector<16xi32>
        %and3A_984 = arith.andi %xor3A_975, %and3A_983 : vector<16xi32>
        %or3A_985 = arith.ori %shift_left3A_981, %and3A_984 : vector<16xi32>
        %add3A_986 = arith.addi %shift_left3A_14, %or3A_985 : vector<16xi32>
        %gather3A_987 = tpu.vector_load_idx %arg7[%shift_right_arithmetic3A_7, %add3A_986] : memref<4x4096xf32, #tpu.memory_space<vmem>>[vector<16xi32>, vector<16xi32>], vector<16xf32>,
        %gather3A_988 = tpu.vector_load_idx %arg7[%add3A_10, %add3A_986] : memref<4x4096xf32, #tpu.memory_space<vmem>>[vector<16xi32>, vector<16xi32>], vector<16xf32>,
        %eq3A_989 = arith.cmpf oeq, %gather3A_987, %max3A_961 : vector<16xf32>
        %min3A_990 = arith.minsi %select_n3A_963, %xor3A_975 : vector<16xi32>
        %select_n3A_991 = arith.select %eq3A_989, %min3A_990, %select_n3A_963 : vector<16xi1>, vector<16xi32>
        %max3A_992 = arith.maximumf %gather3A_987, %max3A_961 : vector<16xf32>
        %gt3A_993 = arith.cmpf ogt, %gather3A_987, %max3A_961 : vector<16xf32>
        %select_n3A_994 = arith.select %gt3A_993, %xor3A_975, %select_n3A_991 : vector<16xi1>, vector<16xi32>
        %eq3A_995 = arith.cmpf oeq, %gather3A_988, %max3A_967 : vector<16xf32>
        %min3A_996 = arith.minsi %select_n3A_969, %xor3A_975 : vector<16xi32>
        %select_n3A_997 = arith.select %eq3A_995, %min3A_996, %select_n3A_969 : vector<16xi1>, vector<16xi32>
        %max3A_998 = arith.maximumf %gather3A_988, %max3A_967 : vector<16xf32>
        %gt3A_999 = arith.cmpf ogt, %gather3A_988, %max3A_967 : vector<16xf32>
        %select_n3A_1000 = arith.select %gt3A_999, %xor3A_975, %select_n3A_997 : vector<16xi1>, vector<16xi32>
        scf.yield %max3A_992, %select_n3A_994, %max3A_998, %select_n3A_1000 : vector<16xf32>, vector<16xi32>, vector<16xf32>, vector<16xi32>
      }
      %scan3A_152 = arith.constant 64 : i32
      %add3A_153 = arith.constant 2 : i32
      %add3A_154 = arith.addi %mul3A_130, %add3A_153 : i32
      %min3A_155 = arith.constant 31 : i32
      %min3A_156 = arith.minsi %add3A_154, %min3A_155 : i32
      %mul3A_157 = arith.constant 4 : i32
      %mul3A_158 = arith.muli %min3A_156, %mul3A_157 : i32
      %dma_start3A_159 = arith.constant 0 : i32
      %dma_start3A_160 = tpu.memref_slice %arg3[%squeeze3A, %mul3A_158, %dma_start3A_159] : memref<100x128x4096xf32, #tpu.memory_space<hbm>> -> memref<1x4x4096xf32, #tpu.memory_space<hbm>>
      %dma_start3A_161 = tpu.memref_squeeze %dma_start3A_160 : memref<1x4x4096xf32, #tpu.memory_space<hbm>> -> memref<4x4096xf32, #tpu.memory_space<hbm>>
      %dma_start3A_162 = arith.constant 0 : i32
      %dma_start3A_163 = tpu.memref_slice %arg3[%squeeze3A, %mul3A_158, %dma_start3A_162] : memref<100x128x4096xf32, #tpu.memory_space<hbm>> -> memref<1x4x4096xf32, #tpu.memory_space<hbm>>
      %dma_start3A_164 = tpu.memref_squeeze %dma_start3A_163 : memref<1x4x4096xf32, #tpu.memory_space<hbm>> -> memref<4x4096xf32, #tpu.memory_space<hbm>>
      tpu.enqueue_dma source(%dma_start3A_164 : memref<4x4096xf32, #tpu.memory_space<hbm>>) target(%arg7 : memref<4x4096xf32, #tpu.memory_space<vmem>>) target_semaphore(%arg13 : memref<!tpu.dma_semaphore, #tpu.memory_space<semaphore_mem>>)
      %convert_element_type3A = arith.extui %ge3A_131 : i1 to i32
      %cond3A = arith.constant 0 : i32
      %cond3A_165 = arith.cmpi ne, %convert_element_type3A, %cond3A : i32
      scf.if %cond3A_165 {
        %dma_wait3A_754 = arith.constant 0 : i32
        %dma_wait3A_755 = arith.constant 0 : i32
        %dma_wait3A_756 = arith.constant 0 : i32
        %dma_wait3A_757 = tpu.memref_slice %arg5[%dma_wait3A_754, %dma_wait3A_755, %dma_wait3A_756] : memref<1024x512x16xf32, #tpu.memory_space<hbm>> -> memref<1x512x16xf32, #tpu.memory_space<hbm>>
        %dma_wait3A_758 = tpu.memref_squeeze %dma_wait3A_757 : memref<1x512x16xf32, #tpu.memory_space<hbm>> -> memref<512x16xf32, #tpu.memory_space<hbm>>
        %dma_wait3A_759 = arith.constant 0 : i32
        %dma_wait3A_760 = arith.constant 0 : i32
        %dma_wait3A_761 = tpu.memref_slice %arg5[%dma_wait3A_754, %dma_wait3A_759, %dma_wait3A_760] : memref<1024x512x16xf32, #tpu.memory_space<hbm>> -> memref<1x512x16xf32, #tpu.memory_space<hbm>>
        %dma_wait3A_762 = tpu.memref_squeeze %dma_wait3A_761 : memref<1x512x16xf32, #tpu.memory_space<hbm>> -> memref<512x16xf32, #tpu.memory_space<hbm>>
        tpu.wait_dma2 semaphore(%arg17 : memref<!tpu.dma_semaphore, #tpu.memory_space<semaphore_mem>>) src(%arg11 : memref<512x16xf32, #tpu.memory_space<vmem>>) dst(%dma_wait3A_762 : memref<512x16xf32, #tpu.memory_space<hbm>>)
      } else {
      }
      %mul3A_166 = arith.constant 16 : i32
      %mul3A_167 = vector.broadcast %mul3A_166 : i32 to vector<16xi32>
      %mul3A_168 = arith.muli %scan3A_151#1, %mul3A_167 : vector<16xi32>
      %mul3A_169 = arith.constant 16 : i32
      %mul3A_170 = vector.broadcast %mul3A_169 : i32 to vector<16xi32>
      %mul3A_171 = arith.muli %scan3A_151#3, %mul3A_170 : vector<16xi32>
      %add3A_172 = arith.constant 0 : i32
      %add3A_173 = vector.broadcast %add3A_172 : i32 to vector<16xi32>
      %add3A_174 = arith.addi %mul3A_168, %add3A_173 : vector<16xi32>
      %swap3A_175 = arith.constant 0 : i32
      %swap3A_176 = arith.index_cast %swap3A_175 : i32 to index
      %swap3A_177 = arith.constant 0 : index
      %swap3A_178 = tpu.vector_load %arg9[%swap3A_176, %swap3A_177] {strides = array<i32>} : memref<4x128xi32, #tpu.memory_space<vmem>>, vector<16xi32>,
      tpu.vector_store %arg9[%swap3A_176, %swap3A_177], %add3A_174 {strides = array<i32>} : memref<4x128xi32, #tpu.memory_space<vmem>>, vector<16xi32>,
      %add3A_179 = arith.constant 0 : i32
      %add3A_180 = vector.broadcast %add3A_179 : i32 to vector<16xi32>
      %add3A_181 = arith.addi %mul3A_171, %add3A_180 : vector<16xi32>
      %swap3A_182 = arith.constant 0 : i32
      %swap3A_183 = arith.index_cast %swap3A_182 : i32 to index
      %swap3A_184 = arith.constant 16 : index
      %swap3A_185 = tpu.vector_load %arg9[%swap3A_183, %swap3A_184] {strides = array<i32>} : memref<4x128xi32, #tpu.memory_space<vmem>>, vector<16xi32>,
      tpu.vector_store %arg9[%swap3A_183, %swap3A_184], %add3A_181 {strides = array<i32>} : memref<4x128xi32, #tpu.memory_space<vmem>>, vector<16xi32>,
      %add3A_186 = arith.constant 1 : i32
      %add3A_187 = vector.broadcast %add3A_186 : i32 to vector<16xi32>
      %add3A_188 = arith.addi %mul3A_168, %add3A_187 : vector<16xi32>
      %swap3A_189 = arith.constant 0 : i32
      %swap3A_190 = arith.index_cast %swap3A_189 : i32 to index
      %swap3A_191 = arith.constant 32 : index
      %swap3A_192 = tpu.vector_load %arg9[%swap3A_190, %swap3A_191] {strides = array<i32>} : memref<4x128xi32, #tpu.memory_space<vmem>>, vector<16xi32>,
      tpu.vector_store %arg9[%swap3A_190, %swap3A_191], %add3A_188 {strides = array<i32>} : memref<4x128xi32, #tpu.memory_space<vmem>>, vector<16xi32>,
      %add3A_193 = arith.constant 1 : i32
      %add3A_194 = vector.broadcast %add3A_193 : i32 to vector<16xi32>
      %add3A_195 = arith.addi %mul3A_171, %add3A_194 : vector<16xi32>
      %swap3A_196 = arith.constant 0 : i32
      %swap3A_197 = arith.index_cast %swap3A_196 : i32 to index
      %swap3A_198 = arith.constant 48 : index
      %swap3A_199 = tpu.vector_load %arg9[%swap3A_197, %swap3A_198] {strides = array<i32>} : memref<4x128xi32, #tpu.memory_space<vmem>>, vector<16xi32>,
      tpu.vector_store %arg9[%swap3A_197, %swap3A_198], %add3A_195 {strides = array<i32>} : memref<4x128xi32, #tpu.memory_space<vmem>>, vector<16xi32>,
      %add3A_200 = arith.constant 2 : i32
      %add3A_201 = vector.broadcast %add3A_200 : i32 to vector<16xi32>
      %add3A_202 = arith.addi %mul3A_168, %add3A_201 : vector<16xi32>
      %swap3A_203 = arith.constant 0 : i32
      %swap3A_204 = arith.index_cast %swap3A_203 : i32 to index
      %swap3A_205 = arith.constant 64 : index
      %swap3A_206 = tpu.vector_load %arg9[%swap3A_204, %swap3A_205] {strides = array<i32>} : memref<4x128xi32, #tpu.memory_space<vmem>>, vector<16xi32>,
      tpu.vector_store %arg9[%swap3A_204, %swap3A_205], %add3A_202 {strides = array<i32>} : memref<4x128xi32, #tpu.memory_space<vmem>>, vector<16xi32>,
      %add3A_207 = arith.constant 2 : i32
      %add3A_208 = vector.broadcast %add3A_207 : i32 to vector<16xi32>
      %add3A_209 = arith.addi %mul3A_171, %add3A_208 : vector<16xi32>
      %swap3A_210 = arith.constant 0 : i32
      %swap3A_211 = arith.index_cast %swap3A_210 : i32 to index
      %swap3A_212 = arith.constant 80 : index
      %swap3A_213 = tpu.vector_load %arg9[%swap3A_211, %swap3A_212] {strides = array<i32>} : memref<4x128xi32, #tpu.memory_space<vmem>>, vector<16xi32>,
      tpu.vector_store %arg9[%swap3A_211, %swap3A_212], %add3A_209 {strides = array<i32>} : memref<4x128xi32, #tpu.memory_space<vmem>>, vector<16xi32>,
      %add3A_214 = arith.constant 3 : i32
      %add3A_215 = vector.broadcast %add3A_214 : i32 to vector<16xi32>
      %add3A_216 = arith.addi %mul3A_168, %add3A_215 : vector<16xi32>
      %swap3A_217 = arith.constant 0 : i32
      %swap3A_218 = arith.index_cast %swap3A_217 : i32 to index
      %swap3A_219 = arith.constant 96 : index
      %swap3A_220 = tpu.vector_load %arg9[%swap3A_218, %swap3A_219] {strides = array<i32>} : memref<4x128xi32, #tpu.memory_space<vmem>>, vector<16xi32>,
      tpu.vector_store %arg9[%swap3A_218, %swap3A_219], %add3A_216 {strides = array<i32>} : memref<4x128xi32, #tpu.memory_space<vmem>>, vector<16xi32>,
      %add3A_221 = arith.constant 3 : i32
      %add3A_222 = vector.broadcast %add3A_221 : i32 to vector<16xi32>
      %add3A_223 = arith.addi %mul3A_171, %add3A_222 : vector<16xi32>
      %swap3A_224 = arith.constant 0 : i32
      %swap3A_225 = arith.index_cast %swap3A_224 : i32 to index
      %swap3A_226 = arith.constant 112 : index
      %swap3A_227 = tpu.vector_load %arg9[%swap3A_225, %swap3A_226] {strides = array<i32>} : memref<4x128xi32, #tpu.memory_space<vmem>>, vector<16xi32>,
      tpu.vector_store %arg9[%swap3A_225, %swap3A_226], %add3A_223 {strides = array<i32>} : memref<4x128xi32, #tpu.memory_space<vmem>>, vector<16xi32>,
      %add3A_228 = arith.constant 4 : i32
      %add3A_229 = vector.broadcast %add3A_228 : i32 to vector<16xi32>
      %add3A_230 = arith.addi %mul3A_168, %add3A_229 : vector<16xi32>
      %swap3A_231 = arith.constant 1 : i32
      %swap3A_232 = arith.index_cast %swap3A_231 : i32 to index
      %swap3A_233 = arith.constant 0 : index
      %swap3A_234 = tpu.vector_load %arg9[%swap3A_232, %swap3A_233] {strides = array<i32>} : memref<4x128xi32, #tpu.memory_space<vmem>>, vector<16xi32>,
      tpu.vector_store %arg9[%swap3A_232, %swap3A_233], %add3A_230 {strides = array<i32>} : memref<4x128xi32, #tpu.memory_space<vmem>>, vector<16xi32>,
      %add3A_235 = arith.constant 4 : i32
      %add3A_236 = vector.broadcast %add3A_235 : i32 to vector<16xi32>
      %add3A_237 = arith.addi %mul3A_171, %add3A_236 : vector<16xi32>
      %swap3A_238 = arith.constant 1 : i32
      %swap3A_239 = arith.index_cast %swap3A_238 : i32 to index
      %swap3A_240 = arith.constant 16 : index
      %swap3A_241 = tpu.vector_load %arg9[%swap3A_239, %swap3A_240] {strides = array<i32>} : memref<4x128xi32, #tpu.memory_space<vmem>>, vector<16xi32>,
      tpu.vector_store %arg9[%swap3A_239, %swap3A_240], %add3A_237 {strides = array<i32>} : memref<4x128xi32, #tpu.memory_space<vmem>>, vector<16xi32>,
      %add3A_242 = arith.constant 5 : i32
      %add3A_243 = vector.broadcast %add3A_242 : i32 to vector<16xi32>
      %add3A_244 = arith.addi %mul3A_168, %add3A_243 : vector<16xi32>
      %swap3A_245 = arith.constant 1 : i32
      %swap3A_246 = arith.index_cast %swap3A_245 : i32 to index
      %swap3A_247 = arith.constant 32 : index
      %swap3A_248 = tpu.vector_load %arg9[%swap3A_246, %swap3A_247] {strides = array<i32>} : memref<4x128xi32, #tpu.memory_space<vmem>>, vector<16xi32>,
      tpu.vector_store %arg9[%swap3A_246, %swap3A_247], %add3A_244 {strides = array<i32>} : memref<4x128xi32, #tpu.memory_space<vmem>>, vector<16xi32>,
      %add3A_249 = arith.constant 5 : i32
      %add3A_250 = vector.broadcast %add3A_249 : i32 to vector<16xi32>
      %add3A_251 = arith.addi %mul3A_171, %add3A_250 : vector<16xi32>
      %swap3A_252 = arith.constant 1 : i32
      %swap3A_253 = arith.index_cast %swap3A_252 : i32 to index
      %swap3A_254 = arith.constant 48 : index
      %swap3A_255 = tpu.vector_load %arg9[%swap3A_253, %swap3A_254] {strides = array<i32>} : memref<4x128xi32, #tpu.memory_space<vmem>>, vector<16xi32>,
      tpu.vector_store %arg9[%swap3A_253, %swap3A_254], %add3A_251 {strides = array<i32>} : memref<4x128xi32, #tpu.memory_space<vmem>>, vector<16xi32>,
      %add3A_256 = arith.constant 6 : i32
      %add3A_257 = vector.broadcast %add3A_256 : i32 to vector<16xi32>
      %add3A_258 = arith.addi %mul3A_168, %add3A_257 : vector<16xi32>
      %swap3A_259 = arith.constant 1 : i32
      %swap3A_260 = arith.index_cast %swap3A_259 : i32 to index
      %swap3A_261 = arith.constant 64 : index
      %swap3A_262 = tpu.vector_load %arg9[%swap3A_260, %swap3A_261] {strides = array<i32>} : memref<4x128xi32, #tpu.memory_space<vmem>>, vector<16xi32>,
      tpu.vector_store %arg9[%swap3A_260, %swap3A_261], %add3A_258 {strides = array<i32>} : memref<4x128xi32, #tpu.memory_space<vmem>>, vector<16xi32>,
      %add3A_263 = arith.constant 6 : i32
      %add3A_264 = vector.broadcast %add3A_263 : i32 to vector<16xi32>
      %add3A_265 = arith.addi %mul3A_171, %add3A_264 : vector<16xi32>
      %swap3A_266 = arith.constant 1 : i32
      %swap3A_267 = arith.index_cast %swap3A_266 : i32 to index
      %swap3A_268 = arith.constant 80 : index
      %swap3A_269 = tpu.vector_load %arg9[%swap3A_267, %swap3A_268] {strides = array<i32>} : memref<4x128xi32, #tpu.memory_space<vmem>>, vector<16xi32>,
      tpu.vector_store %arg9[%swap3A_267, %swap3A_268], %add3A_265 {strides = array<i32>} : memref<4x128xi32, #tpu.memory_space<vmem>>, vector<16xi32>,
      %add3A_270 = arith.constant 7 : i32
      %add3A_271 = vector.broadcast %add3A_270 : i32 to vector<16xi32>
      %add3A_272 = arith.addi %mul3A_168, %add3A_271 : vector<16xi32>
      %swap3A_273 = arith.constant 1 : i32
      %swap3A_274 = arith.index_cast %swap3A_273 : i32 to index
      %swap3A_275 = arith.constant 96 : index
      %swap3A_276 = tpu.vector_load %arg9[%swap3A_274, %swap3A_275] {strides = array<i32>} : memref<4x128xi32, #tpu.memory_space<vmem>>, vector<16xi32>,
      tpu.vector_store %arg9[%swap3A_274, %swap3A_275], %add3A_272 {strides = array<i32>} : memref<4x128xi32, #tpu.memory_space<vmem>>, vector<16xi32>,
      %add3A_277 = arith.constant 7 : i32
      %add3A_278 = vector.broadcast %add3A_277 : i32 to vector<16xi32>
      %add3A_279 = arith.addi %mul3A_171, %add3A_278 : vector<16xi32>
      %swap3A_280 = arith.constant 1 : i32
      %swap3A_281 = arith.index_cast %swap3A_280 : i32 to index
      %swap3A_282 = arith.constant 112 : index
      %swap3A_283 = tpu.vector_load %arg9[%swap3A_281, %swap3A_282] {strides = array<i32>} : memref<4x128xi32, #tpu.memory_space<vmem>>, vector<16xi32>,
      tpu.vector_store %arg9[%swap3A_281, %swap3A_282], %add3A_279 {strides = array<i32>} : memref<4x128xi32, #tpu.memory_space<vmem>>, vector<16xi32>,
      %add3A_284 = arith.constant 8 : i32
      %add3A_285 = vector.broadcast %add3A_284 : i32 to vector<16xi32>
      %add3A_286 = arith.addi %mul3A_168, %add3A_285 : vector<16xi32>
      %swap3A_287 = arith.constant 2 : i32
      %swap3A_288 = arith.index_cast %swap3A_287 : i32 to index
      %swap3A_289 = arith.constant 0 : index
      %swap3A_290 = tpu.vector_load %arg9[%swap3A_288, %swap3A_289] {strides = array<i32>} : memref<4x128xi32, #tpu.memory_space<vmem>>, vector<16xi32>,
      tpu.vector_store %arg9[%swap3A_288, %swap3A_289], %add3A_286 {strides = array<i32>} : memref<4x128xi32, #tpu.memory_space<vmem>>, vector<16xi32>,
      %add3A_291 = arith.constant 8 : i32
      %add3A_292 = vector.broadcast %add3A_291 : i32 to vector<16xi32>
      %add3A_293 = arith.addi %mul3A_171, %add3A_292 : vector<16xi32>
      %swap3A_294 = arith.constant 2 : i32
      %swap3A_295 = arith.index_cast %swap3A_294 : i32 to index
      %swap3A_296 = arith.constant 16 : index
      %swap3A_297 = tpu.vector_load %arg9[%swap3A_295, %swap3A_296] {strides = array<i32>} : memref<4x128xi32, #tpu.memory_space<vmem>>, vector<16xi32>,
      tpu.vector_store %arg9[%swap3A_295, %swap3A_296], %add3A_293 {strides = array<i32>} : memref<4x128xi32, #tpu.memory_space<vmem>>, vector<16xi32>,
      %add3A_298 = arith.constant 9 : i32
      %add3A_299 = vector.broadcast %add3A_298 : i32 to vector<16xi32>
      %add3A_300 = arith.addi %mul3A_168, %add3A_299 : vector<16xi32>
      %swap3A_301 = arith.constant 2 : i32
      %swap3A_302 = arith.index_cast %swap3A_301 : i32 to index
      %swap3A_303 = arith.constant 32 : index
      %swap3A_304 = tpu.vector_load %arg9[%swap3A_302, %swap3A_303] {strides = array<i32>} : memref<4x128xi32, #tpu.memory_space<vmem>>, vector<16xi32>,
      tpu.vector_store %arg9[%swap3A_302, %swap3A_303], %add3A_300 {strides = array<i32>} : memref<4x128xi32, #tpu.memory_space<vmem>>, vector<16xi32>,
      %add3A_305 = arith.constant 9 : i32
      %add3A_306 = vector.broadcast %add3A_305 : i32 to vector<16xi32>
      %add3A_307 = arith.addi %mul3A_171, %add3A_306 : vector<16xi32>
      %swap3A_308 = arith.constant 2 : i32
      %swap3A_309 = arith.index_cast %swap3A_308 : i32 to index
      %swap3A_310 = arith.constant 48 : index
      %swap3A_311 = tpu.vector_load %arg9[%swap3A_309, %swap3A_310] {strides = array<i32>} : memref<4x128xi32, #tpu.memory_space<vmem>>, vector<16xi32>,
      tpu.vector_store %arg9[%swap3A_309, %swap3A_310], %add3A_307 {strides = array<i32>} : memref<4x128xi32, #tpu.memory_space<vmem>>, vector<16xi32>,
      %add3A_312 = arith.constant 10 : i32
      %add3A_313 = vector.broadcast %add3A_312 : i32 to vector<16xi32>
      %add3A_314 = arith.addi %mul3A_168, %add3A_313 : vector<16xi32>
      %swap3A_315 = arith.constant 2 : i32
      %swap3A_316 = arith.index_cast %swap3A_315 : i32 to index
      %swap3A_317 = arith.constant 64 : index
      %swap3A_318 = tpu.vector_load %arg9[%swap3A_316, %swap3A_317] {strides = array<i32>} : memref<4x128xi32, #tpu.memory_space<vmem>>, vector<16xi32>,
      tpu.vector_store %arg9[%swap3A_316, %swap3A_317], %add3A_314 {strides = array<i32>} : memref<4x128xi32, #tpu.memory_space<vmem>>, vector<16xi32>,
      %add3A_319 = arith.constant 10 : i32
      %add3A_320 = vector.broadcast %add3A_319 : i32 to vector<16xi32>
      %add3A_321 = arith.addi %mul3A_171, %add3A_320 : vector<16xi32>
      %swap3A_322 = arith.constant 2 : i32
      %swap3A_323 = arith.index_cast %swap3A_322 : i32 to index
      %swap3A_324 = arith.constant 80 : index
      %swap3A_325 = tpu.vector_load %arg9[%swap3A_323, %swap3A_324] {strides = array<i32>} : memref<4x128xi32, #tpu.memory_space<vmem>>, vector<16xi32>,
      tpu.vector_store %arg9[%swap3A_323, %swap3A_324], %add3A_321 {strides = array<i32>} : memref<4x128xi32, #tpu.memory_space<vmem>>, vector<16xi32>,
      %add3A_326 = arith.constant 11 : i32
      %add3A_327 = vector.broadcast %add3A_326 : i32 to vector<16xi32>
      %add3A_328 = arith.addi %mul3A_168, %add3A_327 : vector<16xi32>
      %swap3A_329 = arith.constant 2 : i32
      %swap3A_330 = arith.index_cast %swap3A_329 : i32 to index
      %swap3A_331 = arith.constant 96 : index
      %swap3A_332 = tpu.vector_load %arg9[%swap3A_330, %swap3A_331] {strides = array<i32>} : memref<4x128xi32, #tpu.memory_space<vmem>>, vector<16xi32>,
      tpu.vector_store %arg9[%swap3A_330, %swap3A_331], %add3A_328 {strides = array<i32>} : memref<4x128xi32, #tpu.memory_space<vmem>>, vector<16xi32>,
      %add3A_333 = arith.constant 11 : i32
      %add3A_334 = vector.broadcast %add3A_333 : i32 to vector<16xi32>
      %add3A_335 = arith.addi %mul3A_171, %add3A_334 : vector<16xi32>
      %swap3A_336 = arith.constant 2 : i32
      %swap3A_337 = arith.index_cast %swap3A_336 : i32 to index
      %swap3A_338 = arith.constant 112 : index
      %swap3A_339 = tpu.vector_load %arg9[%swap3A_337, %swap3A_338] {strides = array<i32>} : memref<4x128xi32, #tpu.memory_space<vmem>>, vector<16xi32>,
      tpu.vector_store %arg9[%swap3A_337, %swap3A_338], %add3A_335 {strides = array<i32>} : memref<4x128xi32, #tpu.memory_space<vmem>>, vector<16xi32>,
      %add3A_340 = arith.constant 12 : i32
      %add3A_341 = vector.broadcast %add3A_340 : i32 to vector<16xi32>
      %add3A_342 = arith.addi %mul3A_168, %add3A_341 : vector<16xi32>
      %swap3A_343 = arith.constant 3 : i32
      %swap3A_344 = arith.index_cast %swap3A_343 : i32 to index
      %swap3A_345 = arith.constant 0 : index
      %swap3A_346 = tpu.vector_load %arg9[%swap3A_344, %swap3A_345] {strides = array<i32>} : memref<4x128xi32, #tpu.memory_space<vmem>>, vector<16xi32>,
      tpu.vector_store %arg9[%swap3A_344, %swap3A_345], %add3A_342 {strides = array<i32>} : memref<4x128xi32, #tpu.memory_space<vmem>>, vector<16xi32>,
      %add3A_347 = arith.constant 12 : i32
      %add3A_348 = vector.broadcast %add3A_347 : i32 to vector<16xi32>
      %add3A_349 = arith.addi %mul3A_171, %add3A_348 : vector<16xi32>
      %swap3A_350 = arith.constant 3 : i32
      %swap3A_351 = arith.index_cast %swap3A_350 : i32 to index
      %swap3A_352 = arith.constant 16 : index
      %swap3A_353 = tpu.vector_load %arg9[%swap3A_351, %swap3A_352] {strides = array<i32>} : memref<4x128xi32, #tpu.memory_space<vmem>>, vector<16xi32>,
      tpu.vector_store %arg9[%swap3A_351, %swap3A_352], %add3A_349 {strides = array<i32>} : memref<4x128xi32, #tpu.memory_space<vmem>>, vector<16xi32>,
      %add3A_354 = arith.constant 13 : i32
      %add3A_355 = vector.broadcast %add3A_354 : i32 to vector<16xi32>
      %add3A_356 = arith.addi %mul3A_168, %add3A_355 : vector<16xi32>
      %swap3A_357 = arith.constant 3 : i32
      %swap3A_358 = arith.index_cast %swap3A_357 : i32 to index
      %swap3A_359 = arith.constant 32 : index
      %swap3A_360 = tpu.vector_load %arg9[%swap3A_358, %swap3A_359] {strides = array<i32>} : memref<4x128xi32, #tpu.memory_space<vmem>>, vector<16xi32>,
      tpu.vector_store %arg9[%swap3A_358, %swap3A_359], %add3A_356 {strides = array<i32>} : memref<4x128xi32, #tpu.memory_space<vmem>>, vector<16xi32>,
      %add3A_361 = arith.constant 13 : i32
      %add3A_362 = vector.broadcast %add3A_361 : i32 to vector<16xi32>
      %add3A_363 = arith.addi %mul3A_171, %add3A_362 : vector<16xi32>
      %swap3A_364 = arith.constant 3 : i32
      %swap3A_365 = arith.index_cast %swap3A_364 : i32 to index
      %swap3A_366 = arith.constant 48 : index
      %swap3A_367 = tpu.vector_load %arg9[%swap3A_365, %swap3A_366] {strides = array<i32>} : memref<4x128xi32, #tpu.memory_space<vmem>>, vector<16xi32>,
      tpu.vector_store %arg9[%swap3A_365, %swap3A_366], %add3A_363 {strides = array<i32>} : memref<4x128xi32, #tpu.memory_space<vmem>>, vector<16xi32>,
      %add3A_368 = arith.constant 14 : i32
      %add3A_369 = vector.broadcast %add3A_368 : i32 to vector<16xi32>
      %add3A_370 = arith.addi %mul3A_168, %add3A_369 : vector<16xi32>
      %swap3A_371 = arith.constant 3 : i32
      %swap3A_372 = arith.index_cast %swap3A_371 : i32 to index
      %swap3A_373 = arith.constant 64 : index
      %swap3A_374 = tpu.vector_load %arg9[%swap3A_372, %swap3A_373] {strides = array<i32>} : memref<4x128xi32, #tpu.memory_space<vmem>>, vector<16xi32>,
      tpu.vector_store %arg9[%swap3A_372, %swap3A_373], %add3A_370 {strides = array<i32>} : memref<4x128xi32, #tpu.memory_space<vmem>>, vector<16xi32>,
      %add3A_375 = arith.constant 14 : i32
      %add3A_376 = vector.broadcast %add3A_375 : i32 to vector<16xi32>
      %add3A_377 = arith.addi %mul3A_171, %add3A_376 : vector<16xi32>
      %swap3A_378 = arith.constant 3 : i32
      %swap3A_379 = arith.index_cast %swap3A_378 : i32 to index
      %swap3A_380 = arith.constant 80 : index
      %swap3A_381 = tpu.vector_load %arg9[%swap3A_379, %swap3A_380] {strides = array<i32>} : memref<4x128xi32, #tpu.memory_space<vmem>>, vector<16xi32>,
      tpu.vector_store %arg9[%swap3A_379, %swap3A_380], %add3A_377 {strides = array<i32>} : memref<4x128xi32, #tpu.memory_space<vmem>>, vector<16xi32>,
      %add3A_382 = arith.constant 15 : i32
      %add3A_383 = vector.broadcast %add3A_382 : i32 to vector<16xi32>
      %add3A_384 = arith.addi %mul3A_168, %add3A_383 : vector<16xi32>
      %swap3A_385 = arith.constant 3 : i32
      %swap3A_386 = arith.index_cast %swap3A_385 : i32 to index
      %swap3A_387 = arith.constant 96 : index
      %swap3A_388 = tpu.vector_load %arg9[%swap3A_386, %swap3A_387] {strides = array<i32>} : memref<4x128xi32, #tpu.memory_space<vmem>>, vector<16xi32>,
      tpu.vector_store %arg9[%swap3A_386, %swap3A_387], %add3A_384 {strides = array<i32>} : memref<4x128xi32, #tpu.memory_space<vmem>>, vector<16xi32>,
      %add3A_389 = arith.constant 15 : i32
      %add3A_390 = vector.broadcast %add3A_389 : i32 to vector<16xi32>
      %add3A_391 = arith.addi %mul3A_171, %add3A_390 : vector<16xi32>
      %swap3A_392 = arith.constant 3 : i32
      %swap3A_393 = arith.index_cast %swap3A_392 : i32 to index
      %swap3A_394 = arith.constant 112 : index
      %swap3A_395 = tpu.vector_load %arg9[%swap3A_393, %swap3A_394] {strides = array<i32>} : memref<4x128xi32, #tpu.memory_space<vmem>>, vector<16xi32>,
      tpu.vector_store %arg9[%swap3A_393, %swap3A_394], %add3A_391 {strides = array<i32>} : memref<4x128xi32, #tpu.memory_space<vmem>>, vector<16xi32>,
      %dma_start3A_396 = arith.constant 0 : i32
      %dma_start3A_397 = arith.constant 0 : i32
      %dma_start3A_398 = arith.constant 0 : i32
      %dma_start3A_399 = tpu.memref_slice %arg11[%dma_start3A_397, %dma_start3A_398] : memref<512x16xf32, #tpu.memory_space<vmem>> -> memref<128x16xf32, #tpu.memory_space<vmem>>
      %dma_start3A_400 = arith.constant 0 : i32
      %dma_start3A_401 = tpu.memref_slice %arg9[%dma_start3A_396, %dma_start3A_400] : memref<4x128xi32, #tpu.memory_space<vmem>> -> memref<1x128xi32, #tpu.memory_space<vmem>>
      %dma_start3A_402 = tpu.memref_squeeze %dma_start3A_401 : memref<1x128xi32, #tpu.memory_space<vmem>> -> memref<128xi32, #tpu.memory_space<vmem>>
      %dma_start3A_403 = arith.constant 0 : i32
      %dma_start3A_404 = arith.constant 0 : i32
      %dma_start3A_405 = tpu.memref_slice %arg4[%dma_start3A_403, %dma_start3A_404] : memref<8192x16xf32, #tpu.memory_space<hbm>> -> memref<8192x16xf32, #tpu.memory_space<hbm>>
      tpu.enqueue_indirect_dma source(%dma_start3A_405 : memref<8192x16xf32, #tpu.memory_space<hbm>>) target(%dma_start3A_399 : memref<128x16xf32, #tpu.memory_space<vmem>>) offsets(%dma_start3A_402 : memref<128xi32, #tpu.memory_space<vmem>>) semaphore(%arg15 : memref<!tpu.dma_semaphore, #tpu.memory_space<semaphore_mem>>)
      %dma_start3A_406 = arith.constant 1 : i32
      %dma_start3A_407 = arith.constant 128 : i32
      %dma_start3A_408 = arith.constant 0 : i32
      %dma_start3A_409 = tpu.memref_slice %arg11[%dma_start3A_407, %dma_start3A_408] : memref<512x16xf32, #tpu.memory_space<vmem>> -> memref<128x16xf32, #tpu.memory_space<vmem>>
      %dma_start3A_410 = arith.constant 0 : i32
      %dma_start3A_411 = tpu.memref_slice %arg9[%dma_start3A_406, %dma_start3A_410] : memref<4x128xi32, #tpu.memory_space<vmem>> -> memref<1x128xi32, #tpu.memory_space<vmem>>
      %dma_start3A_412 = tpu.memref_squeeze %dma_start3A_411 : memref<1x128xi32, #tpu.memory_space<vmem>> -> memref<128xi32, #tpu.memory_space<vmem>>
      %dma_start3A_413 = arith.constant 0 : i32
      %dma_start3A_414 = arith.constant 0 : i32
      %dma_start3A_415 = tpu.memref_slice %arg4[%dma_start3A_413, %dma_start3A_414] : memref<8192x16xf32, #tpu.memory_space<hbm>> -> memref<8192x16xf32, #tpu.memory_space<hbm>>
      tpu.enqueue_indirect_dma source(%dma_start3A_415 : memref<8192x16xf32, #tpu.memory_space<hbm>>) target(%dma_start3A_409 : memref<128x16xf32, #tpu.memory_space<vmem>>) offsets(%dma_start3A_412 : memref<128xi32, #tpu.memory_space<vmem>>) semaphore(%arg15 : memref<!tpu.dma_semaphore, #tpu.memory_space<semaphore_mem>>)
      %dma_start3A_416 = arith.constant 2 : i32
      %dma_start3A_417 = arith.constant 256 : i32
      %dma_start3A_418 = arith.constant 0 : i32
      %dma_start3A_419 = tpu.memref_slice %arg11[%dma_start3A_417, %dma_start3A_418] : memref<512x16xf32, #tpu.memory_space<vmem>> -> memref<128x16xf32, #tpu.memory_space<vmem>>
      %dma_start3A_420 = arith.constant 0 : i32
      %dma_start3A_421 = tpu.memref_slice %arg9[%dma_start3A_416, %dma_start3A_420] : memref<4x128xi32, #tpu.memory_space<vmem>> -> memref<1x128xi32, #tpu.memory_space<vmem>>
      %dma_start3A_422 = tpu.memref_squeeze %dma_start3A_421 : memref<1x128xi32, #tpu.memory_space<vmem>> -> memref<128xi32, #tpu.memory_space<vmem>>
      %dma_start3A_423 = arith.constant 0 : i32
      %dma_start3A_424 = arith.constant 0 : i32
      %dma_start3A_425 = tpu.memref_slice %arg4[%dma_start3A_423, %dma_start3A_424] : memref<8192x16xf32, #tpu.memory_space<hbm>> -> memref<8192x16xf32, #tpu.memory_space<hbm>>
      tpu.enqueue_indirect_dma source(%dma_start3A_425 : memref<8192x16xf32, #tpu.memory_space<hbm>>) target(%dma_start3A_419 : memref<128x16xf32, #tpu.memory_space<vmem>>) offsets(%dma_start3A_422 : memref<128xi32, #tpu.memory_space<vmem>>) semaphore(%arg15 : memref<!tpu.dma_semaphore, #tpu.memory_space<semaphore_mem>>)
      %dma_start3A_426 = arith.constant 3 : i32
      %dma_start3A_427 = arith.constant 384 : i32
      %dma_start3A_428 = arith.constant 0 : i32
      %dma_start3A_429 = tpu.memref_slice %arg11[%dma_start3A_427, %dma_start3A_428] : memref<512x16xf32, #tpu.memory_space<vmem>> -> memref<128x16xf32, #tpu.memory_space<vmem>>
      %dma_start3A_430 = arith.constant 0 : i32
      %dma_start3A_431 = tpu.memref_slice %arg9[%dma_start3A_426, %dma_start3A_430] : memref<4x128xi32, #tpu.memory_space<vmem>> -> memref<1x128xi32, #tpu.memory_space<vmem>>
      %dma_start3A_432 = tpu.memref_squeeze %dma_start3A_431 : memref<1x128xi32, #tpu.memory_space<vmem>> -> memref<128xi32, #tpu.memory_space<vmem>>
      %dma_start3A_433 = arith.constant 0 : i32
      %dma_start3A_434 = arith.constant 0 : i32
      %dma_start3A_435 = tpu.memref_slice %arg4[%dma_start3A_433, %dma_start3A_434] : memref<8192x16xf32, #tpu.memory_space<hbm>> -> memref<8192x16xf32, #tpu.memory_space<hbm>>
      tpu.enqueue_indirect_dma source(%dma_start3A_435 : memref<8192x16xf32, #tpu.memory_space<hbm>>) target(%dma_start3A_429 : memref<128x16xf32, #tpu.memory_space<vmem>>) offsets(%dma_start3A_432 : memref<128xi32, #tpu.memory_space<vmem>>) semaphore(%arg15 : memref<!tpu.dma_semaphore, #tpu.memory_space<semaphore_mem>>)
      %convert_element_type3A_436 = arith.extui %ge3A_133 : i1 to i32
      %cond3A_437 = arith.constant 0 : i32
      %cond3A_438 = arith.cmpi ne, %convert_element_type3A_436, %cond3A_437 : i32
      scf.if %cond3A_438 {
        %dma_wait3A_754 = arith.constant 0 : i32
        %dma_wait3A_755 = arith.constant 0 : i32
        %dma_wait3A_756 = arith.constant 0 : i32
        %dma_wait3A_757 = tpu.memref_slice %arg12[%dma_wait3A_755, %dma_wait3A_756] : memref<512x16xf32, #tpu.memory_space<vmem>> -> memref<128x16xf32, #tpu.memory_space<vmem>>
        %dma_wait3A_758 = arith.constant 0 : i32
        %dma_wait3A_759 = tpu.memref_slice %arg10[%dma_wait3A_754, %dma_wait3A_758] : memref<4x128xi32, #tpu.memory_space<vmem>> -> memref<1x128xi32, #tpu.memory_space<vmem>>
        %dma_wait3A_760 = tpu.memref_squeeze %dma_wait3A_759 : memref<1x128xi32, #tpu.memory_space<vmem>> -> memref<128xi32, #tpu.memory_space<vmem>>
        %dma_wait3A_761 = arith.constant 0 : i32
        %dma_wait3A_762 = arith.constant 0 : i32
        %dma_wait3A_763 = tpu.memref_slice %arg4[%dma_wait3A_761, %dma_wait3A_762] : memref<8192x16xf32, #tpu.memory_space<hbm>> -> memref<8192x16xf32, #tpu.memory_space<hbm>>
        tpu.wait_indirect_dma semaphore(%arg16 : memref<!tpu.dma_semaphore, #tpu.memory_space<semaphore_mem>>) src(%dma_wait3A_763 : memref<8192x16xf32, #tpu.memory_space<hbm>>) dst(%dma_wait3A_757 : memref<128x16xf32, #tpu.memory_space<vmem>>)
        %dma_wait3A_764 = arith.constant 1 : i32
        %dma_wait3A_765 = arith.constant 128 : i32
        %dma_wait3A_766 = arith.constant 0 : i32
        %dma_wait3A_767 = tpu.memref_slice %arg12[%dma_wait3A_765, %dma_wait3A_766] : memref<512x16xf32, #tpu.memory_space<vmem>> -> memref<128x16xf32, #tpu.memory_space<vmem>>
        %dma_wait3A_768 = arith.constant 0 : i32
        %dma_wait3A_769 = tpu.memref_slice %arg10[%dma_wait3A_764, %dma_wait3A_768] : memref<4x128xi32, #tpu.memory_space<vmem>> -> memref<1x128xi32, #tpu.memory_space<vmem>>
        %dma_wait3A_770 = tpu.memref_squeeze %dma_wait3A_769 : memref<1x128xi32, #tpu.memory_space<vmem>> -> memref<128xi32, #tpu.memory_space<vmem>>
        %dma_wait3A_771 = arith.constant 0 : i32
        %dma_wait3A_772 = arith.constant 0 : i32
        %dma_wait3A_773 = tpu.memref_slice %arg4[%dma_wait3A_771, %dma_wait3A_772] : memref<8192x16xf32, #tpu.memory_space<hbm>> -> memref<8192x16xf32, #tpu.memory_space<hbm>>
        tpu.wait_indirect_dma semaphore(%arg16 : memref<!tpu.dma_semaphore, #tpu.memory_space<semaphore_mem>>) src(%dma_wait3A_773 : memref<8192x16xf32, #tpu.memory_space<hbm>>) dst(%dma_wait3A_767 : memref<128x16xf32, #tpu.memory_space<vmem>>)
        %dma_wait3A_774 = arith.constant 2 : i32
        %dma_wait3A_775 = arith.constant 256 : i32
        %dma_wait3A_776 = arith.constant 0 : i32
        %dma_wait3A_777 = tpu.memref_slice %arg12[%dma_wait3A_775, %dma_wait3A_776] : memref<512x16xf32, #tpu.memory_space<vmem>> -> memref<128x16xf32, #tpu.memory_space<vmem>>
        %dma_wait3A_778 = arith.constant 0 : i32
        %dma_wait3A_779 = tpu.memref_slice %arg10[%dma_wait3A_774, %dma_wait3A_778] : memref<4x128xi32, #tpu.memory_space<vmem>> -> memref<1x128xi32, #tpu.memory_space<vmem>>
        %dma_wait3A_780 = tpu.memref_squeeze %dma_wait3A_779 : memref<1x128xi32, #tpu.memory_space<vmem>> -> memref<128xi32, #tpu.memory_space<vmem>>
        %dma_wait3A_781 = arith.constant 0 : i32
        %dma_wait3A_782 = arith.constant 0 : i32
        %dma_wait3A_783 = tpu.memref_slice %arg4[%dma_wait3A_781, %dma_wait3A_782] : memref<8192x16xf32, #tpu.memory_space<hbm>> -> memref<8192x16xf32, #tpu.memory_space<hbm>>
        tpu.wait_indirect_dma semaphore(%arg16 : memref<!tpu.dma_semaphore, #tpu.memory_space<semaphore_mem>>) src(%dma_wait3A_783 : memref<8192x16xf32, #tpu.memory_space<hbm>>) dst(%dma_wait3A_777 : memref<128x16xf32, #tpu.memory_space<vmem>>)
        %dma_wait3A_784 = arith.constant 3 : i32
        %dma_wait3A_785 = arith.constant 384 : i32
        %dma_wait3A_786 = arith.constant 0 : i32
        %dma_wait3A_787 = tpu.memref_slice %arg12[%dma_wait3A_785, %dma_wait3A_786] : memref<512x16xf32, #tpu.memory_space<vmem>> -> memref<128x16xf32, #tpu.memory_space<vmem>>
        %dma_wait3A_788 = arith.constant 0 : i32
        %dma_wait3A_789 = tpu.memref_slice %arg10[%dma_wait3A_784, %dma_wait3A_788] : memref<4x128xi32, #tpu.memory_space<vmem>> -> memref<1x128xi32, #tpu.memory_space<vmem>>
        %dma_wait3A_790 = tpu.memref_squeeze %dma_wait3A_789 : memref<1x128xi32, #tpu.memory_space<vmem>> -> memref<128xi32, #tpu.memory_space<vmem>>
        %dma_wait3A_791 = arith.constant 0 : i32
        %dma_wait3A_792 = arith.constant 0 : i32
        %dma_wait3A_793 = tpu.memref_slice %arg4[%dma_wait3A_791, %dma_wait3A_792] : memref<8192x16xf32, #tpu.memory_space<hbm>> -> memref<8192x16xf32, #tpu.memory_space<hbm>>
        tpu.wait_indirect_dma semaphore(%arg16 : memref<!tpu.dma_semaphore, #tpu.memory_space<semaphore_mem>>) src(%dma_wait3A_793 : memref<8192x16xf32, #tpu.memory_space<hbm>>) dst(%dma_wait3A_787 : memref<128x16xf32, #tpu.memory_space<vmem>>)
        %mul3A_794 = arith.constant 32 : i32
        %mul3A_795 = arith.muli %add3A, %mul3A_794 : i32
        %add3A_796 = arith.addi %mul3A_795, %mul3A_130 : i32
        %sub3A_797 = arith.constant 1 : i32
        %sub3A_798 = arith.subi %add3A_796, %sub3A_797 : i32
        %dma_start3A_799 = arith.constant 0 : i32
        %dma_start3A_800 = arith.constant 0 : i32
        %dma_start3A_801 = tpu.memref_slice %arg5[%sub3A_798, %dma_start3A_799, %dma_start3A_800] : memref<1024x512x16xf32, #tpu.memory_space<hbm>> -> memref<1x512x16xf32, #tpu.memory_space<hbm>>
        %dma_start3A_802 = tpu.memref_squeeze %dma_start3A_801 : memref<1x512x16xf32, #tpu.memory_space<hbm>> -> memref<512x16xf32, #tpu.memory_space<hbm>>
        %dma_start3A_803 = arith.constant 0 : i32
        %dma_start3A_804 = arith.constant 0 : i32
        %dma_start3A_805 = tpu.memref_slice %arg5[%sub3A_798, %dma_start3A_803, %dma_start3A_804] : memref<1024x512x16xf32, #tpu.memory_space<hbm>> -> memref<1x512x16xf32, #tpu.memory_space<hbm>>
        %dma_start3A_806 = tpu.memref_squeeze %dma_start3A_805 : memref<1x512x16xf32, #tpu.memory_space<hbm>> -> memref<512x16xf32, #tpu.memory_space<hbm>>
        tpu.enqueue_dma source(%arg12 : memref<512x16xf32, #tpu.memory_space<vmem>>) target(%dma_start3A_806 : memref<512x16xf32, #tpu.memory_space<hbm>>) target_semaphore(%arg18 : memref<!tpu.dma_semaphore, #tpu.memory_space<semaphore_mem>>)
      } else {
      }
      %mul3A_439 = arith.constant 2 : i32
      %mul3A_440 = arith.muli %mul3A_439, %scan3A_128 : i32
      %add3A_441 = arith.constant 1 : i32
      %add3A_442 = arith.addi %mul3A_440, %add3A_441 : i32
      %ge3A_443 = arith.constant 1 : i32
      %ge3A_444 = arith.cmpi sge, %scan3A_128, %ge3A_443 : i32
      %ge3A_445 = arith.constant 0 : i32
      %ge3A_446 = arith.cmpi sge, %scan3A_128, %ge3A_445 : i32
      %dma_wait3A_447 = arith.constant 0 : i32
      %dma_wait3A_448 = arith.constant 0 : i32
      %dma_wait3A_449 = arith.constant 0 : i32
      %dma_wait3A_450 = tpu.memref_slice %arg3[%dma_wait3A_447, %dma_wait3A_448, %dma_wait3A_449] : memref<100x128x4096xf32, #tpu.memory_space<hbm>> -> memref<1x4x4096xf32, #tpu.memory_space<hbm>>
      %dma_wait3A_451 = tpu.memref_squeeze %dma_wait3A_450 : memref<1x4x4096xf32, #tpu.memory_space<hbm>> -> memref<4x4096xf32, #tpu.memory_space<hbm>>
      %dma_wait3A_452 = arith.constant 0 : i32
      %dma_wait3A_453 = arith.constant 0 : i32
      %dma_wait3A_454 = tpu.memref_slice %arg3[%dma_wait3A_447, %dma_wait3A_452, %dma_wait3A_453] : memref<100x128x4096xf32, #tpu.memory_space<hbm>> -> memref<1x4x4096xf32, #tpu.memory_space<hbm>>
      %dma_wait3A_455 = tpu.memref_squeeze %dma_wait3A_454 : memref<1x4x4096xf32, #tpu.memory_space<hbm>> -> memref<4x4096xf32, #tpu.memory_space<hbm>>
      tpu.wait_dma2 semaphore(%arg14 : memref<!tpu.dma_semaphore, #tpu.memory_space<semaphore_mem>>) src(%dma_wait3A_455 : memref<4x4096xf32, #tpu.memory_space<hbm>>) dst(%arg8 : memref<4x4096xf32, #tpu.memory_space<vmem>>)
      %broadcast_in_dim3A_456 = arith.constant 0xFF800000 : f32
      %broadcast_in_dim3A_457 = vector.broadcast %broadcast_in_dim3A_456 : f32 to vector<16xf32>
      %broadcast_in_dim3A_458 = arith.constant 0 : i32
      %broadcast_in_dim3A_459 = vector.broadcast %broadcast_in_dim3A_458 : i32 to vector<16xi32>
      %scan3A_460 = arith.constant 0 : i32
      %scan3A_461 = arith.constant 64 : i32
      %scan3A_462 = arith.addi %scan3A_460, %scan3A_461 : i32
      %scan3A_463 = arith.constant 1 : i32
      %scan3A_464:4 = scf.for %scan3A_754 = %scan3A_460 to %scan3A_462 step %scan3A_463 iter_args(%scan3A_755 = %broadcast_in_dim3A_457, %scan3A_756 = %broadcast_in_dim3A_459, %scan3A_757 = %broadcast_in_dim3A_457, %scan3A_758 = %broadcast_in_dim3A_459) -> (vector<16xf32>, vector<16xi32>, vector<16xf32>, vector<16xi32>)  : i32 {
        %mul3A_759 = arith.constant 8 : i32
        %mul3A_760 = arith.muli %scan3A_754, %mul3A_759 : i32
        %add3A_761 = arith.constant 0 : i32
        %add3A_762 = arith.addi %mul3A_760, %add3A_761 : i32
        %broadcast_in_dim3A_763 = vector.broadcast %add3A_762 : i32 to vector<16xi32>
        %xor3A = arith.xori %broadcast_in_dim3A_763, %iota3A : vector<16xi32>
        %and3A_764 = arith.constant 384 : i32
        %and3A_765 = vector.broadcast %and3A_764 : i32 to vector<16xi32>
        %and3A_766 = arith.andi %xor3A, %and3A_765 : vector<16xi32>
        %shift_left3A_767 = arith.constant 3 : i32
        %shift_left3A_768 = vector.broadcast %shift_left3A_767 : i32 to vector<16xi32>
        %shift_left3A_769 = arith.shli %and3A_766, %shift_left3A_768 : vector<16xi32>
        %and3A_770 = arith.constant 127 : i32
        %and3A_771 = vector.broadcast %and3A_770 : i32 to vector<16xi32>
        %and3A_772 = arith.andi %xor3A, %and3A_771 : vector<16xi32>
        %or3A = arith.ori %shift_left3A_769, %and3A_772 : vector<16xi32>
        %add3A_773 = arith.addi %shift_left3A_14, %or3A : vector<16xi32>
        %gather3A_774 = tpu.vector_load_idx %arg8[%shift_right_arithmetic3A_7, %add3A_773] : memref<4x4096xf32, #tpu.memory_space<vmem>>[vector<16xi32>, vector<16xi32>], vector<16xf32>,
        %gather3A_775 = tpu.vector_load_idx %arg8[%add3A_10, %add3A_773] : memref<4x4096xf32, #tpu.memory_space<vmem>>[vector<16xi32>, vector<16xi32>], vector<16xf32>,
        %eq3A = arith.cmpf oeq, %gather3A_774, %scan3A_755 : vector<16xf32>
        %min3A_776 = arith.minsi %scan3A_756, %xor3A : vector<16xi32>
        %select_n3A = arith.select %eq3A, %min3A_776, %scan3A_756 : vector<16xi1>, vector<16xi32>
        %max3A = arith.maximumf %gather3A_774, %scan3A_755 : vector<16xf32>
        %gt3A = arith.cmpf ogt, %gather3A_774, %scan3A_755 : vector<16xf32>
        %select_n3A_777 = arith.select %gt3A, %xor3A, %select_n3A : vector<16xi1>, vector<16xi32>
        %eq3A_778 = arith.cmpf oeq, %gather3A_775, %scan3A_757 : vector<16xf32>
        %min3A_779 = arith.minsi %scan3A_758, %xor3A : vector<16xi32>
        %select_n3A_780 = arith.select %eq3A_778, %min3A_779, %scan3A_758 : vector<16xi1>, vector<16xi32>
        %max3A_781 = arith.maximumf %gather3A_775, %scan3A_757 : vector<16xf32>
        %gt3A_782 = arith.cmpf ogt, %gather3A_775, %scan3A_757 : vector<16xf32>
        %select_n3A_783 = arith.select %gt3A_782, %xor3A, %select_n3A_780 : vector<16xi1>, vector<16xi32>
        %mul3A_784 = arith.constant 8 : i32
        %mul3A_785 = arith.muli %scan3A_754, %mul3A_784 : i32
        %add3A_786 = arith.constant 1 : i32
        %add3A_787 = arith.addi %mul3A_785, %add3A_786 : i32
        %broadcast_in_dim3A_788 = vector.broadcast %add3A_787 : i32 to vector<16xi32>
        %xor3A_789 = arith.xori %broadcast_in_dim3A_788, %iota3A : vector<16xi32>
        %and3A_790 = arith.constant 384 : i32
        %and3A_791 = vector.broadcast %and3A_790 : i32 to vector<16xi32>
        %and3A_792 = arith.andi %xor3A_789, %and3A_791 : vector<16xi32>
        %shift_left3A_793 = arith.constant 3 : i32
        %shift_left3A_794 = vector.broadcast %shift_left3A_793 : i32 to vector<16xi32>
        %shift_left3A_795 = arith.shli %and3A_792, %shift_left3A_794 : vector<16xi32>
        %and3A_796 = arith.constant 127 : i32
        %and3A_797 = vector.broadcast %and3A_796 : i32 to vector<16xi32>
        %and3A_798 = arith.andi %xor3A_789, %and3A_797 : vector<16xi32>
        %or3A_799 = arith.ori %shift_left3A_795, %and3A_798 : vector<16xi32>
        %add3A_800 = arith.addi %shift_left3A_14, %or3A_799 : vector<16xi32>
        %gather3A_801 = tpu.vector_load_idx %arg8[%shift_right_arithmetic3A_7, %add3A_800] : memref<4x4096xf32, #tpu.memory_space<vmem>>[vector<16xi32>, vector<16xi32>], vector<16xf32>,
        %gather3A_802 = tpu.vector_load_idx %arg8[%add3A_10, %add3A_800] : memref<4x4096xf32, #tpu.memory_space<vmem>>[vector<16xi32>, vector<16xi32>], vector<16xf32>,
        %eq3A_803 = arith.cmpf oeq, %gather3A_801, %max3A : vector<16xf32>
        %min3A_804 = arith.minsi %select_n3A_777, %xor3A_789 : vector<16xi32>
        %select_n3A_805 = arith.select %eq3A_803, %min3A_804, %select_n3A_777 : vector<16xi1>, vector<16xi32>
        %max3A_806 = arith.maximumf %gather3A_801, %max3A : vector<16xf32>
        %gt3A_807 = arith.cmpf ogt, %gather3A_801, %max3A : vector<16xf32>
        %select_n3A_808 = arith.select %gt3A_807, %xor3A_789, %select_n3A_805 : vector<16xi1>, vector<16xi32>
        %eq3A_809 = arith.cmpf oeq, %gather3A_802, %max3A_781 : vector<16xf32>
        %min3A_810 = arith.minsi %select_n3A_783, %xor3A_789 : vector<16xi32>
        %select_n3A_811 = arith.select %eq3A_809, %min3A_810, %select_n3A_783 : vector<16xi1>, vector<16xi32>
        %max3A_812 = arith.maximumf %gather3A_802, %max3A_781 : vector<16xf32>
        %gt3A_813 = arith.cmpf ogt, %gather3A_802, %max3A_781 : vector<16xf32>
        %select_n3A_814 = arith.select %gt3A_813, %xor3A_789, %select_n3A_811 : vector<16xi1>, vector<16xi32>
        %mul3A_815 = arith.constant 8 : i32
        %mul3A_816 = arith.muli %scan3A_754, %mul3A_815 : i32
        %add3A_817 = arith.constant 2 : i32
        %add3A_818 = arith.addi %mul3A_816, %add3A_817 : i32
        %broadcast_in_dim3A_819 = vector.broadcast %add3A_818 : i32 to vector<16xi32>
        %xor3A_820 = arith.xori %broadcast_in_dim3A_819, %iota3A : vector<16xi32>
        %and3A_821 = arith.constant 384 : i32
        %and3A_822 = vector.broadcast %and3A_821 : i32 to vector<16xi32>
        %and3A_823 = arith.andi %xor3A_820, %and3A_822 : vector<16xi32>
        %shift_left3A_824 = arith.constant 3 : i32
        %shift_left3A_825 = vector.broadcast %shift_left3A_824 : i32 to vector<16xi32>
        %shift_left3A_826 = arith.shli %and3A_823, %shift_left3A_825 : vector<16xi32>
        %and3A_827 = arith.constant 127 : i32
        %and3A_828 = vector.broadcast %and3A_827 : i32 to vector<16xi32>
        %and3A_829 = arith.andi %xor3A_820, %and3A_828 : vector<16xi32>
        %or3A_830 = arith.ori %shift_left3A_826, %and3A_829 : vector<16xi32>
        %add3A_831 = arith.addi %shift_left3A_14, %or3A_830 : vector<16xi32>
        %gather3A_832 = tpu.vector_load_idx %arg8[%shift_right_arithmetic3A_7, %add3A_831] : memref<4x4096xf32, #tpu.memory_space<vmem>>[vector<16xi32>, vector<16xi32>], vector<16xf32>,
        %gather3A_833 = tpu.vector_load_idx %arg8[%add3A_10, %add3A_831] : memref<4x4096xf32, #tpu.memory_space<vmem>>[vector<16xi32>, vector<16xi32>], vector<16xf32>,
        %eq3A_834 = arith.cmpf oeq, %gather3A_832, %max3A_806 : vector<16xf32>
        %min3A_835 = arith.minsi %select_n3A_808, %xor3A_820 : vector<16xi32>
        %select_n3A_836 = arith.select %eq3A_834, %min3A_835, %select_n3A_808 : vector<16xi1>, vector<16xi32>
        %max3A_837 = arith.maximumf %gather3A_832, %max3A_806 : vector<16xf32>
        %gt3A_838 = arith.cmpf ogt, %gather3A_832, %max3A_806 : vector<16xf32>
        %select_n3A_839 = arith.select %gt3A_838, %xor3A_820, %select_n3A_836 : vector<16xi1>, vector<16xi32>
        %eq3A_840 = arith.cmpf oeq, %gather3A_833, %max3A_812 : vector<16xf32>
        %min3A_841 = arith.minsi %select_n3A_814, %xor3A_820 : vector<16xi32>
        %select_n3A_842 = arith.select %eq3A_840, %min3A_841, %select_n3A_814 : vector<16xi1>, vector<16xi32>
        %max3A_843 = arith.maximumf %gather3A_833, %max3A_812 : vector<16xf32>
        %gt3A_844 = arith.cmpf ogt, %gather3A_833, %max3A_812 : vector<16xf32>
        %select_n3A_845 = arith.select %gt3A_844, %xor3A_820, %select_n3A_842 : vector<16xi1>, vector<16xi32>
        %mul3A_846 = arith.constant 8 : i32
        %mul3A_847 = arith.muli %scan3A_754, %mul3A_846 : i32
        %add3A_848 = arith.constant 3 : i32
        %add3A_849 = arith.addi %mul3A_847, %add3A_848 : i32
        %broadcast_in_dim3A_850 = vector.broadcast %add3A_849 : i32 to vector<16xi32>
        %xor3A_851 = arith.xori %broadcast_in_dim3A_850, %iota3A : vector<16xi32>
        %and3A_852 = arith.constant 384 : i32
        %and3A_853 = vector.broadcast %and3A_852 : i32 to vector<16xi32>
        %and3A_854 = arith.andi %xor3A_851, %and3A_853 : vector<16xi32>
        %shift_left3A_855 = arith.constant 3 : i32
        %shift_left3A_856 = vector.broadcast %shift_left3A_855 : i32 to vector<16xi32>
        %shift_left3A_857 = arith.shli %and3A_854, %shift_left3A_856 : vector<16xi32>
        %and3A_858 = arith.constant 127 : i32
        %and3A_859 = vector.broadcast %and3A_858 : i32 to vector<16xi32>
        %and3A_860 = arith.andi %xor3A_851, %and3A_859 : vector<16xi32>
        %or3A_861 = arith.ori %shift_left3A_857, %and3A_860 : vector<16xi32>
        %add3A_862 = arith.addi %shift_left3A_14, %or3A_861 : vector<16xi32>
        %gather3A_863 = tpu.vector_load_idx %arg8[%shift_right_arithmetic3A_7, %add3A_862] : memref<4x4096xf32, #tpu.memory_space<vmem>>[vector<16xi32>, vector<16xi32>], vector<16xf32>,
        %gather3A_864 = tpu.vector_load_idx %arg8[%add3A_10, %add3A_862] : memref<4x4096xf32, #tpu.memory_space<vmem>>[vector<16xi32>, vector<16xi32>], vector<16xf32>,
        %eq3A_865 = arith.cmpf oeq, %gather3A_863, %max3A_837 : vector<16xf32>
        %min3A_866 = arith.minsi %select_n3A_839, %xor3A_851 : vector<16xi32>
        %select_n3A_867 = arith.select %eq3A_865, %min3A_866, %select_n3A_839 : vector<16xi1>, vector<16xi32>
        %max3A_868 = arith.maximumf %gather3A_863, %max3A_837 : vector<16xf32>
        %gt3A_869 = arith.cmpf ogt, %gather3A_863, %max3A_837 : vector<16xf32>
        %select_n3A_870 = arith.select %gt3A_869, %xor3A_851, %select_n3A_867 : vector<16xi1>, vector<16xi32>
        %eq3A_871 = arith.cmpf oeq, %gather3A_864, %max3A_843 : vector<16xf32>
        %min3A_872 = arith.minsi %select_n3A_845, %xor3A_851 : vector<16xi32>
        %select_n3A_873 = arith.select %eq3A_871, %min3A_872, %select_n3A_845 : vector<16xi1>, vector<16xi32>
        %max3A_874 = arith.maximumf %gather3A_864, %max3A_843 : vector<16xf32>
        %gt3A_875 = arith.cmpf ogt, %gather3A_864, %max3A_843 : vector<16xf32>
        %select_n3A_876 = arith.select %gt3A_875, %xor3A_851, %select_n3A_873 : vector<16xi1>, vector<16xi32>
        %mul3A_877 = arith.constant 8 : i32
        %mul3A_878 = arith.muli %scan3A_754, %mul3A_877 : i32
        %add3A_879 = arith.constant 4 : i32
        %add3A_880 = arith.addi %mul3A_878, %add3A_879 : i32
        %broadcast_in_dim3A_881 = vector.broadcast %add3A_880 : i32 to vector<16xi32>
        %xor3A_882 = arith.xori %broadcast_in_dim3A_881, %iota3A : vector<16xi32>
        %and3A_883 = arith.constant 384 : i32
        %and3A_884 = vector.broadcast %and3A_883 : i32 to vector<16xi32>
        %and3A_885 = arith.andi %xor3A_882, %and3A_884 : vector<16xi32>
        %shift_left3A_886 = arith.constant 3 : i32
        %shift_left3A_887 = vector.broadcast %shift_left3A_886 : i32 to vector<16xi32>
        %shift_left3A_888 = arith.shli %and3A_885, %shift_left3A_887 : vector<16xi32>
        %and3A_889 = arith.constant 127 : i32
        %and3A_890 = vector.broadcast %and3A_889 : i32 to vector<16xi32>
        %and3A_891 = arith.andi %xor3A_882, %and3A_890 : vector<16xi32>
        %or3A_892 = arith.ori %shift_left3A_888, %and3A_891 : vector<16xi32>
        %add3A_893 = arith.addi %shift_left3A_14, %or3A_892 : vector<16xi32>
        %gather3A_894 = tpu.vector_load_idx %arg8[%shift_right_arithmetic3A_7, %add3A_893] : memref<4x4096xf32, #tpu.memory_space<vmem>>[vector<16xi32>, vector<16xi32>], vector<16xf32>,
        %gather3A_895 = tpu.vector_load_idx %arg8[%add3A_10, %add3A_893] : memref<4x4096xf32, #tpu.memory_space<vmem>>[vector<16xi32>, vector<16xi32>], vector<16xf32>,
        %eq3A_896 = arith.cmpf oeq, %gather3A_894, %max3A_868 : vector<16xf32>
        %min3A_897 = arith.minsi %select_n3A_870, %xor3A_882 : vector<16xi32>
        %select_n3A_898 = arith.select %eq3A_896, %min3A_897, %select_n3A_870 : vector<16xi1>, vector<16xi32>
        %max3A_899 = arith.maximumf %gather3A_894, %max3A_868 : vector<16xf32>
        %gt3A_900 = arith.cmpf ogt, %gather3A_894, %max3A_868 : vector<16xf32>
        %select_n3A_901 = arith.select %gt3A_900, %xor3A_882, %select_n3A_898 : vector<16xi1>, vector<16xi32>
        %eq3A_902 = arith.cmpf oeq, %gather3A_895, %max3A_874 : vector<16xf32>
        %min3A_903 = arith.minsi %select_n3A_876, %xor3A_882 : vector<16xi32>
        %select_n3A_904 = arith.select %eq3A_902, %min3A_903, %select_n3A_876 : vector<16xi1>, vector<16xi32>
        %max3A_905 = arith.maximumf %gather3A_895, %max3A_874 : vector<16xf32>
        %gt3A_906 = arith.cmpf ogt, %gather3A_895, %max3A_874 : vector<16xf32>
        %select_n3A_907 = arith.select %gt3A_906, %xor3A_882, %select_n3A_904 : vector<16xi1>, vector<16xi32>
        %mul3A_908 = arith.constant 8 : i32
        %mul3A_909 = arith.muli %scan3A_754, %mul3A_908 : i32
        %add3A_910 = arith.constant 5 : i32
        %add3A_911 = arith.addi %mul3A_909, %add3A_910 : i32
        %broadcast_in_dim3A_912 = vector.broadcast %add3A_911 : i32 to vector<16xi32>
        %xor3A_913 = arith.xori %broadcast_in_dim3A_912, %iota3A : vector<16xi32>
        %and3A_914 = arith.constant 384 : i32
        %and3A_915 = vector.broadcast %and3A_914 : i32 to vector<16xi32>
        %and3A_916 = arith.andi %xor3A_913, %and3A_915 : vector<16xi32>
        %shift_left3A_917 = arith.constant 3 : i32
        %shift_left3A_918 = vector.broadcast %shift_left3A_917 : i32 to vector<16xi32>
        %shift_left3A_919 = arith.shli %and3A_916, %shift_left3A_918 : vector<16xi32>
        %and3A_920 = arith.constant 127 : i32
        %and3A_921 = vector.broadcast %and3A_920 : i32 to vector<16xi32>
        %and3A_922 = arith.andi %xor3A_913, %and3A_921 : vector<16xi32>
        %or3A_923 = arith.ori %shift_left3A_919, %and3A_922 : vector<16xi32>
        %add3A_924 = arith.addi %shift_left3A_14, %or3A_923 : vector<16xi32>
        %gather3A_925 = tpu.vector_load_idx %arg8[%shift_right_arithmetic3A_7, %add3A_924] : memref<4x4096xf32, #tpu.memory_space<vmem>>[vector<16xi32>, vector<16xi32>], vector<16xf32>,
        %gather3A_926 = tpu.vector_load_idx %arg8[%add3A_10, %add3A_924] : memref<4x4096xf32, #tpu.memory_space<vmem>>[vector<16xi32>, vector<16xi32>], vector<16xf32>,
        %eq3A_927 = arith.cmpf oeq, %gather3A_925, %max3A_899 : vector<16xf32>
        %min3A_928 = arith.minsi %select_n3A_901, %xor3A_913 : vector<16xi32>
        %select_n3A_929 = arith.select %eq3A_927, %min3A_928, %select_n3A_901 : vector<16xi1>, vector<16xi32>
        %max3A_930 = arith.maximumf %gather3A_925, %max3A_899 : vector<16xf32>
        %gt3A_931 = arith.cmpf ogt, %gather3A_925, %max3A_899 : vector<16xf32>
        %select_n3A_932 = arith.select %gt3A_931, %xor3A_913, %select_n3A_929 : vector<16xi1>, vector<16xi32>
        %eq3A_933 = arith.cmpf oeq, %gather3A_926, %max3A_905 : vector<16xf32>
        %min3A_934 = arith.minsi %select_n3A_907, %xor3A_913 : vector<16xi32>
        %select_n3A_935 = arith.select %eq3A_933, %min3A_934, %select_n3A_907 : vector<16xi1>, vector<16xi32>
        %max3A_936 = arith.maximumf %gather3A_926, %max3A_905 : vector<16xf32>
        %gt3A_937 = arith.cmpf ogt, %gather3A_926, %max3A_905 : vector<16xf32>
        %select_n3A_938 = arith.select %gt3A_937, %xor3A_913, %select_n3A_935 : vector<16xi1>, vector<16xi32>
        %mul3A_939 = arith.constant 8 : i32
        %mul3A_940 = arith.muli %scan3A_754, %mul3A_939 : i32
        %add3A_941 = arith.constant 6 : i32
        %add3A_942 = arith.addi %mul3A_940, %add3A_941 : i32
        %broadcast_in_dim3A_943 = vector.broadcast %add3A_942 : i32 to vector<16xi32>
        %xor3A_944 = arith.xori %broadcast_in_dim3A_943, %iota3A : vector<16xi32>
        %and3A_945 = arith.constant 384 : i32
        %and3A_946 = vector.broadcast %and3A_945 : i32 to vector<16xi32>
        %and3A_947 = arith.andi %xor3A_944, %and3A_946 : vector<16xi32>
        %shift_left3A_948 = arith.constant 3 : i32
        %shift_left3A_949 = vector.broadcast %shift_left3A_948 : i32 to vector<16xi32>
        %shift_left3A_950 = arith.shli %and3A_947, %shift_left3A_949 : vector<16xi32>
        %and3A_951 = arith.constant 127 : i32
        %and3A_952 = vector.broadcast %and3A_951 : i32 to vector<16xi32>
        %and3A_953 = arith.andi %xor3A_944, %and3A_952 : vector<16xi32>
        %or3A_954 = arith.ori %shift_left3A_950, %and3A_953 : vector<16xi32>
        %add3A_955 = arith.addi %shift_left3A_14, %or3A_954 : vector<16xi32>
        %gather3A_956 = tpu.vector_load_idx %arg8[%shift_right_arithmetic3A_7, %add3A_955] : memref<4x4096xf32, #tpu.memory_space<vmem>>[vector<16xi32>, vector<16xi32>], vector<16xf32>,
        %gather3A_957 = tpu.vector_load_idx %arg8[%add3A_10, %add3A_955] : memref<4x4096xf32, #tpu.memory_space<vmem>>[vector<16xi32>, vector<16xi32>], vector<16xf32>,
        %eq3A_958 = arith.cmpf oeq, %gather3A_956, %max3A_930 : vector<16xf32>
        %min3A_959 = arith.minsi %select_n3A_932, %xor3A_944 : vector<16xi32>
        %select_n3A_960 = arith.select %eq3A_958, %min3A_959, %select_n3A_932 : vector<16xi1>, vector<16xi32>
        %max3A_961 = arith.maximumf %gather3A_956, %max3A_930 : vector<16xf32>
        %gt3A_962 = arith.cmpf ogt, %gather3A_956, %max3A_930 : vector<16xf32>
        %select_n3A_963 = arith.select %gt3A_962, %xor3A_944, %select_n3A_960 : vector<16xi1>, vector<16xi32>
        %eq3A_964 = arith.cmpf oeq, %gather3A_957, %max3A_936 : vector<16xf32>
        %min3A_965 = arith.minsi %select_n3A_938, %xor3A_944 : vector<16xi32>
        %select_n3A_966 = arith.select %eq3A_964, %min3A_965, %select_n3A_938 : vector<16xi1>, vector<16xi32>
        %max3A_967 = arith.maximumf %gather3A_957, %max3A_936 : vector<16xf32>
        %gt3A_968 = arith.cmpf ogt, %gather3A_957, %max3A_936 : vector<16xf32>
        %select_n3A_969 = arith.select %gt3A_968, %xor3A_944, %select_n3A_966 : vector<16xi1>, vector<16xi32>
        %mul3A_970 = arith.constant 8 : i32
        %mul3A_971 = arith.muli %scan3A_754, %mul3A_970 : i32
        %add3A_972 = arith.constant 7 : i32
        %add3A_973 = arith.addi %mul3A_971, %add3A_972 : i32
        %broadcast_in_dim3A_974 = vector.broadcast %add3A_973 : i32 to vector<16xi32>
        %xor3A_975 = arith.xori %broadcast_in_dim3A_974, %iota3A : vector<16xi32>
        %and3A_976 = arith.constant 384 : i32
        %and3A_977 = vector.broadcast %and3A_976 : i32 to vector<16xi32>
        %and3A_978 = arith.andi %xor3A_975, %and3A_977 : vector<16xi32>
        %shift_left3A_979 = arith.constant 3 : i32
        %shift_left3A_980 = vector.broadcast %shift_left3A_979 : i32 to vector<16xi32>
        %shift_left3A_981 = arith.shli %and3A_978, %shift_left3A_980 : vector<16xi32>
        %and3A_982 = arith.constant 127 : i32
        %and3A_983 = vector.broadcast %and3A_982 : i32 to vector<16xi32>
        %and3A_984 = arith.andi %xor3A_975, %and3A_983 : vector<16xi32>
        %or3A_985 = arith.ori %shift_left3A_981, %and3A_984 : vector<16xi32>
        %add3A_986 = arith.addi %shift_left3A_14, %or3A_985 : vector<16xi32>
        %gather3A_987 = tpu.vector_load_idx %arg8[%shift_right_arithmetic3A_7, %add3A_986] : memref<4x4096xf32, #tpu.memory_space<vmem>>[vector<16xi32>, vector<16xi32>], vector<16xf32>,
        %gather3A_988 = tpu.vector_load_idx %arg8[%add3A_10, %add3A_986] : memref<4x4096xf32, #tpu.memory_space<vmem>>[vector<16xi32>, vector<16xi32>], vector<16xf32>,
        %eq3A_989 = arith.cmpf oeq, %gather3A_987, %max3A_961 : vector<16xf32>
        %min3A_990 = arith.minsi %select_n3A_963, %xor3A_975 : vector<16xi32>
        %select_n3A_991 = arith.select %eq3A_989, %min3A_990, %select_n3A_963 : vector<16xi1>, vector<16xi32>
        %max3A_992 = arith.maximumf %gather3A_987, %max3A_961 : vector<16xf32>
        %gt3A_993 = arith.cmpf ogt, %gather3A_987, %max3A_961 : vector<16xf32>
        %select_n3A_994 = arith.select %gt3A_993, %xor3A_975, %select_n3A_991 : vector<16xi1>, vector<16xi32>
        %eq3A_995 = arith.cmpf oeq, %gather3A_988, %max3A_967 : vector<16xf32>
        %min3A_996 = arith.minsi %select_n3A_969, %xor3A_975 : vector<16xi32>
        %select_n3A_997 = arith.select %eq3A_995, %min3A_996, %select_n3A_969 : vector<16xi1>, vector<16xi32>
        %max3A_998 = arith.maximumf %gather3A_988, %max3A_967 : vector<16xf32>
        %gt3A_999 = arith.cmpf ogt, %gather3A_988, %max3A_967 : vector<16xf32>
        %select_n3A_1000 = arith.select %gt3A_999, %xor3A_975, %select_n3A_997 : vector<16xi1>, vector<16xi32>
        scf.yield %max3A_992, %select_n3A_994, %max3A_998, %select_n3A_1000 : vector<16xf32>, vector<16xi32>, vector<16xf32>, vector<16xi32>
      }
      %scan3A_465 = arith.constant 64 : i32
      %add3A_466 = arith.constant 2 : i32
      %add3A_467 = arith.addi %add3A_442, %add3A_466 : i32
      %min3A_468 = arith.constant 31 : i32
      %min3A_469 = arith.minsi %add3A_467, %min3A_468 : i32
      %mul3A_470 = arith.constant 4 : i32
      %mul3A_471 = arith.muli %min3A_469, %mul3A_470 : i32
      %dma_start3A_472 = arith.constant 0 : i32
      %dma_start3A_473 = tpu.memref_slice %arg3[%squeeze3A, %mul3A_471, %dma_start3A_472] : memref<100x128x4096xf32, #tpu.memory_space<hbm>> -> memref<1x4x4096xf32, #tpu.memory_space<hbm>>
      %dma_start3A_474 = tpu.memref_squeeze %dma_start3A_473 : memref<1x4x4096xf32, #tpu.memory_space<hbm>> -> memref<4x4096xf32, #tpu.memory_space<hbm>>
      %dma_start3A_475 = arith.constant 0 : i32
      %dma_start3A_476 = tpu.memref_slice %arg3[%squeeze3A, %mul3A_471, %dma_start3A_475] : memref<100x128x4096xf32, #tpu.memory_space<hbm>> -> memref<1x4x4096xf32, #tpu.memory_space<hbm>>
      %dma_start3A_477 = tpu.memref_squeeze %dma_start3A_476 : memref<1x4x4096xf32, #tpu.memory_space<hbm>> -> memref<4x4096xf32, #tpu.memory_space<hbm>>
      tpu.enqueue_dma source(%dma_start3A_477 : memref<4x4096xf32, #tpu.memory_space<hbm>>) target(%arg8 : memref<4x4096xf32, #tpu.memory_space<vmem>>) target_semaphore(%arg14 : memref<!tpu.dma_semaphore, #tpu.memory_space<semaphore_mem>>)
      %convert_element_type3A_478 = arith.extui %ge3A_444 : i1 to i32
      %cond3A_479 = arith.constant 0 : i32
      %cond3A_480 = arith.cmpi ne, %convert_element_type3A_478, %cond3A_479 : i32
      scf.if %cond3A_480 {
        %dma_wait3A_754 = arith.constant 0 : i32
        %dma_wait3A_755 = arith.constant 0 : i32
        %dma_wait3A_756 = arith.constant 0 : i32
        %dma_wait3A_757 = tpu.memref_slice %arg5[%dma_wait3A_754, %dma_wait3A_755, %dma_wait3A_756] : memref<1024x512x16xf32, #tpu.memory_space<hbm>> -> memref<1x512x16xf32, #tpu.memory_space<hbm>>
        %dma_wait3A_758 = tpu.memref_squeeze %dma_wait3A_757 : memref<1x512x16xf32, #tpu.memory_space<hbm>> -> memref<512x16xf32, #tpu.memory_space<hbm>>
        %dma_wait3A_759 = arith.constant 0 : i32
        %dma_wait3A_760 = arith.constant 0 : i32
        %dma_wait3A_761 = tpu.memref_slice %arg5[%dma_wait3A_754, %dma_wait3A_759, %dma_wait3A_760] : memref<1024x512x16xf32, #tpu.memory_space<hbm>> -> memref<1x512x16xf32, #tpu.memory_space<hbm>>
        %dma_wait3A_762 = tpu.memref_squeeze %dma_wait3A_761 : memref<1x512x16xf32, #tpu.memory_space<hbm>> -> memref<512x16xf32, #tpu.memory_space<hbm>>
        tpu.wait_dma2 semaphore(%arg18 : memref<!tpu.dma_semaphore, #tpu.memory_space<semaphore_mem>>) src(%arg12 : memref<512x16xf32, #tpu.memory_space<vmem>>) dst(%dma_wait3A_762 : memref<512x16xf32, #tpu.memory_space<hbm>>)
      } else {
      }
      %mul3A_481 = arith.constant 16 : i32
      %mul3A_482 = vector.broadcast %mul3A_481 : i32 to vector<16xi32>
      %mul3A_483 = arith.muli %scan3A_464#1, %mul3A_482 : vector<16xi32>
      %mul3A_484 = arith.constant 16 : i32
      %mul3A_485 = vector.broadcast %mul3A_484 : i32 to vector<16xi32>
      %mul3A_486 = arith.muli %scan3A_464#3, %mul3A_485 : vector<16xi32>
      %add3A_487 = arith.constant 0 : i32
      %add3A_488 = vector.broadcast %add3A_487 : i32 to vector<16xi32>
      %add3A_489 = arith.addi %mul3A_483, %add3A_488 : vector<16xi32>
      %swap3A_490 = arith.constant 0 : i32
      %swap3A_491 = arith.index_cast %swap3A_490 : i32 to index
      %swap3A_492 = arith.constant 0 : index
      %swap3A_493 = tpu.vector_load %arg10[%swap3A_491, %swap3A_492] {strides = array<i32>} : memref<4x128xi32, #tpu.memory_space<vmem>>, vector<16xi32>,
      tpu.vector_store %arg10[%swap3A_491, %swap3A_492], %add3A_489 {strides = array<i32>} : memref<4x128xi32, #tpu.memory_space<vmem>>, vector<16xi32>,
      %add3A_494 = arith.constant 0 : i32
      %add3A_495 = vector.broadcast %add3A_494 : i32 to vector<16xi32>
      %add3A_496 = arith.addi %mul3A_486, %add3A_495 : vector<16xi32>
      %swap3A_497 = arith.constant 0 : i32
      %swap3A_498 = arith.index_cast %swap3A_497 : i32 to index
      %swap3A_499 = arith.constant 16 : index
      %swap3A_500 = tpu.vector_load %arg10[%swap3A_498, %swap3A_499] {strides = array<i32>} : memref<4x128xi32, #tpu.memory_space<vmem>>, vector<16xi32>,
      tpu.vector_store %arg10[%swap3A_498, %swap3A_499], %add3A_496 {strides = array<i32>} : memref<4x128xi32, #tpu.memory_space<vmem>>, vector<16xi32>,
      %add3A_501 = arith.constant 1 : i32
      %add3A_502 = vector.broadcast %add3A_501 : i32 to vector<16xi32>
      %add3A_503 = arith.addi %mul3A_483, %add3A_502 : vector<16xi32>
      %swap3A_504 = arith.constant 0 : i32
      %swap3A_505 = arith.index_cast %swap3A_504 : i32 to index
      %swap3A_506 = arith.constant 32 : index
      %swap3A_507 = tpu.vector_load %arg10[%swap3A_505, %swap3A_506] {strides = array<i32>} : memref<4x128xi32, #tpu.memory_space<vmem>>, vector<16xi32>,
      tpu.vector_store %arg10[%swap3A_505, %swap3A_506], %add3A_503 {strides = array<i32>} : memref<4x128xi32, #tpu.memory_space<vmem>>, vector<16xi32>,
      %add3A_508 = arith.constant 1 : i32
      %add3A_509 = vector.broadcast %add3A_508 : i32 to vector<16xi32>
      %add3A_510 = arith.addi %mul3A_486, %add3A_509 : vector<16xi32>
      %swap3A_511 = arith.constant 0 : i32
      %swap3A_512 = arith.index_cast %swap3A_511 : i32 to index
      %swap3A_513 = arith.constant 48 : index
      %swap3A_514 = tpu.vector_load %arg10[%swap3A_512, %swap3A_513] {strides = array<i32>} : memref<4x128xi32, #tpu.memory_space<vmem>>, vector<16xi32>,
      tpu.vector_store %arg10[%swap3A_512, %swap3A_513], %add3A_510 {strides = array<i32>} : memref<4x128xi32, #tpu.memory_space<vmem>>, vector<16xi32>,
      %add3A_515 = arith.constant 2 : i32
      %add3A_516 = vector.broadcast %add3A_515 : i32 to vector<16xi32>
      %add3A_517 = arith.addi %mul3A_483, %add3A_516 : vector<16xi32>
      %swap3A_518 = arith.constant 0 : i32
      %swap3A_519 = arith.index_cast %swap3A_518 : i32 to index
      %swap3A_520 = arith.constant 64 : index
      %swap3A_521 = tpu.vector_load %arg10[%swap3A_519, %swap3A_520] {strides = array<i32>} : memref<4x128xi32, #tpu.memory_space<vmem>>, vector<16xi32>,
      tpu.vector_store %arg10[%swap3A_519, %swap3A_520], %add3A_517 {strides = array<i32>} : memref<4x128xi32, #tpu.memory_space<vmem>>, vector<16xi32>,
      %add3A_522 = arith.constant 2 : i32
      %add3A_523 = vector.broadcast %add3A_522 : i32 to vector<16xi32>
      %add3A_524 = arith.addi %mul3A_486, %add3A_523 : vector<16xi32>
      %swap3A_525 = arith.constant 0 : i32
      %swap3A_526 = arith.index_cast %swap3A_525 : i32 to index
      %swap3A_527 = arith.constant 80 : index
      %swap3A_528 = tpu.vector_load %arg10[%swap3A_526, %swap3A_527] {strides = array<i32>} : memref<4x128xi32, #tpu.memory_space<vmem>>, vector<16xi32>,
      tpu.vector_store %arg10[%swap3A_526, %swap3A_527], %add3A_524 {strides = array<i32>} : memref<4x128xi32, #tpu.memory_space<vmem>>, vector<16xi32>,
      %add3A_529 = arith.constant 3 : i32
      %add3A_530 = vector.broadcast %add3A_529 : i32 to vector<16xi32>
      %add3A_531 = arith.addi %mul3A_483, %add3A_530 : vector<16xi32>
      %swap3A_532 = arith.constant 0 : i32
      %swap3A_533 = arith.index_cast %swap3A_532 : i32 to index
      %swap3A_534 = arith.constant 96 : index
      %swap3A_535 = tpu.vector_load %arg10[%swap3A_533, %swap3A_534] {strides = array<i32>} : memref<4x128xi32, #tpu.memory_space<vmem>>, vector<16xi32>,
      tpu.vector_store %arg10[%swap3A_533, %swap3A_534], %add3A_531 {strides = array<i32>} : memref<4x128xi32, #tpu.memory_space<vmem>>, vector<16xi32>,
      %add3A_536 = arith.constant 3 : i32
      %add3A_537 = vector.broadcast %add3A_536 : i32 to vector<16xi32>
      %add3A_538 = arith.addi %mul3A_486, %add3A_537 : vector<16xi32>
      %swap3A_539 = arith.constant 0 : i32
      %swap3A_540 = arith.index_cast %swap3A_539 : i32 to index
      %swap3A_541 = arith.constant 112 : index
      %swap3A_542 = tpu.vector_load %arg10[%swap3A_540, %swap3A_541] {strides = array<i32>} : memref<4x128xi32, #tpu.memory_space<vmem>>, vector<16xi32>,
      tpu.vector_store %arg10[%swap3A_540, %swap3A_541], %add3A_538 {strides = array<i32>} : memref<4x128xi32, #tpu.memory_space<vmem>>, vector<16xi32>,
      %add3A_543 = arith.constant 4 : i32
      %add3A_544 = vector.broadcast %add3A_543 : i32 to vector<16xi32>
      %add3A_545 = arith.addi %mul3A_483, %add3A_544 : vector<16xi32>
      %swap3A_546 = arith.constant 1 : i32
      %swap3A_547 = arith.index_cast %swap3A_546 : i32 to index
      %swap3A_548 = arith.constant 0 : index
      %swap3A_549 = tpu.vector_load %arg10[%swap3A_547, %swap3A_548] {strides = array<i32>} : memref<4x128xi32, #tpu.memory_space<vmem>>, vector<16xi32>,
      tpu.vector_store %arg10[%swap3A_547, %swap3A_548], %add3A_545 {strides = array<i32>} : memref<4x128xi32, #tpu.memory_space<vmem>>, vector<16xi32>,
      %add3A_550 = arith.constant 4 : i32
      %add3A_551 = vector.broadcast %add3A_550 : i32 to vector<16xi32>
      %add3A_552 = arith.addi %mul3A_486, %add3A_551 : vector<16xi32>
      %swap3A_553 = arith.constant 1 : i32
      %swap3A_554 = arith.index_cast %swap3A_553 : i32 to index
      %swap3A_555 = arith.constant 16 : index
      %swap3A_556 = tpu.vector_load %arg10[%swap3A_554, %swap3A_555] {strides = array<i32>} : memref<4x128xi32, #tpu.memory_space<vmem>>, vector<16xi32>,
      tpu.vector_store %arg10[%swap3A_554, %swap3A_555], %add3A_552 {strides = array<i32>} : memref<4x128xi32, #tpu.memory_space<vmem>>, vector<16xi32>,
      %add3A_557 = arith.constant 5 : i32
      %add3A_558 = vector.broadcast %add3A_557 : i32 to vector<16xi32>
      %add3A_559 = arith.addi %mul3A_483, %add3A_558 : vector<16xi32>
      %swap3A_560 = arith.constant 1 : i32
      %swap3A_561 = arith.index_cast %swap3A_560 : i32 to index
      %swap3A_562 = arith.constant 32 : index
      %swap3A_563 = tpu.vector_load %arg10[%swap3A_561, %swap3A_562] {strides = array<i32>} : memref<4x128xi32, #tpu.memory_space<vmem>>, vector<16xi32>,
      tpu.vector_store %arg10[%swap3A_561, %swap3A_562], %add3A_559 {strides = array<i32>} : memref<4x128xi32, #tpu.memory_space<vmem>>, vector<16xi32>,
      %add3A_564 = arith.constant 5 : i32
      %add3A_565 = vector.broadcast %add3A_564 : i32 to vector<16xi32>
      %add3A_566 = arith.addi %mul3A_486, %add3A_565 : vector<16xi32>
      %swap3A_567 = arith.constant 1 : i32
      %swap3A_568 = arith.index_cast %swap3A_567 : i32 to index
      %swap3A_569 = arith.constant 48 : index
      %swap3A_570 = tpu.vector_load %arg10[%swap3A_568, %swap3A_569] {strides = array<i32>} : memref<4x128xi32, #tpu.memory_space<vmem>>, vector<16xi32>,
      tpu.vector_store %arg10[%swap3A_568, %swap3A_569], %add3A_566 {strides = array<i32>} : memref<4x128xi32, #tpu.memory_space<vmem>>, vector<16xi32>,
      %add3A_571 = arith.constant 6 : i32
      %add3A_572 = vector.broadcast %add3A_571 : i32 to vector<16xi32>
      %add3A_573 = arith.addi %mul3A_483, %add3A_572 : vector<16xi32>
      %swap3A_574 = arith.constant 1 : i32
      %swap3A_575 = arith.index_cast %swap3A_574 : i32 to index
      %swap3A_576 = arith.constant 64 : index
      %swap3A_577 = tpu.vector_load %arg10[%swap3A_575, %swap3A_576] {strides = array<i32>} : memref<4x128xi32, #tpu.memory_space<vmem>>, vector<16xi32>,
      tpu.vector_store %arg10[%swap3A_575, %swap3A_576], %add3A_573 {strides = array<i32>} : memref<4x128xi32, #tpu.memory_space<vmem>>, vector<16xi32>,
      %add3A_578 = arith.constant 6 : i32
      %add3A_579 = vector.broadcast %add3A_578 : i32 to vector<16xi32>
      %add3A_580 = arith.addi %mul3A_486, %add3A_579 : vector<16xi32>
      %swap3A_581 = arith.constant 1 : i32
      %swap3A_582 = arith.index_cast %swap3A_581 : i32 to index
      %swap3A_583 = arith.constant 80 : index
      %swap3A_584 = tpu.vector_load %arg10[%swap3A_582, %swap3A_583] {strides = array<i32>} : memref<4x128xi32, #tpu.memory_space<vmem>>, vector<16xi32>,
      tpu.vector_store %arg10[%swap3A_582, %swap3A_583], %add3A_580 {strides = array<i32>} : memref<4x128xi32, #tpu.memory_space<vmem>>, vector<16xi32>,
      %add3A_585 = arith.constant 7 : i32
      %add3A_586 = vector.broadcast %add3A_585 : i32 to vector<16xi32>
      %add3A_587 = arith.addi %mul3A_483, %add3A_586 : vector<16xi32>
      %swap3A_588 = arith.constant 1 : i32
      %swap3A_589 = arith.index_cast %swap3A_588 : i32 to index
      %swap3A_590 = arith.constant 96 : index
      %swap3A_591 = tpu.vector_load %arg10[%swap3A_589, %swap3A_590] {strides = array<i32>} : memref<4x128xi32, #tpu.memory_space<vmem>>, vector<16xi32>,
      tpu.vector_store %arg10[%swap3A_589, %swap3A_590], %add3A_587 {strides = array<i32>} : memref<4x128xi32, #tpu.memory_space<vmem>>, vector<16xi32>,
      %add3A_592 = arith.constant 7 : i32
      %add3A_593 = vector.broadcast %add3A_592 : i32 to vector<16xi32>
      %add3A_594 = arith.addi %mul3A_486, %add3A_593 : vector<16xi32>
      %swap3A_595 = arith.constant 1 : i32
      %swap3A_596 = arith.index_cast %swap3A_595 : i32 to index
      %swap3A_597 = arith.constant 112 : index
      %swap3A_598 = tpu.vector_load %arg10[%swap3A_596, %swap3A_597] {strides = array<i32>} : memref<4x128xi32, #tpu.memory_space<vmem>>, vector<16xi32>,
      tpu.vector_store %arg10[%swap3A_596, %swap3A_597], %add3A_594 {strides = array<i32>} : memref<4x128xi32, #tpu.memory_space<vmem>>, vector<16xi32>,
      %add3A_599 = arith.constant 8 : i32
      %add3A_600 = vector.broadcast %add3A_599 : i32 to vector<16xi32>
      %add3A_601 = arith.addi %mul3A_483, %add3A_600 : vector<16xi32>
      %swap3A_602 = arith.constant 2 : i32
      %swap3A_603 = arith.index_cast %swap3A_602 : i32 to index
      %swap3A_604 = arith.constant 0 : index
      %swap3A_605 = tpu.vector_load %arg10[%swap3A_603, %swap3A_604] {strides = array<i32>} : memref<4x128xi32, #tpu.memory_space<vmem>>, vector<16xi32>,
      tpu.vector_store %arg10[%swap3A_603, %swap3A_604], %add3A_601 {strides = array<i32>} : memref<4x128xi32, #tpu.memory_space<vmem>>, vector<16xi32>,
      %add3A_606 = arith.constant 8 : i32
      %add3A_607 = vector.broadcast %add3A_606 : i32 to vector<16xi32>
      %add3A_608 = arith.addi %mul3A_486, %add3A_607 : vector<16xi32>
      %swap3A_609 = arith.constant 2 : i32
      %swap3A_610 = arith.index_cast %swap3A_609 : i32 to index
      %swap3A_611 = arith.constant 16 : index
      %swap3A_612 = tpu.vector_load %arg10[%swap3A_610, %swap3A_611] {strides = array<i32>} : memref<4x128xi32, #tpu.memory_space<vmem>>, vector<16xi32>,
      tpu.vector_store %arg10[%swap3A_610, %swap3A_611], %add3A_608 {strides = array<i32>} : memref<4x128xi32, #tpu.memory_space<vmem>>, vector<16xi32>,
      %add3A_613 = arith.constant 9 : i32
      %add3A_614 = vector.broadcast %add3A_613 : i32 to vector<16xi32>
      %add3A_615 = arith.addi %mul3A_483, %add3A_614 : vector<16xi32>
      %swap3A_616 = arith.constant 2 : i32
      %swap3A_617 = arith.index_cast %swap3A_616 : i32 to index
      %swap3A_618 = arith.constant 32 : index
      %swap3A_619 = tpu.vector_load %arg10[%swap3A_617, %swap3A_618] {strides = array<i32>} : memref<4x128xi32, #tpu.memory_space<vmem>>, vector<16xi32>,
      tpu.vector_store %arg10[%swap3A_617, %swap3A_618], %add3A_615 {strides = array<i32>} : memref<4x128xi32, #tpu.memory_space<vmem>>, vector<16xi32>,
      %add3A_620 = arith.constant 9 : i32
      %add3A_621 = vector.broadcast %add3A_620 : i32 to vector<16xi32>
      %add3A_622 = arith.addi %mul3A_486, %add3A_621 : vector<16xi32>
      %swap3A_623 = arith.constant 2 : i32
      %swap3A_624 = arith.index_cast %swap3A_623 : i32 to index
      %swap3A_625 = arith.constant 48 : index
      %swap3A_626 = tpu.vector_load %arg10[%swap3A_624, %swap3A_625] {strides = array<i32>} : memref<4x128xi32, #tpu.memory_space<vmem>>, vector<16xi32>,
      tpu.vector_store %arg10[%swap3A_624, %swap3A_625], %add3A_622 {strides = array<i32>} : memref<4x128xi32, #tpu.memory_space<vmem>>, vector<16xi32>,
      %add3A_627 = arith.constant 10 : i32
      %add3A_628 = vector.broadcast %add3A_627 : i32 to vector<16xi32>
      %add3A_629 = arith.addi %mul3A_483, %add3A_628 : vector<16xi32>
      %swap3A_630 = arith.constant 2 : i32
      %swap3A_631 = arith.index_cast %swap3A_630 : i32 to index
      %swap3A_632 = arith.constant 64 : index
      %swap3A_633 = tpu.vector_load %arg10[%swap3A_631, %swap3A_632] {strides = array<i32>} : memref<4x128xi32, #tpu.memory_space<vmem>>, vector<16xi32>,
      tpu.vector_store %arg10[%swap3A_631, %swap3A_632], %add3A_629 {strides = array<i32>} : memref<4x128xi32, #tpu.memory_space<vmem>>, vector<16xi32>,
      %add3A_634 = arith.constant 10 : i32
      %add3A_635 = vector.broadcast %add3A_634 : i32 to vector<16xi32>
      %add3A_636 = arith.addi %mul3A_486, %add3A_635 : vector<16xi32>
      %swap3A_637 = arith.constant 2 : i32
      %swap3A_638 = arith.index_cast %swap3A_637 : i32 to index
      %swap3A_639 = arith.constant 80 : index
      %swap3A_640 = tpu.vector_load %arg10[%swap3A_638, %swap3A_639] {strides = array<i32>} : memref<4x128xi32, #tpu.memory_space<vmem>>, vector<16xi32>,
      tpu.vector_store %arg10[%swap3A_638, %swap3A_639], %add3A_636 {strides = array<i32>} : memref<4x128xi32, #tpu.memory_space<vmem>>, vector<16xi32>,
      %add3A_641 = arith.constant 11 : i32
      %add3A_642 = vector.broadcast %add3A_641 : i32 to vector<16xi32>
      %add3A_643 = arith.addi %mul3A_483, %add3A_642 : vector<16xi32>
      %swap3A_644 = arith.constant 2 : i32
      %swap3A_645 = arith.index_cast %swap3A_644 : i32 to index
      %swap3A_646 = arith.constant 96 : index
      %swap3A_647 = tpu.vector_load %arg10[%swap3A_645, %swap3A_646] {strides = array<i32>} : memref<4x128xi32, #tpu.memory_space<vmem>>, vector<16xi32>,
      tpu.vector_store %arg10[%swap3A_645, %swap3A_646], %add3A_643 {strides = array<i32>} : memref<4x128xi32, #tpu.memory_space<vmem>>, vector<16xi32>,
      %add3A_648 = arith.constant 11 : i32
      %add3A_649 = vector.broadcast %add3A_648 : i32 to vector<16xi32>
      %add3A_650 = arith.addi %mul3A_486, %add3A_649 : vector<16xi32>
      %swap3A_651 = arith.constant 2 : i32
      %swap3A_652 = arith.index_cast %swap3A_651 : i32 to index
      %swap3A_653 = arith.constant 112 : index
      %swap3A_654 = tpu.vector_load %arg10[%swap3A_652, %swap3A_653] {strides = array<i32>} : memref<4x128xi32, #tpu.memory_space<vmem>>, vector<16xi32>,
      tpu.vector_store %arg10[%swap3A_652, %swap3A_653], %add3A_650 {strides = array<i32>} : memref<4x128xi32, #tpu.memory_space<vmem>>, vector<16xi32>,
      %add3A_655 = arith.constant 12 : i32
      %add3A_656 = vector.broadcast %add3A_655 : i32 to vector<16xi32>
      %add3A_657 = arith.addi %mul3A_483, %add3A_656 : vector<16xi32>
      %swap3A_658 = arith.constant 3 : i32
      %swap3A_659 = arith.index_cast %swap3A_658 : i32 to index
      %swap3A_660 = arith.constant 0 : index
      %swap3A_661 = tpu.vector_load %arg10[%swap3A_659, %swap3A_660] {strides = array<i32>} : memref<4x128xi32, #tpu.memory_space<vmem>>, vector<16xi32>,
      tpu.vector_store %arg10[%swap3A_659, %swap3A_660], %add3A_657 {strides = array<i32>} : memref<4x128xi32, #tpu.memory_space<vmem>>, vector<16xi32>,
      %add3A_662 = arith.constant 12 : i32
      %add3A_663 = vector.broadcast %add3A_662 : i32 to vector<16xi32>
      %add3A_664 = arith.addi %mul3A_486, %add3A_663 : vector<16xi32>
      %swap3A_665 = arith.constant 3 : i32
      %swap3A_666 = arith.index_cast %swap3A_665 : i32 to index
      %swap3A_667 = arith.constant 16 : index
      %swap3A_668 = tpu.vector_load %arg10[%swap3A_666, %swap3A_667] {strides = array<i32>} : memref<4x128xi32, #tpu.memory_space<vmem>>, vector<16xi32>,
      tpu.vector_store %arg10[%swap3A_666, %swap3A_667], %add3A_664 {strides = array<i32>} : memref<4x128xi32, #tpu.memory_space<vmem>>, vector<16xi32>,
      %add3A_669 = arith.constant 13 : i32
      %add3A_670 = vector.broadcast %add3A_669 : i32 to vector<16xi32>
      %add3A_671 = arith.addi %mul3A_483, %add3A_670 : vector<16xi32>
      %swap3A_672 = arith.constant 3 : i32
      %swap3A_673 = arith.index_cast %swap3A_672 : i32 to index
      %swap3A_674 = arith.constant 32 : index
      %swap3A_675 = tpu.vector_load %arg10[%swap3A_673, %swap3A_674] {strides = array<i32>} : memref<4x128xi32, #tpu.memory_space<vmem>>, vector<16xi32>,
      tpu.vector_store %arg10[%swap3A_673, %swap3A_674], %add3A_671 {strides = array<i32>} : memref<4x128xi32, #tpu.memory_space<vmem>>, vector<16xi32>,
      %add3A_676 = arith.constant 13 : i32
      %add3A_677 = vector.broadcast %add3A_676 : i32 to vector<16xi32>
      %add3A_678 = arith.addi %mul3A_486, %add3A_677 : vector<16xi32>
      %swap3A_679 = arith.constant 3 : i32
      %swap3A_680 = arith.index_cast %swap3A_679 : i32 to index
      %swap3A_681 = arith.constant 48 : index
      %swap3A_682 = tpu.vector_load %arg10[%swap3A_680, %swap3A_681] {strides = array<i32>} : memref<4x128xi32, #tpu.memory_space<vmem>>, vector<16xi32>,
      tpu.vector_store %arg10[%swap3A_680, %swap3A_681], %add3A_678 {strides = array<i32>} : memref<4x128xi32, #tpu.memory_space<vmem>>, vector<16xi32>,
      %add3A_683 = arith.constant 14 : i32
      %add3A_684 = vector.broadcast %add3A_683 : i32 to vector<16xi32>
      %add3A_685 = arith.addi %mul3A_483, %add3A_684 : vector<16xi32>
      %swap3A_686 = arith.constant 3 : i32
      %swap3A_687 = arith.index_cast %swap3A_686 : i32 to index
      %swap3A_688 = arith.constant 64 : index
      %swap3A_689 = tpu.vector_load %arg10[%swap3A_687, %swap3A_688] {strides = array<i32>} : memref<4x128xi32, #tpu.memory_space<vmem>>, vector<16xi32>,
      tpu.vector_store %arg10[%swap3A_687, %swap3A_688], %add3A_685 {strides = array<i32>} : memref<4x128xi32, #tpu.memory_space<vmem>>, vector<16xi32>,
      %add3A_690 = arith.constant 14 : i32
      %add3A_691 = vector.broadcast %add3A_690 : i32 to vector<16xi32>
      %add3A_692 = arith.addi %mul3A_486, %add3A_691 : vector<16xi32>
      %swap3A_693 = arith.constant 3 : i32
      %swap3A_694 = arith.index_cast %swap3A_693 : i32 to index
      %swap3A_695 = arith.constant 80 : index
      %swap3A_696 = tpu.vector_load %arg10[%swap3A_694, %swap3A_695] {strides = array<i32>} : memref<4x128xi32, #tpu.memory_space<vmem>>, vector<16xi32>,
      tpu.vector_store %arg10[%swap3A_694, %swap3A_695], %add3A_692 {strides = array<i32>} : memref<4x128xi32, #tpu.memory_space<vmem>>, vector<16xi32>,
      %add3A_697 = arith.constant 15 : i32
      %add3A_698 = vector.broadcast %add3A_697 : i32 to vector<16xi32>
      %add3A_699 = arith.addi %mul3A_483, %add3A_698 : vector<16xi32>
      %swap3A_700 = arith.constant 3 : i32
      %swap3A_701 = arith.index_cast %swap3A_700 : i32 to index
      %swap3A_702 = arith.constant 96 : index
      %swap3A_703 = tpu.vector_load %arg10[%swap3A_701, %swap3A_702] {strides = array<i32>} : memref<4x128xi32, #tpu.memory_space<vmem>>, vector<16xi32>,
      tpu.vector_store %arg10[%swap3A_701, %swap3A_702], %add3A_699 {strides = array<i32>} : memref<4x128xi32, #tpu.memory_space<vmem>>, vector<16xi32>,
      %add3A_704 = arith.constant 15 : i32
      %add3A_705 = vector.broadcast %add3A_704 : i32 to vector<16xi32>
      %add3A_706 = arith.addi %mul3A_486, %add3A_705 : vector<16xi32>
      %swap3A_707 = arith.constant 3 : i32
      %swap3A_708 = arith.index_cast %swap3A_707 : i32 to index
      %swap3A_709 = arith.constant 112 : index
      %swap3A_710 = tpu.vector_load %arg10[%swap3A_708, %swap3A_709] {strides = array<i32>} : memref<4x128xi32, #tpu.memory_space<vmem>>, vector<16xi32>,
      tpu.vector_store %arg10[%swap3A_708, %swap3A_709], %add3A_706 {strides = array<i32>} : memref<4x128xi32, #tpu.memory_space<vmem>>, vector<16xi32>,
      %dma_start3A_711 = arith.constant 0 : i32
      %dma_start3A_712 = arith.constant 0 : i32
      %dma_start3A_713 = arith.constant 0 : i32
      %dma_start3A_714 = tpu.memref_slice %arg12[%dma_start3A_712, %dma_start3A_713] : memref<512x16xf32, #tpu.memory_space<vmem>> -> memref<128x16xf32, #tpu.memory_space<vmem>>
      %dma_start3A_715 = arith.constant 0 : i32
      %dma_start3A_716 = tpu.memref_slice %arg10[%dma_start3A_711, %dma_start3A_715] : memref<4x128xi32, #tpu.memory_space<vmem>> -> memref<1x128xi32, #tpu.memory_space<vmem>>
      %dma_start3A_717 = tpu.memref_squeeze %dma_start3A_716 : memref<1x128xi32, #tpu.memory_space<vmem>> -> memref<128xi32, #tpu.memory_space<vmem>>
      %dma_start3A_718 = arith.constant 0 : i32
      %dma_start3A_719 = arith.constant 0 : i32
      %dma_start3A_720 = tpu.memref_slice %arg4[%dma_start3A_718, %dma_start3A_719] : memref<8192x16xf32, #tpu.memory_space<hbm>> -> memref<8192x16xf32, #tpu.memory_space<hbm>>
      tpu.enqueue_indirect_dma source(%dma_start3A_720 : memref<8192x16xf32, #tpu.memory_space<hbm>>) target(%dma_start3A_714 : memref<128x16xf32, #tpu.memory_space<vmem>>) offsets(%dma_start3A_717 : memref<128xi32, #tpu.memory_space<vmem>>) semaphore(%arg16 : memref<!tpu.dma_semaphore, #tpu.memory_space<semaphore_mem>>)
      %dma_start3A_721 = arith.constant 1 : i32
      %dma_start3A_722 = arith.constant 128 : i32
      %dma_start3A_723 = arith.constant 0 : i32
      %dma_start3A_724 = tpu.memref_slice %arg12[%dma_start3A_722, %dma_start3A_723] : memref<512x16xf32, #tpu.memory_space<vmem>> -> memref<128x16xf32, #tpu.memory_space<vmem>>
      %dma_start3A_725 = arith.constant 0 : i32
      %dma_start3A_726 = tpu.memref_slice %arg10[%dma_start3A_721, %dma_start3A_725] : memref<4x128xi32, #tpu.memory_space<vmem>> -> memref<1x128xi32, #tpu.memory_space<vmem>>
      %dma_start3A_727 = tpu.memref_squeeze %dma_start3A_726 : memref<1x128xi32, #tpu.memory_space<vmem>> -> memref<128xi32, #tpu.memory_space<vmem>>
      %dma_start3A_728 = arith.constant 0 : i32
      %dma_start3A_729 = arith.constant 0 : i32
      %dma_start3A_730 = tpu.memref_slice %arg4[%dma_start3A_728, %dma_start3A_729] : memref<8192x16xf32, #tpu.memory_space<hbm>> -> memref<8192x16xf32, #tpu.memory_space<hbm>>
      tpu.enqueue_indirect_dma source(%dma_start3A_730 : memref<8192x16xf32, #tpu.memory_space<hbm>>) target(%dma_start3A_724 : memref<128x16xf32, #tpu.memory_space<vmem>>) offsets(%dma_start3A_727 : memref<128xi32, #tpu.memory_space<vmem>>) semaphore(%arg16 : memref<!tpu.dma_semaphore, #tpu.memory_space<semaphore_mem>>)
      %dma_start3A_731 = arith.constant 2 : i32
      %dma_start3A_732 = arith.constant 256 : i32
      %dma_start3A_733 = arith.constant 0 : i32
      %dma_start3A_734 = tpu.memref_slice %arg12[%dma_start3A_732, %dma_start3A_733] : memref<512x16xf32, #tpu.memory_space<vmem>> -> memref<128x16xf32, #tpu.memory_space<vmem>>
      %dma_start3A_735 = arith.constant 0 : i32
      %dma_start3A_736 = tpu.memref_slice %arg10[%dma_start3A_731, %dma_start3A_735] : memref<4x128xi32, #tpu.memory_space<vmem>> -> memref<1x128xi32, #tpu.memory_space<vmem>>
      %dma_start3A_737 = tpu.memref_squeeze %dma_start3A_736 : memref<1x128xi32, #tpu.memory_space<vmem>> -> memref<128xi32, #tpu.memory_space<vmem>>
      %dma_start3A_738 = arith.constant 0 : i32
      %dma_start3A_739 = arith.constant 0 : i32
      %dma_start3A_740 = tpu.memref_slice %arg4[%dma_start3A_738, %dma_start3A_739] : memref<8192x16xf32, #tpu.memory_space<hbm>> -> memref<8192x16xf32, #tpu.memory_space<hbm>>
      tpu.enqueue_indirect_dma source(%dma_start3A_740 : memref<8192x16xf32, #tpu.memory_space<hbm>>) target(%dma_start3A_734 : memref<128x16xf32, #tpu.memory_space<vmem>>) offsets(%dma_start3A_737 : memref<128xi32, #tpu.memory_space<vmem>>) semaphore(%arg16 : memref<!tpu.dma_semaphore, #tpu.memory_space<semaphore_mem>>)
      %dma_start3A_741 = arith.constant 3 : i32
      %dma_start3A_742 = arith.constant 384 : i32
      %dma_start3A_743 = arith.constant 0 : i32
      %dma_start3A_744 = tpu.memref_slice %arg12[%dma_start3A_742, %dma_start3A_743] : memref<512x16xf32, #tpu.memory_space<vmem>> -> memref<128x16xf32, #tpu.memory_space<vmem>>
      %dma_start3A_745 = arith.constant 0 : i32
      %dma_start3A_746 = tpu.memref_slice %arg10[%dma_start3A_741, %dma_start3A_745] : memref<4x128xi32, #tpu.memory_space<vmem>> -> memref<1x128xi32, #tpu.memory_space<vmem>>
      %dma_start3A_747 = tpu.memref_squeeze %dma_start3A_746 : memref<1x128xi32, #tpu.memory_space<vmem>> -> memref<128xi32, #tpu.memory_space<vmem>>
      %dma_start3A_748 = arith.constant 0 : i32
      %dma_start3A_749 = arith.constant 0 : i32
      %dma_start3A_750 = tpu.memref_slice %arg4[%dma_start3A_748, %dma_start3A_749] : memref<8192x16xf32, #tpu.memory_space<hbm>> -> memref<8192x16xf32, #tpu.memory_space<hbm>>
      tpu.enqueue_indirect_dma source(%dma_start3A_750 : memref<8192x16xf32, #tpu.memory_space<hbm>>) target(%dma_start3A_744 : memref<128x16xf32, #tpu.memory_space<vmem>>) offsets(%dma_start3A_747 : memref<128xi32, #tpu.memory_space<vmem>>) semaphore(%arg16 : memref<!tpu.dma_semaphore, #tpu.memory_space<semaphore_mem>>)
      %convert_element_type3A_751 = arith.extui %ge3A_446 : i1 to i32
      %cond3A_752 = arith.constant 0 : i32
      %cond3A_753 = arith.cmpi ne, %convert_element_type3A_751, %cond3A_752 : i32
      scf.if %cond3A_753 {
        %dma_wait3A_754 = arith.constant 0 : i32
        %dma_wait3A_755 = arith.constant 0 : i32
        %dma_wait3A_756 = arith.constant 0 : i32
        %dma_wait3A_757 = tpu.memref_slice %arg11[%dma_wait3A_755, %dma_wait3A_756] : memref<512x16xf32, #tpu.memory_space<vmem>> -> memref<128x16xf32, #tpu.memory_space<vmem>>
        %dma_wait3A_758 = arith.constant 0 : i32
        %dma_wait3A_759 = tpu.memref_slice %arg9[%dma_wait3A_754, %dma_wait3A_758] : memref<4x128xi32, #tpu.memory_space<vmem>> -> memref<1x128xi32, #tpu.memory_space<vmem>>
        %dma_wait3A_760 = tpu.memref_squeeze %dma_wait3A_759 : memref<1x128xi32, #tpu.memory_space<vmem>> -> memref<128xi32, #tpu.memory_space<vmem>>
        %dma_wait3A_761 = arith.constant 0 : i32
        %dma_wait3A_762 = arith.constant 0 : i32
        %dma_wait3A_763 = tpu.memref_slice %arg4[%dma_wait3A_761, %dma_wait3A_762] : memref<8192x16xf32, #tpu.memory_space<hbm>> -> memref<8192x16xf32, #tpu.memory_space<hbm>>
        tpu.wait_indirect_dma semaphore(%arg15 : memref<!tpu.dma_semaphore, #tpu.memory_space<semaphore_mem>>) src(%dma_wait3A_763 : memref<8192x16xf32, #tpu.memory_space<hbm>>) dst(%dma_wait3A_757 : memref<128x16xf32, #tpu.memory_space<vmem>>)
        %dma_wait3A_764 = arith.constant 1 : i32
        %dma_wait3A_765 = arith.constant 128 : i32
        %dma_wait3A_766 = arith.constant 0 : i32
        %dma_wait3A_767 = tpu.memref_slice %arg11[%dma_wait3A_765, %dma_wait3A_766] : memref<512x16xf32, #tpu.memory_space<vmem>> -> memref<128x16xf32, #tpu.memory_space<vmem>>
        %dma_wait3A_768 = arith.constant 0 : i32
        %dma_wait3A_769 = tpu.memref_slice %arg9[%dma_wait3A_764, %dma_wait3A_768] : memref<4x128xi32, #tpu.memory_space<vmem>> -> memref<1x128xi32, #tpu.memory_space<vmem>>
        %dma_wait3A_770 = tpu.memref_squeeze %dma_wait3A_769 : memref<1x128xi32, #tpu.memory_space<vmem>> -> memref<128xi32, #tpu.memory_space<vmem>>
        %dma_wait3A_771 = arith.constant 0 : i32
        %dma_wait3A_772 = arith.constant 0 : i32
        %dma_wait3A_773 = tpu.memref_slice %arg4[%dma_wait3A_771, %dma_wait3A_772] : memref<8192x16xf32, #tpu.memory_space<hbm>> -> memref<8192x16xf32, #tpu.memory_space<hbm>>
        tpu.wait_indirect_dma semaphore(%arg15 : memref<!tpu.dma_semaphore, #tpu.memory_space<semaphore_mem>>) src(%dma_wait3A_773 : memref<8192x16xf32, #tpu.memory_space<hbm>>) dst(%dma_wait3A_767 : memref<128x16xf32, #tpu.memory_space<vmem>>)
        %dma_wait3A_774 = arith.constant 2 : i32
        %dma_wait3A_775 = arith.constant 256 : i32
        %dma_wait3A_776 = arith.constant 0 : i32
        %dma_wait3A_777 = tpu.memref_slice %arg11[%dma_wait3A_775, %dma_wait3A_776] : memref<512x16xf32, #tpu.memory_space<vmem>> -> memref<128x16xf32, #tpu.memory_space<vmem>>
        %dma_wait3A_778 = arith.constant 0 : i32
        %dma_wait3A_779 = tpu.memref_slice %arg9[%dma_wait3A_774, %dma_wait3A_778] : memref<4x128xi32, #tpu.memory_space<vmem>> -> memref<1x128xi32, #tpu.memory_space<vmem>>
        %dma_wait3A_780 = tpu.memref_squeeze %dma_wait3A_779 : memref<1x128xi32, #tpu.memory_space<vmem>> -> memref<128xi32, #tpu.memory_space<vmem>>
        %dma_wait3A_781 = arith.constant 0 : i32
        %dma_wait3A_782 = arith.constant 0 : i32
        %dma_wait3A_783 = tpu.memref_slice %arg4[%dma_wait3A_781, %dma_wait3A_782] : memref<8192x16xf32, #tpu.memory_space<hbm>> -> memref<8192x16xf32, #tpu.memory_space<hbm>>
        tpu.wait_indirect_dma semaphore(%arg15 : memref<!tpu.dma_semaphore, #tpu.memory_space<semaphore_mem>>) src(%dma_wait3A_783 : memref<8192x16xf32, #tpu.memory_space<hbm>>) dst(%dma_wait3A_777 : memref<128x16xf32, #tpu.memory_space<vmem>>)
        %dma_wait3A_784 = arith.constant 3 : i32
        %dma_wait3A_785 = arith.constant 384 : i32
        %dma_wait3A_786 = arith.constant 0 : i32
        %dma_wait3A_787 = tpu.memref_slice %arg11[%dma_wait3A_785, %dma_wait3A_786] : memref<512x16xf32, #tpu.memory_space<vmem>> -> memref<128x16xf32, #tpu.memory_space<vmem>>
        %dma_wait3A_788 = arith.constant 0 : i32
        %dma_wait3A_789 = tpu.memref_slice %arg9[%dma_wait3A_784, %dma_wait3A_788] : memref<4x128xi32, #tpu.memory_space<vmem>> -> memref<1x128xi32, #tpu.memory_space<vmem>>
        %dma_wait3A_790 = tpu.memref_squeeze %dma_wait3A_789 : memref<1x128xi32, #tpu.memory_space<vmem>> -> memref<128xi32, #tpu.memory_space<vmem>>
        %dma_wait3A_791 = arith.constant 0 : i32
        %dma_wait3A_792 = arith.constant 0 : i32
        %dma_wait3A_793 = tpu.memref_slice %arg4[%dma_wait3A_791, %dma_wait3A_792] : memref<8192x16xf32, #tpu.memory_space<hbm>> -> memref<8192x16xf32, #tpu.memory_space<hbm>>
        tpu.wait_indirect_dma semaphore(%arg15 : memref<!tpu.dma_semaphore, #tpu.memory_space<semaphore_mem>>) src(%dma_wait3A_793 : memref<8192x16xf32, #tpu.memory_space<hbm>>) dst(%dma_wait3A_787 : memref<128x16xf32, #tpu.memory_space<vmem>>)
        %mul3A_794 = arith.constant 32 : i32
        %mul3A_795 = arith.muli %add3A, %mul3A_794 : i32
        %add3A_796 = arith.addi %mul3A_795, %add3A_442 : i32
        %sub3A_797 = arith.constant 1 : i32
        %sub3A_798 = arith.subi %add3A_796, %sub3A_797 : i32
        %dma_start3A_799 = arith.constant 0 : i32
        %dma_start3A_800 = arith.constant 0 : i32
        %dma_start3A_801 = tpu.memref_slice %arg5[%sub3A_798, %dma_start3A_799, %dma_start3A_800] : memref<1024x512x16xf32, #tpu.memory_space<hbm>> -> memref<1x512x16xf32, #tpu.memory_space<hbm>>
        %dma_start3A_802 = tpu.memref_squeeze %dma_start3A_801 : memref<1x512x16xf32, #tpu.memory_space<hbm>> -> memref<512x16xf32, #tpu.memory_space<hbm>>
        %dma_start3A_803 = arith.constant 0 : i32
        %dma_start3A_804 = arith.constant 0 : i32
        %dma_start3A_805 = tpu.memref_slice %arg5[%sub3A_798, %dma_start3A_803, %dma_start3A_804] : memref<1024x512x16xf32, #tpu.memory_space<hbm>> -> memref<1x512x16xf32, #tpu.memory_space<hbm>>
        %dma_start3A_806 = tpu.memref_squeeze %dma_start3A_805 : memref<1x512x16xf32, #tpu.memory_space<hbm>> -> memref<512x16xf32, #tpu.memory_space<hbm>>
        tpu.enqueue_dma source(%arg11 : memref<512x16xf32, #tpu.memory_space<vmem>>) target(%dma_start3A_806 : memref<512x16xf32, #tpu.memory_space<hbm>>) target_semaphore(%arg17 : memref<!tpu.dma_semaphore, #tpu.memory_space<semaphore_mem>>)
      } else {
      }
    }
    %scan3A_39 = arith.constant 16 : i32
    %dma_wait3A = arith.constant 0 : i32
    %dma_wait3A_40 = arith.constant 0 : i32
    %dma_wait3A_41 = arith.constant 0 : i32
    %dma_wait3A_42 = tpu.memref_slice %arg12[%dma_wait3A_40, %dma_wait3A_41] : memref<512x16xf32, #tpu.memory_space<vmem>> -> memref<128x16xf32, #tpu.memory_space<vmem>>
    %dma_wait3A_43 = arith.constant 0 : i32
    %dma_wait3A_44 = tpu.memref_slice %arg10[%dma_wait3A, %dma_wait3A_43] : memref<4x128xi32, #tpu.memory_space<vmem>> -> memref<1x128xi32, #tpu.memory_space<vmem>>
    %dma_wait3A_45 = tpu.memref_squeeze %dma_wait3A_44 : memref<1x128xi32, #tpu.memory_space<vmem>> -> memref<128xi32, #tpu.memory_space<vmem>>
    %dma_wait3A_46 = arith.constant 0 : i32
    %dma_wait3A_47 = arith.constant 0 : i32
    %dma_wait3A_48 = tpu.memref_slice %arg4[%dma_wait3A_46, %dma_wait3A_47] : memref<8192x16xf32, #tpu.memory_space<hbm>> -> memref<8192x16xf32, #tpu.memory_space<hbm>>
    tpu.wait_indirect_dma semaphore(%arg16 : memref<!tpu.dma_semaphore, #tpu.memory_space<semaphore_mem>>) src(%dma_wait3A_48 : memref<8192x16xf32, #tpu.memory_space<hbm>>) dst(%dma_wait3A_42 : memref<128x16xf32, #tpu.memory_space<vmem>>)
    %dma_wait3A_49 = arith.constant 1 : i32
    %dma_wait3A_50 = arith.constant 128 : i32
    %dma_wait3A_51 = arith.constant 0 : i32
    %dma_wait3A_52 = tpu.memref_slice %arg12[%dma_wait3A_50, %dma_wait3A_51] : memref<512x16xf32, #tpu.memory_space<vmem>> -> memref<128x16xf32, #tpu.memory_space<vmem>>
    %dma_wait3A_53 = arith.constant 0 : i32
    %dma_wait3A_54 = tpu.memref_slice %arg10[%dma_wait3A_49, %dma_wait3A_53] : memref<4x128xi32, #tpu.memory_space<vmem>> -> memref<1x128xi32, #tpu.memory_space<vmem>>
    %dma_wait3A_55 = tpu.memref_squeeze %dma_wait3A_54 : memref<1x128xi32, #tpu.memory_space<vmem>> -> memref<128xi32, #tpu.memory_space<vmem>>
    %dma_wait3A_56 = arith.constant 0 : i32
    %dma_wait3A_57 = arith.constant 0 : i32
    %dma_wait3A_58 = tpu.memref_slice %arg4[%dma_wait3A_56, %dma_wait3A_57] : memref<8192x16xf32, #tpu.memory_space<hbm>> -> memref<8192x16xf32, #tpu.memory_space<hbm>>
    tpu.wait_indirect_dma semaphore(%arg16 : memref<!tpu.dma_semaphore, #tpu.memory_space<semaphore_mem>>) src(%dma_wait3A_58 : memref<8192x16xf32, #tpu.memory_space<hbm>>) dst(%dma_wait3A_52 : memref<128x16xf32, #tpu.memory_space<vmem>>)
    %dma_wait3A_59 = arith.constant 2 : i32
    %dma_wait3A_60 = arith.constant 256 : i32
    %dma_wait3A_61 = arith.constant 0 : i32
    %dma_wait3A_62 = tpu.memref_slice %arg12[%dma_wait3A_60, %dma_wait3A_61] : memref<512x16xf32, #tpu.memory_space<vmem>> -> memref<128x16xf32, #tpu.memory_space<vmem>>
    %dma_wait3A_63 = arith.constant 0 : i32
    %dma_wait3A_64 = tpu.memref_slice %arg10[%dma_wait3A_59, %dma_wait3A_63] : memref<4x128xi32, #tpu.memory_space<vmem>> -> memref<1x128xi32, #tpu.memory_space<vmem>>
    %dma_wait3A_65 = tpu.memref_squeeze %dma_wait3A_64 : memref<1x128xi32, #tpu.memory_space<vmem>> -> memref<128xi32, #tpu.memory_space<vmem>>
    %dma_wait3A_66 = arith.constant 0 : i32
    %dma_wait3A_67 = arith.constant 0 : i32
    %dma_wait3A_68 = tpu.memref_slice %arg4[%dma_wait3A_66, %dma_wait3A_67] : memref<8192x16xf32, #tpu.memory_space<hbm>> -> memref<8192x16xf32, #tpu.memory_space<hbm>>
    tpu.wait_indirect_dma semaphore(%arg16 : memref<!tpu.dma_semaphore, #tpu.memory_space<semaphore_mem>>) src(%dma_wait3A_68 : memref<8192x16xf32, #tpu.memory_space<hbm>>) dst(%dma_wait3A_62 : memref<128x16xf32, #tpu.memory_space<vmem>>)
    %dma_wait3A_69 = arith.constant 3 : i32
    %dma_wait3A_70 = arith.constant 384 : i32
    %dma_wait3A_71 = arith.constant 0 : i32
    %dma_wait3A_72 = tpu.memref_slice %arg12[%dma_wait3A_70, %dma_wait3A_71] : memref<512x16xf32, #tpu.memory_space<vmem>> -> memref<128x16xf32, #tpu.memory_space<vmem>>
    %dma_wait3A_73 = arith.constant 0 : i32
    %dma_wait3A_74 = tpu.memref_slice %arg10[%dma_wait3A_69, %dma_wait3A_73] : memref<4x128xi32, #tpu.memory_space<vmem>> -> memref<1x128xi32, #tpu.memory_space<vmem>>
    %dma_wait3A_75 = tpu.memref_squeeze %dma_wait3A_74 : memref<1x128xi32, #tpu.memory_space<vmem>> -> memref<128xi32, #tpu.memory_space<vmem>>
    %dma_wait3A_76 = arith.constant 0 : i32
    %dma_wait3A_77 = arith.constant 0 : i32
    %dma_wait3A_78 = tpu.memref_slice %arg4[%dma_wait3A_76, %dma_wait3A_77] : memref<8192x16xf32, #tpu.memory_space<hbm>> -> memref<8192x16xf32, #tpu.memory_space<hbm>>
    tpu.wait_indirect_dma semaphore(%arg16 : memref<!tpu.dma_semaphore, #tpu.memory_space<semaphore_mem>>) src(%dma_wait3A_78 : memref<8192x16xf32, #tpu.memory_space<hbm>>) dst(%dma_wait3A_72 : memref<128x16xf32, #tpu.memory_space<vmem>>)
    %mul3A_79 = arith.constant 32 : i32
    %mul3A_80 = arith.muli %add3A, %mul3A_79 : i32
    %add3A_81 = arith.constant 32 : i32
    %add3A_82 = arith.addi %mul3A_80, %add3A_81 : i32
    %sub3A = arith.constant 1 : i32
    %sub3A_83 = arith.subi %add3A_82, %sub3A : i32
    %dma_start3A_84 = arith.constant 0 : i32
    %dma_start3A_85 = arith.constant 0 : i32
    %dma_start3A_86 = tpu.memref_slice %arg5[%sub3A_83, %dma_start3A_84, %dma_start3A_85] : memref<1024x512x16xf32, #tpu.memory_space<hbm>> -> memref<1x512x16xf32, #tpu.memory_space<hbm>>
    %dma_start3A_87 = tpu.memref_squeeze %dma_start3A_86 : memref<1x512x16xf32, #tpu.memory_space<hbm>> -> memref<512x16xf32, #tpu.memory_space<hbm>>
    %dma_start3A_88 = arith.constant 0 : i32
    %dma_start3A_89 = arith.constant 0 : i32
    %dma_start3A_90 = tpu.memref_slice %arg5[%sub3A_83, %dma_start3A_88, %dma_start3A_89] : memref<1024x512x16xf32, #tpu.memory_space<hbm>> -> memref<1x512x16xf32, #tpu.memory_space<hbm>>
    %dma_start3A_91 = tpu.memref_squeeze %dma_start3A_90 : memref<1x512x16xf32, #tpu.memory_space<hbm>> -> memref<512x16xf32, #tpu.memory_space<hbm>>
    tpu.enqueue_dma source(%arg12 : memref<512x16xf32, #tpu.memory_space<vmem>>) target(%dma_start3A_91 : memref<512x16xf32, #tpu.memory_space<hbm>>) target_semaphore(%arg18 : memref<!tpu.dma_semaphore, #tpu.memory_space<semaphore_mem>>)
    %dma_wait3A_92 = arith.constant 0 : i32
    %dma_wait3A_93 = arith.constant 0 : i32
    %dma_wait3A_94 = arith.constant 0 : i32
    %dma_wait3A_95 = tpu.memref_slice %arg5[%dma_wait3A_92, %dma_wait3A_93, %dma_wait3A_94] : memref<1024x512x16xf32, #tpu.memory_space<hbm>> -> memref<1x512x16xf32, #tpu.memory_space<hbm>>
    %dma_wait3A_96 = tpu.memref_squeeze %dma_wait3A_95 : memref<1x512x16xf32, #tpu.memory_space<hbm>> -> memref<512x16xf32, #tpu.memory_space<hbm>>
    %dma_wait3A_97 = arith.constant 0 : i32
    %dma_wait3A_98 = arith.constant 0 : i32
    %dma_wait3A_99 = tpu.memref_slice %arg5[%dma_wait3A_92, %dma_wait3A_97, %dma_wait3A_98] : memref<1024x512x16xf32, #tpu.memory_space<hbm>> -> memref<1x512x16xf32, #tpu.memory_space<hbm>>
    %dma_wait3A_100 = tpu.memref_squeeze %dma_wait3A_99 : memref<1x512x16xf32, #tpu.memory_space<hbm>> -> memref<512x16xf32, #tpu.memory_space<hbm>>
    tpu.wait_dma2 semaphore(%arg17 : memref<!tpu.dma_semaphore, #tpu.memory_space<semaphore_mem>>) src(%arg11 : memref<512x16xf32, #tpu.memory_space<vmem>>) dst(%dma_wait3A_100 : memref<512x16xf32, #tpu.memory_space<hbm>>)
    %dma_wait3A_101 = arith.constant 0 : i32
    %dma_wait3A_102 = arith.constant 0 : i32
    %dma_wait3A_103 = arith.constant 0 : i32
    %dma_wait3A_104 = tpu.memref_slice %arg5[%dma_wait3A_101, %dma_wait3A_102, %dma_wait3A_103] : memref<1024x512x16xf32, #tpu.memory_space<hbm>> -> memref<1x512x16xf32, #tpu.memory_space<hbm>>
    %dma_wait3A_105 = tpu.memref_squeeze %dma_wait3A_104 : memref<1x512x16xf32, #tpu.memory_space<hbm>> -> memref<512x16xf32, #tpu.memory_space<hbm>>
    %dma_wait3A_106 = arith.constant 0 : i32
    %dma_wait3A_107 = arith.constant 0 : i32
    %dma_wait3A_108 = tpu.memref_slice %arg5[%dma_wait3A_101, %dma_wait3A_106, %dma_wait3A_107] : memref<1024x512x16xf32, #tpu.memory_space<hbm>> -> memref<1x512x16xf32, #tpu.memory_space<hbm>>
    %dma_wait3A_109 = tpu.memref_squeeze %dma_wait3A_108 : memref<1x512x16xf32, #tpu.memory_space<hbm>> -> memref<512x16xf32, #tpu.memory_space<hbm>>
    tpu.wait_dma2 semaphore(%arg18 : memref<!tpu.dma_semaphore, #tpu.memory_space<semaphore_mem>>) src(%arg12 : memref<512x16xf32, #tpu.memory_space<vmem>>) dst(%dma_wait3A_109 : memref<512x16xf32, #tpu.memory_space<hbm>>)
    %dma_wait3A_110 = arith.constant 0 : i32
    %dma_wait3A_111 = arith.constant 0 : i32
    %dma_wait3A_112 = arith.constant 0 : i32
    %dma_wait3A_113 = tpu.memref_slice %arg3[%dma_wait3A_110, %dma_wait3A_111, %dma_wait3A_112] : memref<100x128x4096xf32, #tpu.memory_space<hbm>> -> memref<1x4x4096xf32, #tpu.memory_space<hbm>>
    %dma_wait3A_114 = tpu.memref_squeeze %dma_wait3A_113 : memref<1x4x4096xf32, #tpu.memory_space<hbm>> -> memref<4x4096xf32, #tpu.memory_space<hbm>>
    %dma_wait3A_115 = arith.constant 0 : i32
    %dma_wait3A_116 = arith.constant 0 : i32
    %dma_wait3A_117 = tpu.memref_slice %arg3[%dma_wait3A_110, %dma_wait3A_115, %dma_wait3A_116] : memref<100x128x4096xf32, #tpu.memory_space<hbm>> -> memref<1x4x4096xf32, #tpu.memory_space<hbm>>
    %dma_wait3A_118 = tpu.memref_squeeze %dma_wait3A_117 : memref<1x4x4096xf32, #tpu.memory_space<hbm>> -> memref<4x4096xf32, #tpu.memory_space<hbm>>
    tpu.wait_dma2 semaphore(%arg13 : memref<!tpu.dma_semaphore, #tpu.memory_space<semaphore_mem>>) src(%dma_wait3A_118 : memref<4x4096xf32, #tpu.memory_space<hbm>>) dst(%arg7 : memref<4x4096xf32, #tpu.memory_space<vmem>>)
    %dma_wait3A_119 = arith.constant 0 : i32
    %dma_wait3A_120 = arith.constant 0 : i32
    %dma_wait3A_121 = arith.constant 0 : i32
    %dma_wait3A_122 = tpu.memref_slice %arg3[%dma_wait3A_119, %dma_wait3A_120, %dma_wait3A_121] : memref<100x128x4096xf32, #tpu.memory_space<hbm>> -> memref<1x4x4096xf32, #tpu.memory_space<hbm>>
    %dma_wait3A_123 = tpu.memref_squeeze %dma_wait3A_122 : memref<1x4x4096xf32, #tpu.memory_space<hbm>> -> memref<4x4096xf32, #tpu.memory_space<hbm>>
    %dma_wait3A_124 = arith.constant 0 : i32
    %dma_wait3A_125 = arith.constant 0 : i32
    %dma_wait3A_126 = tpu.memref_slice %arg3[%dma_wait3A_119, %dma_wait3A_124, %dma_wait3A_125] : memref<100x128x4096xf32, #tpu.memory_space<hbm>> -> memref<1x4x4096xf32, #tpu.memory_space<hbm>>
    %dma_wait3A_127 = tpu.memref_squeeze %dma_wait3A_126 : memref<1x4x4096xf32, #tpu.memory_space<hbm>> -> memref<4x4096xf32, #tpu.memory_space<hbm>>
    tpu.wait_dma2 semaphore(%arg14 : memref<!tpu.dma_semaphore, #tpu.memory_space<semaphore_mem>>) src(%dma_wait3A_127 : memref<4x4096xf32, #tpu.memory_space<hbm>>) dst(%arg8 : memref<4x4096xf32, #tpu.memory_space<vmem>>)
    return
  }
}

</mosaic_0001>

<sc_bundles>
// kernel: _sc_reconstruct.3.cloned.1.call-start
scs
__scs_entry_jumppad:
0x0: {  	(pc) =	sbr.rel $0x88, $3  }
0x1: {  	(tag) =	ssettag $0x0;
	lr =	simm.s32 $0x1  }
0x2: {  	[smem:$0x3F9E] =	sst lr;
	_ =	strace $0xD0000000  }
0x3: {  	_ = 	snop  }
0x4: {  	_ = 	snop  }
0x5: {  	_ = 	snop  }
0x6: {  	_ = 	snop  }
0x7: {  	_ = 	snop  }
__scs_overlays_trampoline_lowered:
0x8: {  	[smem:$0x3FAD] =	sst s0  }
0x9: {  	[smem:$0x3FAE] =	sst s1  }
0xa: {  	[smem:$0x3FAF] =	sst s2  }
0xb: {  	[smem:$0x3FB0] =	sst s3  }
0xc: {  	[smem:$0x3FB1] =	sst s4  }
0xd: {  	[smem:$0x3FB2] =	sst s5  }
0xe: {  	[smem:$0x3FB3] =	sst s6  }
0xf: {  	[smem:$0x3FB4] =	sst s7  }
0x10: {  	[smem:$0x3FB5] =	sst s8  }
0x11: {  	[smem:$0x3FB6] =	sst s9;
	s0 =	simm.s32 @!p0 $0x0  }
0x12: {  	s1 =	sld [smem:$0x3F9C];
	s0 =	simm.s32 @p0 $0x1  }
0x13: {  	[smem:$0x3FB7] =	sst s0;
	s0 =	simm.s32 @!p1 $0x0  }
0x14: {  	s2 =	sld [smem:$0x3F9B];
	s0 =	simm.s32 @p1 $0x1  }
0x15: {  	[smem:$0x3FB8] =	sst s0;
	s0 =	simm.s32 @!p2 $0x0  }
0x16: {  	s3 =	sld [smem:$0x3FDB];
	s0 =	simm.s32 @p2 $0x1  }
0x17: {  	s4 =	simm.s32 $0x1BF5;
	[smem:$0x3FBA] =	sst s0  }
0x18: {  	s0 =	sld [smem:$0x3F9D];
	_ =	swait.ge [sflag:s4], $0x0  }
0x19: {  	s7 =	sld [smem:$0x3F9E]  }
0x1a: {  	s8 =	sadd.s32 $0xFFFFE003, lr  }
0x1b: {  	s9 =	sadd.s32 $0xFFFFFEF7, lr;
	s5 =	simm.s32 $0xFFFFFFFF;
	p2 =	slt.u32 s8, $0xFFFFF086  }
0x1c: {  	p1 =	slt.u32 s9, $0xF7A;
	s5 =	simm.s32 @!p2 $0x0  }
0x1d: {  	s5 =	simm.s32 @p1 $0x1;
	p0 =	seq.s32 s7, s2  }
0x1e: {  	s7 =	smul.u32 @!p0 $0xF7A, s2;
	p2 =	seq.s32 @!p0 s5, $0x0  }
0x1f: {  	s9 =	smul.u32 $0xF7A, s1;
	s8 =	simm.s32 @!p0 $0x1BF5;
	p2 =	por !p2, p0  }
0x20: {  	[sflag:s8] =	ssyncset.s32 @!p0 $0xFFFFF086;
	s6 =	sadd.s32 @!p0 s3, s7;
	s7 =	simm.s32 @!p0 $0x108  }
0x21: {  	s3 =	sadd.s32 s3, s9;
	s6 =	sadd.s32 @!p0 $0x88, s6;
	s7 =	simm.s32 @p2 $0x1082  }
0x22: {  	[simem:s7], [sflag:s8] =	dma.local @!p0 [hbm:s6], $0xF7A  }
0x23: {  	s9 =	sor.u32 $0xD0000000, s2;
	s6 =	simm.s32 $0x108;
	_ =	swait.ge @!p0 [sflag:s8], $0x0  }
0x24: {  	s3 =	sadd.s32 $0x88, s3;
	s6 =	simm.s32 @!p1 $0x1082;
	[sflag:s4] =	ssyncset.s32 $0xFFFFF086  }
0x25: {  	[simem:s6], [sflag:s4] =	dma.local [hbm:s3], $0xF7A  }
0x26: {  	[smem:$0x3F9E] =	sst s1;
	(tag) =	ssettag s2;
	_ =	strace s9  }
0x27: {  	s1 =	sld [smem:$0x3FAE]  }
0x28: {  	s2 =	sld [smem:$0x3FAF]  }
0x29: {  	s4 =	sld [smem:$0x3FB1]  }
0x2a: {  	p0 =	seq.s32 s5, $0x0;
	s5 =	sld [smem:$0x3FB2]  }
0x2b: {  	s6 =	sld [smem:$0x3FB3]  }
0x2c: {  	s7 =	sld [smem:$0x3FB4]  }
0x2d: {  	s3 =	simm.s32 $0x108;
	s8 =	sld [smem:$0x3FB5]  }
0x2e: {  	s3 =	simm.s32 @!p0 $0x1082;
	s9 =	sld [smem:$0x3FB6]  }
0x2f: {  	lr =	sadd.s32 s0, s3;
	s0 =	sld [smem:$0x3FAD]  }
0x30: {  	s3 =	sld [smem:$0x3FB0]  }
0x31: {  	[smem:$0x3FB9] =	sst s10  }
0x32: {  	s10 =	sld [smem:$0x3FB7];
	_ =	sdelay $0x3  }
0x33: {  	p0 =	seq.s32 s10, $0x1;
	s10 =	sld [smem:$0x3FB9];
	_ =	sdelay $0x3  }
0x34: {  	[smem:$0x3FB9] =	sst s10  }
0x35: {  	s10 =	sld [smem:$0x3FB8];
	_ =	sdelay $0x3  }
0x36: {  	p1 =	seq.s32 s10, $0x1;
	s10 =	sld [smem:$0x3FB9];
	_ =	sdelay $0x3  }
0x37: {  	[smem:$0x3FB9] =	sst s10  }
0x38: {  	s10 =	sld [smem:$0x3FBA]  }
0x39: {  	_ = 	snop;
	(pc) =	sbr.ind lr, $3  }
0x3a: {  	_ = 	snop  }
0x3b: {  	_ = 	snop  }
0x3c: {  	p2 =	seq.s32 s10, $0x1;
	s10 =	sld [smem:$0x3FB9]  }
0x3d: {  	_ =	shalt  }
0x3e: {  	_ =	shalt  }
0x3f: {  	_ =	shalt  }
0x40: {  	_ =	shalt  }
0x41: {  	_ =	shalt  }
0x42: {  	_ =	shalt  }
0x43: {  	_ =	shalt  }
0x44: {  	_ =	shalt  }
0x45: {  	_ =	shalt  }
0x46: {  	_ =	shalt  }
0x47: {  	_ =	shalt  }
0x48: {  	_ =	shalt  }
0x49: {  	_ =	shalt  }
0x4a: {  	_ =	shalt  }
0x4b: {  	_ =	shalt  }
0x4c: {  	_ =	shalt  }
0x4d: {  	_ =	shalt  }
0x4e: {  	_ =	shalt  }
0x4f: {  	_ =	shalt  }
0x50: {  	_ =	shalt  }
0x51: {  	_ =	shalt  }
0x52: {  	_ =	shalt  }
0x53: {  	_ =	shalt  }
0x54: {  	_ =	shalt  }
0x55: {  	_ =	shalt  }
0x56: {  	_ =	shalt  }
0x57: {  	_ =	shalt  }
0x58: {  	_ =	shalt  }
0x59: {  	_ =	shalt  }
0x5a: {  	_ =	shalt  }
0x5b: {  	_ =	shalt  }
0x5c: {  	_ =	shalt  }
0x5d: {  	_ =	shalt  }
0x5e: {  	_ =	shalt  }
0x5f: {  	_ =	shalt  }
0x60: {  	_ =	shalt  }
0x61: {  	_ =	shalt  }
0x62: {  	_ =	shalt  }
0x63: {  	_ =	shalt  }
0x64: {  	_ =	shalt  }
0x65: {  	_ =	shalt  }
0x66: {  	_ =	shalt  }
0x67: {  	_ =	shalt  }
0x68: {  	_ =	shalt  }
0x69: {  	_ =	shalt  }
0x6a: {  	_ =	shalt  }
0x6b: {  	_ =	shalt  }
0x6c: {  	_ =	shalt  }
0x6d: {  	_ =	shalt  }
0x6e: {  	_ =	shalt  }
0x6f: {  	_ =	shalt  }
0x70: {  	_ =	shalt  }
0x71: {  	_ =	shalt  }
0x72: {  	_ =	shalt  }
0x73: {  	_ =	shalt  }
0x74: {  	_ =	shalt  }
0x75: {  	_ =	shalt  }
0x76: {  	_ =	shalt  }
0x77: {  	_ =	shalt  }
0x78: {  	_ =	shalt  }
0x79: {  	_ =	shalt  }
0x7a: {  	_ =	shalt  }
0x7b: {  	_ =	shalt  }
0x7c: {  	_ =	shalt  }
0x7d: {  	_ =	shalt  }
0x7e: {  	_ =	shalt  }
0x7f: {  	_ =	shalt  }
0x80: {  	_ =	shalt  }
0x81: {  	_ =	shalt  }
0x82: {  	_ =	shalt  }
0x83: {  	_ =	shalt  }
0x84: {  	_ =	shalt  }
0x85: {  	_ =	shalt  }
0x86: {  	_ =	shalt  }
0x87: {  	_ =	shalt  }
.Lfunc_end0:
.L_simem_size_0:
called_computation.2_lowered:
.L_overlay_start_0:
0x88: {  	s2 =	sld [smem:$0x3FD9]  }
0x89: {  	s3 =	sld [smem:$0x3FFE];
	_ =	sdelay $0x1  }
0x8a: {  	s1 =	srdreg.scid  }
0x8b: {  	s0 =	sand.u32 $0x1, s1  }
0x8c: {  	s17 =	sshll.u32 s0, $0xA;
	s2 =	sadd.s32 s3, s2  }
0x8d: {  	s2 =	sadd.s32 s2, s17  }
0x8e: {  	[smem:$0x3FC5] =	sst s2  }
0x8f: {  	_ = 	snop  }
0x90: {  	s2 =	sld [smem:$0x3FC9]  }
0x91: {  	s18 =	sld [smem:$0x3FD0];
	(tm) =	ssettm $0x1  }
0x92: {  	s4 =	sld [smem:$0x3FFB];
	_ =	sdelay $0x3  }
0x93: {  	_ =	strace s4  }
0x94: {  	s4 =	sld [smem:$0x3FFC];
	_ =	sdelay $0x3  }
0x95: {  	_ =	strace s4  }
0x96: {  	s4 =	sld [smem:$0x3FFD];
	_ =	sdelay $0x3  }
0x97: {  	_ =	strace s4  }
0x98: {  	_ =	strace $0x8FFFFFFF  }
0x99: {  	s19 =	sld [smem:$0x3FDB];
	_ =	sdelay $0x1  }
0x9a: {  	s5 =	simm.s32 $_scs_section_size  }
0x9b: {  	s6 =	simm.s32 $_size__tile_overlayer_lowered;
	s7 =	simm.s32 $_tile_overlayer_lowered  }
0x9c: {  	s22 =	simm.s32 $0x1BFF;
	s21 =	sshll.u32 s7, $0x1;
	s4 =	sadd.s32 s5, s19  }
0x9d: {  	s8 =	simm.s32 $0x0;
	s20 =	sshll.u32 s6, $0x1;
	s6 =	sadd.s32 s21, s4  }
0x9e: {  	[timem:s8], [sflag:s22] =	dma.local [hbm:s6], s20  }
0x9f: {  	_ =	swait.ge [sflag:s22], s20  }
0xa0: {  	s5 =	ssub.s32 $0x0, s20;
	[sflag:s22] =	ssyncset.done $0x0  }
0xa1: {  	[sflag:s22] =	ssyncadd.s32 s5;
	_ =	sdelay $0x1  }
0xa2: {  	s23 =	simm.s32 $0x1B8B  }
0xa3: {  	_ =	swait.ge [sflag:s23], $0x1  }
0xa4: {  	[sflag:s23] =	ssyncset.done $0x0  }
0xa5: {  	s25 =	simm.s32 $0x1B8E;
	s24 =	sld [smem:$0x3FFE];
	[sflag:s23] =	ssyncadd.s32 $0xFFFFFFFF  }
0xa6: {  	s26 =	simm.s32 $execute0_lowered;
	[smem:$0x3FD2] =	sst s25  }
0xa7: {  	s6 =	sshll.u32 s26, $0x1;
	_ =	strace $0x80000049;
	[dreg:$0x1] =	wrdreg $0xFFFFFFFF  }
0xa8: {  	s28 =	simm.s32 $_size_execute0_lowered;
	s4 =	sadd.s32 s4, s6;
	[dreg:$0x0] =	wrdreg $0x0  }
0xa9: {  	s6 =	sshll.u32 s28, $0x1;
	[dreg:$0x2] =	wrdreg s4  }
0xaa: {  	[dreg:$0x3] =	wrdreg s6  }
0xab: {  	[dreg:$0x4] =	wrdreg $0xC0  }
0xac: {  	_ =	task [dreg:s8], $0x5FFFF  }
0xad: {  	[dreg:$0x1] =	wrdreg $0xFFFFFFFF  }
0xae: {  	[dreg:$0x0] =	wrdreg $0x60  }
0xaf: {  	[dreg:$0x2] =	wrdreg s2  }
0xb0: {  	[dreg:$0x3] =	wrdreg s24  }
0xb1: {  	[dreg:$0x4] =	wrdreg s18  }
0xb2: {  	[dreg:$0x5] =	wrdreg $0x9  }
0xb3: {  	_ =	task.clear_ibuf [dreg:s8], $0x6FFFF;
	_ =	strace $0x90000049  }
0xb4: {  	s29 =	simm.s32 $0x9;
	_ =	strace $0x8000004B  }
0xb5: {  	_ =	swait.ge [sflag:s29], $0x1  }
0xb6: {  	[sflag:s29] =	ssyncadd.s32 $0xFFFFFFFF  }
0xb7: {  	_ =	strace $0x9000004B  }
0xb8: {  	_ =	sfence  }
0xb9: {  	s30 =	sld [smem:$0x0];
	_ =	sdelay $0x2  }
0xba: {  	s31 =	sshll.u32 s1, $0xD;
	s1 =	sshrl.u32 s1, $0x2  }
0xbb: {  	s3 =	sand.u32 $0x4000, s31;
	s1 =	sadd.s32 s1, s30  }
0xbc: {  	s0 =	sor.u32 s3, s0;
	s1 =	sshll.u32 s1, $0x11  }
0xbd: {  	s0 =	sor.u32 s1, s0  }
0xbe: {  	s0 =	sadd.s32 $0x8F2B, s0  }
0xbf: {  	[sflag:s0] =	ssyncadd.remote.s32 $0x1  }
0xc0: {  	_ =	sfence.sel $0xFFFF  }
0xc1: {  	[dreg:$0x0] =	wrdreg $0xFFFFFFFF;
	(pc) =	sbr.abs _section_cstart, $3  }
0xc2: {  	[dreg:$0x1] =	wrdreg $0xFFFFFFFF  }
0xc3: {  	_ =	task.clear_ibuf [dreg:s8], $0x2FFFF;
	_ =	strace $0x9FFFFFFF  }
0xc4: {  	(tm) =	ssettm $0x7FFFFFFF  }
0xc5: {  	_ =	shalt  }
tec
execute0_lowered:
.L_overlay_start_1:
0x0: {  	(tag) =	ssettag $0x1  }
0x1: {  	v0 =	vimm.s32 $0x1387;
	vm14 =	vcmask $0x300;
	vm13 =	vcmask $0x704  }
0x2: {  	vm12 =	vcmask $0xB08;
	vm11 =	vcmask $0xF0C;
	vm10 =	vcmask $0x1310  }
0x3: {  	vm9 =	vcmask $0x1714;
	vm8 =	vcmask $0x1B18;
	vm7 =	vcmask $0x1F1C  }
0x4: {  	vm6 =	vcmask $0x2320;
	vm5 =	vcmask $0x2724;
	vm4 =	vcmask $0x2B28  }
0x5: {  	vm3 =	vcmask $0x2F2C;
	vm2 =	vcmask $0x3330;
	vm1 =	vcmask $0x3734  }
0x6: {  	vm0 =	vcmask $0x3B38;
	v1 =	vlaneseq.u32;
	v3 =	vimm.s32 $0x3387  }
0x7: {  	v4 =	vimm.s32 $0x1380;
	v5 =	vimm.s32 $0x3380;
	v0 =	vsel vm14, $0x0, v0  }
0x8: {  	v3 =	vsel vm14, $0x2000, v3;
	v4 =	vsel vm14, $0x0, v4;
	v5 =	vsel vm14, $0x2000, v5  }
0x9: {  	v0 =	vsel vm13, $0x81, v0;
	v3 =	vsel vm13, $0x2081, v3;
	v4 =	vsel vm13, $0x80, v4  }
0xa: {  	v5 =	vsel vm13, $0x2080, v5;
	v0 =	vsel vm12, $0x102, v0;
	v3 =	vsel vm12, $0x2102, v3  }
0xb: {  	v4 =	vsel vm12, $0x100, v4;
	v5 =	vsel vm12, $0x2100, v5;
	v0 =	vsel vm11, $0x183, v0  }
0xc: {  	v3 =	vsel vm11, $0x2183, v3;
	v4 =	vsel vm11, $0x180, v4;
	v5 =	vsel vm11, $0x2180, v5  }
0xd: {  	v0 =	vsel vm10, $0x204, v0;
	v3 =	vsel vm10, $0x2204, v3;
	v4 =	vsel vm10, $0x200, v4  }
0xe: {  	s0 =	srdreg.scid;
	s2 =	rddreg [dreg:$0x1];
	v5 =	vsel vm10, $0x2200, v5;
	v0 =	vsel vm9, $0x285, v0;
	v3 =	vsel vm9, $0x2285, v3  }
0xf: {  	s1 =	stileid.u32;
	s3 =	rddreg [dreg:$0x2];
	v4 =	vsel vm9, $0x280, v4;
	v5 =	vsel vm9, $0x2280, v5;
	v0 =	vsel vm8, $0x306, v0  }
0x10: {  	s4 =	simm.s32 $0x0;
	s13 =	simm.s32 $0x30;
	s14 =	simm.s32 $0x4030;
	v3 =	vsel vm8, $0x2306, v3;
	v4 =	vsel vm8, $0x300, v4;
	v5 =	vsel vm8, $0x2300, v5  }
0x11: {  	s15 =	simm.s32 $0x1;
	s16 =	simm.s32 $0x80;
	s18 =	simm.s32 $0x8430;
	v0 =	vsel vm7, $0x387, v0;
	v3 =	vsel vm7, $0x2387, v3;
	v4 =	vsel vm7, $0x380, v4  }
0x12: {  	s28 =	simm.s32 $0xA430;
	s29 =	simm.s32 $0x82B0;
	s30 =	simm.s32 $0xAC30;
	v5 =	vsel vm7, $0x2380, v5;
	v0 =	vsel vm6, $0x1000, v0;
	v3 =	vsel vm6, $0x3000, v3  }
0x13: {  	s31 =	simm.s32 $0x8330;
	s11 =	simm.s32 $0x0;
	s0 =	sand.u32 $0x1, s0;
	v4 =	vsel vm6, $0x1000, v4;
	v5 =	vsel vm6, $0x3000, v5;
	v0 =	vsel vm5, $0x1081, v0  }
0x14: {  	s1 =	sshll.u32 s1, $0x1;
	[smem:$0x7FF] =	sst s4;
	s5 =	sadd.s32 $0xE00, s2;
	v3 =	vsel vm5, $0x3081, v3;
	v4 =	vsel vm5, $0x1080, v4;
	v5 =	vsel vm5, $0x3080, v5  }
0x15: {  	s6 =	sadd.s32 $0x640E00, s2;
	s2 =	sadd.s32 $0x1600, s2;
	s1 =	sor.u32 s0, s1;
	v0 =	vsel vm4, $0x1102, v0;
	v3 =	vsel vm4, $0x3102, v3;
	v4 =	vsel vm4, $0x1100, v4  }
0x16: {  	s0 =	ssub.s32 $0x2, s0;
	_ =	strace $0x8000004A;
	[dreg:$0x4] =	wrdreg s2;
	v5 =	vsel vm4, $0x3100, v5;
	v0 =	vsel vm3, $0x1183, v0;
	v3 =	vsel vm3, $0x3183, v3  }
0x17: {  	s2 =	simm.s32 $0xB430;
	s7 =	sshrl.u32 s0, $0x1;
	s25 =	sshll.u32 s1, $0xF;
	v4 =	vsel vm3, $0x1180, v4;
	v5 =	vsel vm3, $0x3180, v5;
	v0 =	vsel vm2, $0x1204, v0  }
0x18: {  	s8 =	sshll.u32 s1, $0x12;
	s0 =	ssub.s32 s0, s7;
	s26 =	sadd.s32 s25, s3;
	v3 =	vsel vm2, $0x3204, v3;
	v4 =	vsel vm2, $0x1200, v4;
	v5 =	vsel vm2, $0x3200, v5  }
0x19: {  	s9 =	sadd.s32 $0xFFFFE000, s8;
	s25 =	simm.s32 $0x2;
	s0 =	smax.u32 s0, $0x1;
	v2 =	vsel vm1, $0x1285, v0;
	v0 =	vmov s1;
	v3 =	vsel vm1, $0x3285, v3  }
0x1a: {  	s7 =	simm.s32 $0x3;
	[dreg:$0x6] =	wrdreg s0;
	s1 =	sadd.s32 $0x7C00, s26;
	v4 =	vsel vm1, $0x1280, v4;
	v5 =	vsel vm1, $0x3280, v5;
	v2 =	vsel vm0, $0x1306, v2  }
0x1b: {  	s0 =	simm.s32 $0x83B0;
	[dreg:$0x5] =	wrdreg s1;
	s1 =	simm.s32 $0xBC30;
	v3 =	vsel vm0, $0x3306, v3;
	v4 =	vsel vm0, $0x1300, v4;
	v5 =	vsel vm0, $0x3300, v5  }
.LBB2_1:
0x1c: {  	[dreg:$0x7] =	wrdreg s11  }
0x1d: {  	s10 =	rddreg [dreg:$0x0];
	s22 =	simm.s32 $0x7  }
0x1e: {  	[tilespmem:s4], [sflag:$0x7] =	stream.linear.gather [hbm4b:s10+s4], $0x20, $0x38;
	[tilespmem:$0xC430] =	vst v63  }
0x1f: {  	_ =	swait.ge [sflag:s22], $0x20  }
0x20: {  	[sflag:s22] =	ssyncset.done $0x0  }
0x21: {  	[sflag:s22] =	ssyncadd.s32 $0xFFFFFFE0  }
0x22: {  	v6 =	vld.idx.msk [tilespmem:v0+s4+$0x0], $0xffff;
	_ =	sdelay $0x4  }
0x23: {  	(v2sf) =	vpush v6, $0x0;
	_ =	sdelay $0xe  }
0x24: {  	s23 =	spop (v2sf)  }
0x25: {  	s10 =	sshll.u32 s23, $0x13  }
0x26: {  	s24 =	sshrl.u32 s10, $0x3  }
0x27: {  	s26 =	rddreg [dreg:$0x4];
	[tilespmem:$0x20] =	vst v6;
	s12 =	sadd.s32 s5, s24  }
0x28: {  	[tilespmem:s13], [sflag:$0x1] =	stream.linear.gather [hbm4b:s12+s4], $0x4000, $0x38;
	[tilespmem:$0xC430] =	vst v63  }
0x29: {  	s11 =	sadd.s32 s24, s26  }
0x2a: {  	[tilespmem:s14], [sflag:$0x2] =	stream.linear.gather [hbm4b:s11+s4], $0x4000, $0x38;
	[tilespmem:$0xC430] =	vst v63  }
0x2b: {  	s12 =	sor.u32 $0x8000, s10;
	s10 =	sor.u32 $0xC000, s10;
	s11 =	simm.s32 $0x0  }
.LBB2_2:
0x2c: {  	s17 =	simm.s32 $0x0  }
0x2d: {  	v6 =	vimm.f32 $-Inf;
	v9 =	vimm.s32 $0x0;
	s22 =	simm.s32 $0x1;
	s19 =	simm.s32 $0x2;
	v7 =	vmov s17  }
0x2e: {  	s21 =	simm.s32 $0x3;
	v8 =	vxor.u32 s17, v1;
	v11 =	vxor.u32 s19, v1;
	v13 =	vmov s22  }
0x2f: {  	s20 =	simm.s32 $0x6;
	s23 =	simm.s32 $0x4;
	s24 =	simm.s32 $0x5;
	v15 =	vxor.u32 s22, v1;
	v16 =	vmov s19;
	v17 =	vmov s21  }
0x30: {  	v43 =	vmov s20;
	v20 =	vmov s23;
	v21 =	vmov s24  }
0x31: {  	v23 =	vxor.u32 s23, v1;
	v45 =	vxor.u32 s24, v1;
	v7 =	vshll.u32 v7, $0x3  }
0x32: {  	s26 =	simm.s32 $0x7;
	v25 =	vxor.u32 s21, v1;
	v10 =	vand.u32 $0x78, v8;
	v12 =	vand.u32 $0xC00, v7  }
0x33: {  	v55 =	vmov s26;
	vm0 =	vlt.s32 v9, v8;
	v10 =	vor.u32 v10, v12  }
0x34: {  	v19 =	vand.u32 $0x7F, v15;
	v16 =	vshll.u32 v16, $0x3;
	v14 =	vor.u32 v2, v10  }
0x35: {  	v13 =	vshll.u32 v13, $0x3;
	v17 =	vshll.u32 v17, $0x3;
	v10 =	vor.u32 v3, v10  }
0x36: {  	_ =	swait.ge [sflag:s15], $0x4000;
	v20 =	vshll.u32 v20, $0x3;
	v24 =	vand.u32 $0x7F, v23;
	v13 =	vand.u32 $0xC00, v13  }
0x37: {  	[sflag:s15] =	ssyncset.done $0x0;
	v21 =	vshll.u32 v21, $0x3;
	v26 =	vand.u32 $0x7F, v45;
	v13 =	vor.u32 v19, v13  }
0x38: {  	[sflag:s15] =	ssyncadd.s32 $0xFFFFC000;
	v28 =	vand.u32 $0x7F, v25;
	v22 =	vor.u32 v5, v13;
	v13 =	vor.u32 v4, v13  }
0x39: {  	v7 =	vxor.u32 s20, v1;
	v16 =	vand.u32 $0xC00, v16;
	v12 =	vand.u32 $0x7F, v11;
	v14 =	vld.idx.msk [tilespmem:v14+s13+$0x0], $0xffff  }
0x3a: {  	v18 =	vsel vm0, v9, v8;
	v20 =	vand.u32 $0xC00, v20;
	v12 =	vor.u32 v12, v16;
	v10 =	vld.idx.msk [tilespmem:v10+s13+$0x0], $0xffff  }
0x3b: {  	v17 =	vand.u32 $0xC00, v17;
	v44 =	vor.u32 v4, v12;
	v12 =	vor.u32 v5, v12  }
0x3c: {  	v21 =	vand.u32 $0xC00, v21;
	v20 =	vor.u32 v24, v20;
	v17 =	vor.u32 v28, v17  }
0x3d: {  	v48 =	vand.u32 $0x7F, v7;
	v27 =	vor.u32 v5, v20;
	v20 =	vor.u32 v4, v20;
	v13 =	vld.idx.msk [tilespmem:v13+s13+$0x0], $0xffff  }
0x3e: {  	v16 =	vshll.u32 v43, $0x3;
	v49 =	vor.u32 v4, v17;
	v17 =	vor.u32 v5, v17  }
0x3f: {  	v22 =	vld.idx.msk [tilespmem:v22+s13+$0x0], $0xffff;
	vm0 =	veq.f32 v14, v6;
	vm1 =	vgt.f32 v14, v6;
	vm2 =	veq.f32 v10, v6  }
0x40: {  	v12 =	vld.idx.msk [tilespmem:v12+s13+$0x0], $0xffff;
	v29 =	vsel vm0, v18, v9;
	v9 =	vsel vm2, v18, v9;
	vm0 =	vgt.f32 v10, v6  }
0x41: {  	v14 =	vmax.f32 v14, v6;
	v6 =	vmax.f32 v10, v6;
	v10 =	vld.idx.msk [tilespmem:v44+s13+$0x0], $0xffff;
	v9 =	vsel vm0, v8, v9  }
0x42: {  	v50 =	vmax.f32 v13, v14;
	v8 =	vsel vm1, v8, v29;
	vm0 =	vlt.s32 v9, v15  }
0x43: {  	vm2 =	vgt.f32 v13, v14;
	vm1 =	vlt.s32 v8, v15;
	v46 =	vsel vm0, v9, v15  }
0x44: {  	v47 =	vsel vm1, v8, v15;
	vm0 =	veq.f32 v22, v6;
	vm1 =	vgt.f32 v22, v6  }
0x45: {  	v6 =	vmax.f32 v22, v6;
	v9 =	vsel vm0, v46, v9;
	vm0 =	veq.f32 v13, v14  }
0x46: {  	v14 =	vmax.f32 v12, v6;
	v8 =	vsel vm0, v47, v8;
	v13 =	vmax.f32 v10, v50  }
0x47: {  	vm0 =	vgt.f32 v10, v50;
	v9 =	vsel vm1, v15, v9;
	vm4 =	veq.f32 v10, v50  }
0x48: {  	v8 =	vsel vm2, v15, v8;
	vm2 =	veq.f32 v12, v6;
	v15 =	vor.u32 v26, v21  }
0x49: {  	vm3 =	vlt.s32 v9, v11;
	vm1 =	vlt.s32 v8, v11;
	v51 =	vor.u32 v5, v15  }
0x4a: {  	v10 =	vld.idx.msk [tilespmem:v17+s13+$0x0], $0xffff;
	v52 =	vsel vm3, v9, v11;
	vm3 =	vgt.f32 v12, v6;
	v6 =	vand.u32 $0xC00, v16  }
0x4b: {  	v15 =	vor.u32 v4, v15;
	v9 =	vsel vm2, v52, v9;
	v16 =	vor.u32 v48, v6  }
0x4c: {  	v12 =	vld.idx.msk [tilespmem:v49+s13+$0x0], $0xffff;
	v53 =	vsel vm1, v8, v11;
	v6 =	vxor.u32 s26, v1;
	v54 =	vor.u32 v5, v16  }
0x4d: {  	v8 =	vsel vm4, v53, v8;
	v56 =	vand.u32 $0x7F, v6;
	v9 =	vsel vm3, v11, v9  }
0x4e: {  	v57 =	vld.idx.msk [tilespmem:v27+s13+$0x0], $0xffff;
	v16 =	vor.u32 v4, v16;
	v8 =	vsel vm0, v11, v8;
	v11 =	vshll.u32 v55, $0x3  }
0x4f: {  	vm0 =	vlt.s32 v9, v25;
	v58 =	vmax.f32 v10, v14;
	v11 =	vand.u32 $0xC00, v11  }
0x50: {  	v20 =	vld.idx.msk [tilespmem:v20+s13+$0x0], $0xffff;
	v59 =	vsel vm0, v9, v25;
	vm0 =	veq.f32 v10, v14;
	vm3 =	vlt.s32 v8, v25  }
0x51: {  	vm1 =	veq.f32 v12, v13;
	vm2 =	vgt.f32 v12, v13;
	v11 =	vor.u32 v56, v11  }
0x52: {  	v12 =	vmax.f32 v12, v13;
	v9 =	vsel vm0, v59, v9;
	vm0 =	vgt.f32 v10, v14  }
0x53: {  	v17 =	vld.idx.msk [tilespmem:v51+s13+$0x0], $0xffff;
	v10 =	vsel vm3, v8, v25;
	vm3 =	veq.f32 v57, v58;
	v13 =	vmax.f32 v57, v58  }
0x54: {  	v60 =	vor.u32 v5, v11;
	v11 =	vor.u32 v4, v11;
	v9 =	vsel vm0, v25, v9  }
0x55: {  	vm6 =	veq.f32 v20, v12;
	v8 =	vsel vm1, v10, v8;
	vm5 =	vlt.s32 v9, v23  }
0x56: {  	v15 =	vld.idx.msk [tilespmem:v15+s13+$0x0], $0xffff;
	vm1 =	vgt.f32 v57, v58;
	v8 =	vsel vm2, v25, v8;
	v10 =	vsel vm5, v9, v23  }
0x57: {  	v14 =	vld.idx.msk [tilespmem:v54+s13+$0x0], $0xffff;
	vm2 =	vgt.f32 v20, v12;
	v12 =	vmax.f32 v20, v12;
	v9 =	vsel vm3, v10, v9  }
0x58: {  	vm3 =	vlt.s32 v8, v23;
	vm0 =	veq.f32 v17, v13;
	v9 =	vsel vm1, v23, v9  }
0x59: {  	vm15 =	vgt.f32 v17, v13;
	v10 =	vsel vm3, v8, v23;
	vm1 =	vlt.s32 v9, v45  }
0x5a: {  	v13 =	vmax.f32 v17, v13;
	v8 =	vsel vm6, v10, v8;
	v10 =	vsel vm1, v9, v45  }
0x5b: {  	v8 =	vsel vm2, v23, v8;
	vm1 =	veq.f32 v15, v12;
	v9 =	vsel vm0, v10, v9  }
0x5c: {  	vm3 =	vgt.f32 v14, v13;
	v10 =	vld.idx.msk [tilespmem:v16+s13+$0x0], $0xffff;
	vm2 =	vlt.s32 v8, v45;
	v61 =	vsel vm15, v45, v9  }
0x5d: {  	vm0 =	veq.f32 v14, v13;
	v9 =	vld.idx.msk [tilespmem:v60+s13+$0x0], $0xffff;
	v62 =	vsel vm2, v8, v45;
	vm2 =	vlt.s32 v61, v7  }
0x5e: {  	v8 =	vsel vm1, v62, v8;
	vm1 =	vgt.f32 v15, v12;
	v63 =	vsel vm2, v61, v7  }
0x5f: {  	v12 =	vmax.f32 v15, v12;
	v15 =	vsel vm1, v45, v8;
	v16 =	vsel vm0, v63, v61  }
0x60: {  	v11 =	vld.idx.msk [tilespmem:v11+s13+$0x0], $0xffff;
	v8 =	vmax.f32 v14, v13;
	vm0 =	vlt.s32 v15, v7;
	v13 =	vsel vm3, v7, v16  }
0x61: {  	vm1 =	veq.f32 v10, v12;
	v14 =	vsel vm0, v15, v7;
	vm0 =	vlt.s32 v13, v6  }
0x62: {  	v14 =	vsel vm1, v14, v15;
	vm1 =	vgt.f32 v10, v12;
	vm2 =	veq.f32 v9, v8  }
0x63: {  	v10 =	vmax.f32 v10, v12;
	v7 =	vsel vm1, v7, v14;
	v14 =	vsel vm0, v13, v6  }
0x64: {  	vm1 =	vgt.f32 v9, v8;
	vm0 =	vlt.s32 v7, v6;
	v13 =	vsel vm2, v14, v13  }
0x65: {  	vm2 =	veq.f32 v11, v10;
	v12 =	vsel vm0, v7, v6;
	vm0 =	vgt.f32 v11, v10  }
0x66: {  	s20 =	simm.s32 $0xF;
	v7 =	vsel vm2, v12, v7;
	v12 =	vmax.f32 v11, v10;
	v11 =	vsel vm1, v6, v13  }
.LBB2_3:
0x67: {  	s17 =	sadd.s32 $0xFFFFFFF9, s20  }
0x68: {  	s21 =	sadd.s32 $0xFFFFFFFA, s20;
	s22 =	sadd.s32 $0xFFFFFFFB, s20;
	v13 =	vmax.f32 v9, v8;
	s19 =	smov.u32 s20  }
0x69: {  	v6 =	vsel vm0, v6, v7;
	v8 =	vmov s17;
	v14 =	vxor.u32 s17, v1;
	s23 =	sadd.s32 $0xFFFFFFFD, s19;
	s24 =	sadd.s32 $0xFFFFFFFF, s19;
	s17 =	sadd.s32 $0x8, s20  }
0x6a: {  	p0 =	sne.s32 s20, $0x1FF;
	v10 =	vxor.u32 s22, v1;
	v7 =	vshll.u32 v8, $0x3;
	v8 =	vand.u32 $0x78, v14  }
0x6b: {  	v15 =	vmov s21;
	v9 =	vand.u32 $0xC00, v7;
	v7 =	vxor.u32 s24, v1  }
0x6c: {  	vm0 =	vlt.s32 v6, v14;
	v8 =	vor.u32 v8, v9;
	v9 =	vand.u32 $0x7F, v10  }
0x6d: {  	s20 =	sadd.s32 $0xFFFFFFFC, s19;
	vm1 =	vlt.s32 v11, v14;
	v16 =	vor.u32 v2, v8;
	v8 =	vor.u32 v3, v8  }
0x6e: {  	v17 =	vxor.u32 s21, v1;
	v18 =	vmov s22;
	v19 =	vmov s20  }
0x6f: {  	v21 =	vand.u32 $0x7F, v17;
	v18 =	vshll.u32 v18, $0x3;
	v20 =	vsel vm1, v11, v14  }
0x70: {  	v15 =	vshll.u32 v15, $0x3;
	v18 =	vand.u32 $0xC00, v18;
	v19 =	vshll.u32 v19, $0x3  }
0x71: {  	v15 =	vand.u32 $0xC00, v15;
	v9 =	vor.u32 v9, v18;
	v18 =	vmov s24  }
0x72: {  	s21 =	sadd.s32 $0xFFFFFFFE, s19;
	v22 =	vsel vm0, v6, v14;
	v15 =	vor.u32 v21, v15;
	v21 =	vor.u32 v4, v9;
	v16 =	vld.idx.msk [tilespmem:v16+s13+$0x0], $0xffff  }
0x73: {  	v25 =	vmov s21;
	v24 =	vor.u32 v5, v9;
	v23 =	vld.idx.msk [tilespmem:v8+s13+$0x0], $0xffff;
	v8 =	vmov s23  }
0x74: {  	v26 =	vor.u32 v5, v15;
	v9 =	vxor.u32 s23, v1;
	v8 =	vshll.u32 v8, $0x3  }
0x75: {  	v25 =	vshll.u32 v25, $0x3;
	v27 =	vand.u32 $0x7F, v9;
	v8 =	vand.u32 $0xC00, v8  }
0x76: {  	v15 =	vor.u32 v4, v15;
	v27 =	vor.u32 v27, v8;
	v8 =	vxor.u32 s21, v1  }
0x77: {  	v28 =	vxor.u32 s20, v1;
	v19 =	vand.u32 $0xC00, v19;
	v29 =	vand.u32 $0x7F, v8  }
0x78: {  	vm0 =	veq.f32 v16, v12;
	vm1 =	vgt.f32 v16, v12;
	v30 =	vor.u32 v5, v27  }
0x79: {  	v31 =	vand.u32 $0x7F, v28;
	v27 =	vor.u32 v4, v27;
	vm2 =	veq.f32 v23, v13;
	v26 =	vld.idx.msk [tilespmem:v26+s13+$0x0], $0xffff  }
0x7a: {  	v6 =	vsel vm0, v22, v6;
	vm0 =	vgt.f32 v23, v13;
	v11 =	vsel vm2, v20, v11  }
0x7b: {  	v12 =	vmax.f32 v16, v12;
	v16 =	vor.u32 v31, v19;
	v11 =	vsel vm0, v14, v11;
	v15 =	vld.idx.msk [tilespmem:v15+s13+$0x0], $0xffff  }
0x7c: {  	v13 =	vmax.f32 v23, v13;
	v6 =	vsel vm1, v14, v6;
	vm0 =	vlt.s32 v11, v17;
	v14 =	vld.idx.msk [tilespmem:v21+s13+$0x0], $0xffff  }
0x7d: {  	v18 =	vshll.u32 v18, $0x3;
	vm1 =	vlt.s32 v6, v17;
	v19 =	vsel vm0, v11, v17;
	v20 =	vld.idx.msk [tilespmem:v24+s13+$0x0], $0xffff  }
0x7e: {  	v22 =	vand.u32 $0xC00, v25;
	v23 =	vand.u32 $0x7F, v7;
	v21 =	vsel vm1, v6, v17  }
0x7f: {  	v24 =	vor.u32 v4, v16;
	vm0 =	veq.f32 v26, v13;
	vm1 =	vgt.f32 v26, v13  }
0x80: {  	v16 =	vor.u32 v5, v16;
	v13 =	vmax.f32 v26, v13;
	v11 =	vsel vm0, v19, v11  }
0x81: {  	vm0 =	veq.f32 v15, v12;
	v19 =	vmax.f32 v15, v12;
	vm2 =	vgt.f32 v15, v12  }
0x82: {  	v6 =	vsel vm0, v21, v6;
	v12 =	vmax.f32 v14, v19;
	vm0 =	vgt.f32 v14, v19  }
0x83: {  	v15 =	vsel vm2, v17, v6;
	vm2 =	veq.f32 v20, v13;
	v21 =	vmax.f32 v20, v13;
	v25 =	vld.idx.msk [tilespmem:v27+s13+$0x0], $0xffff  }
0x84: {  	v6 =	vsel vm1, v17, v11;
	v11 =	vor.u32 v29, v22;
	vm1 =	vlt.s32 v15, v10  }
0x85: {  	vm3 =	veq.f32 v14, v19;
	vm4 =	vlt.s32 v6, v10;
	v14 =	vld.idx.msk [tilespmem:v16+s13+$0x0], $0xffff;
	v16 =	vor.u32 v5, v11  }
0x86: {  	v18 =	vand.u32 $0xC00, v18;
	v17 =	vsel vm4, v6, v10;
	vm4 =	vgt.f32 v20, v13;
	v13 =	vld.idx.msk [tilespmem:v24+s13+$0x0], $0xffff  }
0x87: {  	v18 =	vor.u32 v23, v18;
	v17 =	vsel vm2, v17, v6;
	v11 =	vor.u32 v4, v11;
	v19 =	vld.idx.msk [tilespmem:v30+s13+$0x0], $0xffff  }
0x88: {  	v22 =	vor.u32 v5, v18;
	v20 =	vsel vm1, v15, v10;
	v6 =	vxor.u32 s19, v1  }
0x89: {  	v15 =	vsel vm3, v20, v15;
	v20 =	vmov s19;
	v23 =	vand.u32 $0x7F, v6  }
0x8a: {  	v15 =	vsel vm0, v10, v15;
	v10 =	vsel vm4, v10, v17;
	v17 =	vshll.u32 v20, $0x3  }
0x8b: {  	vm1 =	vlt.s32 v10, v28;
	v17 =	vand.u32 $0xC00, v17;
	v20 =	vmax.f32 v14, v21;
	v16 =	vld.idx.msk [tilespmem:v16+s13+$0x0], $0xffff  }
0x8c: {  	v17 =	vor.u32 v23, v17;
	vm2 =	veq.f32 v13, v12;
	vm0 =	vgt.f32 v13, v12;
	v11 =	vld.idx.msk [tilespmem:v11+s13+$0x0], $0xffff  }
0x8d: {  	v18 =	vor.u32 v4, v18;
	v23 =	vsel vm1, v10, v28;
	v24 =	vor.u32 v5, v17  }
0x8e: {  	vm1 =	veq.f32 v14, v21;
	v12 =	vmax.f32 v13, v12;
	v13 =	vor.u32 v4, v17  }
0x8f: {  	vm3 =	vlt.s32 v15, v28;
	v10 =	vsel vm1, v23, v10;
	vm1 =	vgt.f32 v14, v21  }
0x90: {  	v14 =	vsel vm3, v15, v28;
	vm3 =	veq.f32 v19, v20;
	v17 =	vmax.f32 v19, v20  }
0x91: {  	v10 =	vsel vm1, v28, v10;
	vm4 =	veq.f32 v16, v17;
	vm1 =	vgt.f32 v16, v17  }
0x92: {  	vm5 =	veq.f32 v25, v12;
	vm7 =	vgt.f32 v19, v20;
	vm6 =	vlt.s32 v10, v9;
	v19 =	vld.idx.msk [tilespmem:v22+s13+$0x0], $0xffff  }
0x93: {  	v14 =	vsel vm2, v14, v15;
	vm2 =	vgt.f32 v25, v12;
	v15 =	vsel vm6, v10, v9  }
0x94: {  	v14 =	vsel vm0, v28, v14;
	v10 =	vsel vm3, v15, v10  }
0x95: {  	vm0 =	vlt.s32 v14, v9;
	v10 =	vsel vm7, v9, v10  }
0x96: {  	v12 =	vmax.f32 v25, v12;
	v15 =	vsel vm0, v14, v9;
	vm0 =	vlt.s32 v10, v8  }
0x97: {  	v14 =	vsel vm5, v15, v14;
	v16 =	vmax.f32 v16, v17;
	v15 =	vsel vm0, v10, v8;
	v17 =	vld.idx.msk [tilespmem:v18+s13+$0x0], $0xffff  }
0x98: {  	v14 =	vsel vm2, v9, v14;
	v10 =	vsel vm4, v15, v10;
	vm0 =	veq.f32 v19, v16;
	v9 =	vld.idx.msk [tilespmem:v24+s13+$0x0], $0xffff  }
0x99: {  	vm2 =	veq.f32 v11, v12;
	vm3 =	vlt.s32 v14, v8;
	v10 =	vsel vm1, v8, v10  }
0x9a: {  	v15 =	vsel vm3, v14, v8;
	vm1 =	vlt.s32 v10, v7;
	vm3 =	vgt.f32 v19, v16;
	v13 =	vld.idx.msk [tilespmem:v13+s13+$0x0], $0xffff  }
0x9b: {  	v14 =	vsel vm2, v15, v14;
	vm2 =	vgt.f32 v11, v12;
	v15 =	vsel vm1, v10, v7  }
0x9c: {  	v11 =	vmax.f32 v11, v12;
	v12 =	vsel vm2, v8, v14;
	v10 =	vsel vm0, v15, v10  }
0x9d: {  	v8 =	vmax.f32 v19, v16;
	vm0 =	vlt.s32 v12, v7;
	v10 =	vsel vm3, v7, v10  }
0x9e: {  	v14 =	vsel vm0, v12, v7;
	vm0 =	vlt.s32 v10, v6;
	vm1 =	veq.f32 v17, v11  }
.Ltmp0:
0x9f: {  	v12 =	vsel vm1, v14, v12;
	vm1 =	vgt.f32 v17, v11;
	vm2 =	veq.f32 v9, v8;
	(pc) =	sbr.rel @p0 .LBB2_3-.Ltmp0, $4  }
0xa0: {  	v7 =	vsel vm1, v7, v12;
	v12 =	vsel vm0, v10, v6;
	vm1 =	vgt.f32 v9, v8  }
0xa1: {  	v11 =	vmax.f32 v17, v11;
	vm0 =	vlt.s32 v7, v6;
	v10 =	vsel vm2, v12, v10  }
0xa2: {  	vm2 =	veq.f32 v13, v11;
	v12 =	vsel vm0, v7, v6;
	vm0 =	vgt.f32 v13, v11  }
0xa3: {  	s20 =	smov.u32 s17;
	v7 =	vsel vm2, v12, v7;
	v12 =	vmax.f32 v13, v11;
	v11 =	vsel vm1, v6, v10  }
0xa4: {  	s17 =	sshll.u32 s11, $0x1  }
0xa5: {  	s19 =	smin.u32 s17, $0x1D  }
0xa6: {  	s19 =	sshll.u32 s19, $0xE  }
0xa7: {  	s19 =	sadd.s32 s19, s12  }
0xa8: {  	s19 =	sshrl.u32 s19, $0x3  }
0xa9: {  	p0 =	seq.s32 s11, $0x0;
	s19 =	sadd.s32 s5, s19  }
0xaa: {  	[tilespmem:s13], [sflag:$0x1] =	stream.linear.gather [hbm4b:s19+s4], $0x4000, $0x38;
	[tilespmem:$0xC430] =	vst v63  }
0xab: {  	s19 =	simm.s32 @!p0 $0x5  }
0xac: {  	_ =	swait.ge @!p0 [sflag:s19], $0x2000  }
0xad: {  	v6 =	vsel vm0, v6, v7;
	[sflag:s19] =	ssyncset.done @!p0 $0x0  }
0xae: {  	v6 =	vshll.u32 v6, $0x4;
	[sflag:s19] =	ssyncadd.s32 @!p0 $0xFFFFE000  }
0xaf: {  	v7 =	vshll.u32 v11, $0x4;
	[tilespmem:$0x8030] =	vst v6  }
0xb0: {  	v8 =	vor.u32 $0x1, v6;
	[tilespmem:$0x8040] =	vst v7  }
0xb1: {  	[tilespmem:$0x8050] =	vst v8;
	v8 =	vor.u32 $0x1, v7  }
0xb2: {  	[tilespmem:$0x8060] =	vst v8;
	v8 =	vor.u32 $0x2, v6  }
0xb3: {  	[tilespmem:$0x8070] =	vst v8;
	v8 =	vor.u32 $0x2, v7  }
0xb4: {  	[tilespmem:$0x8080] =	vst v8;
	v8 =	vor.u32 $0x3, v6  }
0xb5: {  	[tilespmem:$0x8090] =	vst v8;
	v8 =	vor.u32 $0x3, v7  }
0xb6: {  	[tilespmem:$0x80A0] =	vst v8;
	v8 =	vor.u32 $0x4, v6  }
0xb7: {  	[tilespmem:$0x80B0] =	vst v8;
	v8 =	vor.u32 $0x4, v7  }
0xb8: {  	[tilespmem:$0x80C0] =	vst v8;
	v8 =	vor.u32 $0x5, v6  }
0xb9: {  	[tilespmem:$0x80D0] =	vst v8;
	v8 =	vor.u32 $0x5, v7  }
0xba: {  	[tilespmem:$0x80E0] =	vst v8;
	v8 =	vor.u32 $0x6, v6  }
0xbb: {  	[tilespmem:$0x80F0] =	vst v8;
	v8 =	vor.u32 $0x6, v7  }
0xbc: {  	[tilespmem:$0x8100] =	vst v8;
	v8 =	vor.u32 $0x7, v6  }
0xbd: {  	[tilespmem:$0x8110] =	vst v8;
	v8 =	vor.u32 $0x7, v7  }
0xbe: {  	[tilespmem:$0x8120] =	vst v8;
	v8 =	vor.u32 $0x8, v6  }
0xbf: {  	[tilespmem:$0x8130] =	vst v8;
	v8 =	vor.u32 $0x8, v7  }
0xc0: {  	[tilespmem:$0x8140] =	vst v8;
	v8 =	vor.u32 $0x9, v6  }
0xc1: {  	[tilespmem:$0x8150] =	vst v8;
	v8 =	vor.u32 $0x9, v7  }
0xc2: {  	[tilespmem:$0x8160] =	vst v8;
	v8 =	vor.u32 $0xA, v6  }
0xc3: {  	[tilespmem:$0x8170] =	vst v8;
	v8 =	vor.u32 $0xA, v7  }
0xc4: {  	[tilespmem:$0x8180] =	vst v8;
	v8 =	vor.u32 $0xB, v6  }
0xc5: {  	[tilespmem:$0x8190] =	vst v8;
	v8 =	vor.u32 $0xB, v7  }
0xc6: {  	[tilespmem:$0x81A0] =	vst v8;
	v8 =	vor.u32 $0xC, v6  }
0xc7: {  	[tilespmem:$0x81B0] =	vst v8;
	v8 =	vor.u32 $0xC, v7  }
0xc8: {  	[tilespmem:$0x81C0] =	vst v8;
	v8 =	vor.u32 $0xD, v6  }
0xc9: {  	[tilespmem:$0x81D0] =	vst v8;
	v8 =	vor.u32 $0xD, v7  }
0xca: {  	[tilespmem:$0x81E0] =	vst v8;
	v8 =	vor.u32 $0xE, v6  }
0xcb: {  	v6 =	vor.u32 $0xF, v6;
	[tilespmem:$0x81F0] =	vst v8  }
0xcc: {  	v8 =	vor.u32 $0xE, v7;
	[tilespmem:$0x8210] =	vst v6  }
0xcd: {  	v6 =	vor.u32 $0xF, v7;
	[tilespmem:$0x8200] =	vst v8  }
0xce: {  	s24 =	simm.s32 $0x8030;
	[tilespmem:$0x8220] =	vst v6  }
0xcf: {  	[tilespmem:s18], [sflag:$0x3] =	stream.indirect.gather [hbm4b:s6+s16], $0x10, s24, s16, $0xb8;
	[tilespmem:$0xC430] =	vst v63  }
0xd0: {  	s26 =	simm.s32 $0x80B0;
	s20 =	simm.s32 $0x8C30  }
0xd1: {  	[tilespmem:s20], [sflag:$0x3] =	stream.indirect.gather [hbm4b:s6+s16], $0x10, s26, s16, $0xb8;
	[tilespmem:$0xC430] =	vst v63  }
0xd2: {  	s21 =	simm.s32 $0x9430;
	s20 =	simm.s32 $0x8130  }
0xd3: {  	[tilespmem:s21], [sflag:$0x3] =	stream.indirect.gather [hbm4b:s6+s16], $0x10, s20, s16, $0xb8;
	[tilespmem:$0xC430] =	vst v63  }
0xd4: {  	s22 =	simm.s32 $0x81B0;
	s23 =	simm.s32 $0x9C30;
	s19 =	simm.s32 @!p0 $0x4  }
0xd5: {  	[tilespmem:s23], [sflag:$0x3] =	stream.indirect.gather [hbm4b:s6+s16], $0x10, s22, s16, $0xb8;
	[tilespmem:$0xC430] =	vst v63  }
0xd6: {  	_ =	swait.ge @!p0 [sflag:s19], $0x800  }
0xd7: {  	[sflag:s19] =	ssyncset.done @!p0 $0x0  }
0xd8: {  	[sflag:s19] =	ssyncadd.s32 @!p0 $0xFFFFF800  }
0xd9: {  	s24 =	simm.s32 $0x0;
	_ =	swait.ge @!p0 [sflag:s19], $0x800  }
0xda: {  	v11 =	vimm.s32 $0x0;
	v7 =	vmov s24;
	v10 =	vxor.u32 s24, v1;
	[sflag:s19] =	ssyncset.done @!p0 $0x0  }
0xdb: {  	v6 =	vimm.f32 $-Inf;
	s24 =	simm.s32 $0x3;
	v7 =	vshll.u32 v7, $0x3;
	v8 =	vand.u32 $0x78, v10;
	[sflag:s19] =	ssyncadd.s32 @!p0 $0xFFFFF800  }
0xdc: {  	s26 =	simm.s32 $0x1;
	vm0 =	vlt.s32 v11, v10;
	v22 =	vmov s24;
	v42 =	vxor.u32 s24, v1;
	_ =	swait.ge @!p0 [sflag:s19], $0x800  }
0xdd: {  	v12 =	vmov s26;
	v13 =	vxor.u32 s26, v1;
	v7 =	vand.u32 $0xC00, v7;
	[sflag:s19] =	ssyncset.done @!p0 $0x0  }
0xde: {  	v23 =	vsel vm0, v11, v10;
	v40 =	vshll.u32 v22, $0x3;
	v28 =	vand.u32 $0x7F, v42;
	s26 =	simm.s32 $0x7;
	s20 =	sshll.u32 @!p0 s11, $0xE;
	[sflag:s19] =	ssyncadd.s32 @!p0 $0xFFFFF800  }
0xdf: {  	s21 =	simm.s32 @!p0 $0x0;
	v8 =	vor.u32 v8, v7;
	v12 =	vshll.u32 v12, $0x3;
	v24 =	vand.u32 $0x7F, v13;
	s20 =	sadd.s32 @!p0 s20, s9;
	_ =	swait.ge @!p0 [sflag:s19], $0x800  }
0xe0: {  	v54 =	vmov s26;
	v17 =	vor.u32 v2, v8;
	v12 =	vand.u32 $0xC00, v12;
	s20 =	sshrl.u32 @!p0 s20, $0x3;
	s23 =	simm.s32 $0x5;
	[sflag:s19] =	ssyncset.done @!p0 $0x0  }
0xe1: {  	v18 =	vor.u32 v3, v8;
	s22 =	simm.s32 @!p0 $0xA430;
	v12 =	vor.u32 v24, v12;
	v20 =	vmov s23;
	[sflag:s19] =	ssyncadd.s32 @!p0 $0xFFFFF800;
	s19 =	sadd.s32 @!p0 s3, s20  }
0xe2: {  	v8 =	vxor.u32 s23, v1;
	v24 =	vor.u32 v5, v12;
	v20 =	vshll.u32 v20, $0x3;
	[hbm4b:s19+s21] =	stream.linear.scatter @!p0 [tilespmem:s22], [sflag:$0x6], $0x2000, $0x38;
	[tilespmem:$0xC430] =	vst v63  }
0xe3: {  	v12 =	vor.u32 v4, v12;
	v26 =	vand.u32 $0x7F, v8;
	v20 =	vand.u32 $0xC00, v20;
	s20 =	simm.s32 $0x2;
	s21 =	simm.s32 $0x6;
	_ =	swait.ge [sflag:s25], $0x4000  }
0xe4: {  	v14 =	vxor.u32 s20, v1;
	v15 =	vmov s20;
	s22 =	simm.s32 $0x4;
	v7 =	vxor.u32 s21, v1;
	[sflag:s25] =	ssyncset.done $0x0  }
0xe5: {  	v16 =	vmov s21;
	v19 =	vmov s22;
	v15 =	vshll.u32 v15, $0x3;
	[sflag:s25] =	ssyncadd.s32 $0xFFFFC000  }
0xe6: {  	v9 =	vxor.u32 s22, v1;
	v21 =	vand.u32 $0x7F, v14;
	v15 =	vand.u32 $0xC00, v15;
	v17 =	vld.idx.msk [tilespmem:v17+s14+$0x0], $0xffff  }
0xe7: {  	v19 =	vshll.u32 v19, $0x3;
	v25 =	vand.u32 $0x7F, v9;
	v15 =	vor.u32 v21, v15;
	v18 =	vld.idx.msk [tilespmem:v18+s14+$0x0], $0xffff  }
0xe8: {  	v16 =	vshll.u32 v16, $0x3;
	v19 =	vand.u32 $0xC00, v19;
	v41 =	vor.u32 v4, v15  }
0xe9: {  	v21 =	vand.u32 $0xC00, v40;
	v15 =	vor.u32 v5, v15;
	v19 =	vor.u32 v25, v19  }
0xea: {  	v46 =	vand.u32 $0x7F, v7;
	v12 =	vld.idx.msk [tilespmem:v12+s14+$0x0], $0xffff;
	v21 =	vor.u32 v28, v21;
	v27 =	vor.u32 v5, v19  }
0xeb: {  	v19 =	vor.u32 v4, v19;
	v47 =	vor.u32 v4, v21;
	v21 =	vor.u32 v5, v21  }
0xec: {  	v24 =	vld.idx.msk [tilespmem:v24+s14+$0x0], $0xffff;
	vm0 =	veq.f32 v17, v6;
	vm1 =	vgt.f32 v17, v6;
	vm2 =	veq.f32 v18, v6  }
0xed: {  	v43 =	vld.idx.msk [tilespmem:v41+s14+$0x0], $0xffff;
	v29 =	vsel vm0, v23, v11;
	v11 =	vsel vm2, v23, v11;
	vm0 =	vgt.f32 v18, v6  }
0xee: {  	v17 =	vmax.f32 v17, v6;
	v15 =	vld.idx.msk [tilespmem:v15+s14+$0x0], $0xffff;
	v6 =	vmax.f32 v18, v6;
	v11 =	vsel vm0, v10, v11  }
0xef: {  	v48 =	vmax.f32 v12, v17;
	v10 =	vsel vm1, v10, v29;
	vm0 =	vlt.s32 v11, v13  }
0xf0: {  	vm2 =	vgt.f32 v12, v17;
	v50 =	vld.idx.msk [tilespmem:v21+s14+$0x0], $0xffff;
	vm1 =	vlt.s32 v10, v13;
	v44 =	vsel vm0, v11, v13  }
0xf1: {  	v56 =	vld.idx.msk [tilespmem:v27+s14+$0x0], $0xffff;
	v45 =	vsel vm1, v10, v13;
	vm0 =	veq.f32 v24, v6;
	vm1 =	vgt.f32 v24, v6  }
0xf2: {  	v6 =	vmax.f32 v24, v6;
	v11 =	vsel vm0, v44, v11;
	vm0 =	veq.f32 v12, v17  }
0xf3: {  	v12 =	vmax.f32 v43, v48;
	v49 =	vmax.f32 v15, v6;
	vm4 =	veq.f32 v43, v48  }
0xf4: {  	v10 =	vsel vm0, v45, v10;
	vm0 =	vgt.f32 v43, v48;
	v11 =	vsel vm1, v13, v11  }
0xf5: {  	v57 =	vmax.f32 v50, v49;
	v10 =	vsel vm2, v13, v10;
	vm2 =	veq.f32 v15, v6  }
0xf6: {  	v13 =	vor.u32 v26, v20;
	vm3 =	vlt.s32 v11, v14;
	v60 =	vmax.f32 v56, v57  }
0xf7: {  	vm1 =	vlt.s32 v10, v14;
	v20 =	vor.u32 v5, v13;
	v51 =	vsel vm3, v11, v14  }
0xf8: {  	vm3 =	vgt.f32 v15, v6;
	v6 =	vand.u32 $0xC00, v16;
	v13 =	vor.u32 v4, v13  }
0xf9: {  	v15 =	vld.idx.msk [tilespmem:v47+s14+$0x0], $0xffff;
	v11 =	vsel vm2, v51, v11;
	v16 =	vor.u32 v46, v6;
	v52 =	vsel vm1, v10, v14  }
0xfa: {  	v6 =	vxor.u32 s26, v1;
	v53 =	vor.u32 v5, v16;
	v10 =	vsel vm4, v52, v10  }
0xfb: {  	v55 =	vand.u32 $0x7F, v6;
	v11 =	vsel vm3, v14, v11;
	v16 =	vor.u32 v4, v16  }
0xfc: {  	v10 =	vsel vm0, v14, v10;
	v14 =	vshll.u32 v54, $0x3;
	vm0 =	vlt.s32 v11, v42  }
0xfd: {  	v19 =	vld.idx.msk [tilespmem:v19+s14+$0x0], $0xffff;
	v14 =	vand.u32 $0xC00, v14;
	v58 =	vsel vm0, v11, v42;
	vm0 =	veq.f32 v50, v49  }
0xfe: {  	vm3 =	vlt.s32 v10, v42;
	vm1 =	veq.f32 v15, v12;
	vm2 =	vgt.f32 v15, v12  }
0xff: {  	v14 =	vor.u32 v55, v14;
	v12 =	vmax.f32 v15, v12;
	v11 =	vsel vm0, v58, v11  }
0x100: {  	v20 =	vld.idx.msk [tilespmem:v20+s14+$0x0], $0xffff;
	vm0 =	vgt.f32 v50, v49;
	v15 =	vsel vm3, v10, v42;
	vm3 =	veq.f32 v56, v57  }
0x101: {  	v59 =	vor.u32 v5, v14;
	v14 =	vor.u32 v4, v14;
	v11 =	vsel vm0, v42, v11  }
0x102: {  	vm6 =	veq.f32 v19, v12;
	v10 =	vsel vm1, v15, v10;
	vm5 =	vlt.s32 v11, v9  }
0x103: {  	v13 =	vld.idx.msk [tilespmem:v13+s14+$0x0], $0xffff;
	vm1 =	vgt.f32 v56, v57;
	v10 =	vsel vm2, v42, v10;
	v15 =	vsel vm5, v11, v9  }
0x104: {  	v61 =	vld.idx.msk [tilespmem:v53+s14+$0x0], $0xffff;
	vm2 =	vgt.f32 v19, v12;
	v12 =	vmax.f32 v19, v12;
	v11 =	vsel vm3, v15, v11  }
0x105: {  	vm3 =	vlt.s32 v10, v9;
	vm0 =	veq.f32 v20, v60;
	v11 =	vsel vm1, v9, v11  }
0x106: {  	vm15 =	vgt.f32 v20, v60;
	v15 =	vsel vm3, v10, v9;
	vm1 =	vlt.s32 v11, v8  }
0x107: {  	v17 =	vmax.f32 v20, v60;
	v10 =	vsel vm6, v15, v10;
	v15 =	vsel vm1, v11, v8  }
0x108: {  	v10 =	vsel vm2, v9, v10;
	vm1 =	veq.f32 v13, v12;
	v9 =	vsel vm0, v15, v11  }
0x109: {  	vm3 =	vgt.f32 v61, v17;
	v11 =	vld.idx.msk [tilespmem:v16+s14+$0x0], $0xffff;
	vm2 =	vlt.s32 v10, v8;
	v15 =	vsel vm15, v8, v9  }
0x10a: {  	vm0 =	veq.f32 v61, v17;
	v9 =	vld.idx.msk [tilespmem:v59+s14+$0x0], $0xffff;
	v62 =	vsel vm2, v10, v8;
	vm2 =	vlt.s32 v15, v7  }
0x10b: {  	v10 =	vsel vm1, v62, v10;
	vm1 =	vgt.f32 v13, v12;
	v63 =	vsel vm2, v15, v7  }
0x10c: {  	v12 =	vmax.f32 v13, v12;
	v10 =	vsel vm1, v8, v10;
	v13 =	vsel vm0, v63, v15  }
0x10d: {  	v14 =	vld.idx.msk [tilespmem:v14+s14+$0x0], $0xffff;
	v8 =	vmax.f32 v61, v17;
	vm0 =	vlt.s32 v10, v7;
	v13 =	vsel vm3, v7, v13  }
0x10e: {  	vm1 =	veq.f32 v11, v12;
	v15 =	vsel vm0, v10, v7;
	vm0 =	vlt.s32 v13, v6  }
0x10f: {  	v10 =	vsel vm1, v15, v10;
	vm1 =	vgt.f32 v11, v12;
	vm2 =	veq.f32 v9, v8  }
0x110: {  	v11 =	vmax.f32 v11, v12;
	v7 =	vsel vm1, v7, v10;
	v10 =	vsel vm0, v13, v6  }
0x111: {  	vm1 =	vgt.f32 v9, v8;
	vm0 =	vlt.s32 v7, v6;
	v10 =	vsel vm2, v10, v13  }
0x112: {  	vm2 =	veq.f32 v14, v11;
	v12 =	vsel vm0, v7, v6;
	vm0 =	vgt.f32 v14, v11  }
0x113: {  	s19 =	simm.s32 $0xF;
	v7 =	vsel vm2, v12, v7;
	v12 =	vmax.f32 v14, v11;
	v11 =	vsel vm1, v6, v10  }
.LBB2_5:
0x114: {  	s21 =	sadd.s32 $0xFFFFFFF9, s19  }
0x115: {  	s22 =	sadd.s32 $0xFFFFFFFA, s19;
	s23 =	sadd.s32 $0xFFFFFFFB, s19;
	v13 =	vmax.f32 v9, v8;
	s20 =	smov.u32 s19  }
0x116: {  	v6 =	vsel vm0, v6, v7;
	v8 =	vmov s21;
	v14 =	vxor.u32 s21, v1;
	s24 =	sadd.s32 $0xFFFFFFFD, s20;
	s26 =	sadd.s32 $0xFFFFFFFF, s20;
	s21 =	sadd.s32 $0x8, s19  }
0x117: {  	p1 =	sne.s32 s19, $0x1FF;
	v10 =	vxor.u32 s23, v1;
	v7 =	vshll.u32 v8, $0x3;
	v8 =	vand.u32 $0x78, v14  }
0x118: {  	v15 =	vmov s22;
	v9 =	vand.u32 $0xC00, v7;
	v7 =	vxor.u32 s26, v1  }
0x119: {  	vm0 =	vlt.s32 v6, v14;
	v8 =	vor.u32 v8, v9;
	v9 =	vand.u32 $0x7F, v10  }
0x11a: {  	s19 =	sadd.s32 $0xFFFFFFFC, s20;
	vm1 =	vlt.s32 v11, v14;
	v16 =	vor.u32 v2, v8;
	v8 =	vor.u32 v3, v8  }
0x11b: {  	v17 =	vxor.u32 s22, v1;
	v18 =	vmov s23;
	v19 =	vmov s19  }
0x11c: {  	v21 =	vand.u32 $0x7F, v17;
	v18 =	vshll.u32 v18, $0x3;
	v20 =	vsel vm1, v11, v14  }
0x11d: {  	v15 =	vshll.u32 v15, $0x3;
	v18 =	vand.u32 $0xC00, v18;
	v19 =	vshll.u32 v19, $0x3  }
0x11e: {  	v15 =	vand.u32 $0xC00, v15;
	v9 =	vor.u32 v9, v18;
	v18 =	vmov s26  }
0x11f: {  	s22 =	sadd.s32 $0xFFFFFFFE, s20;
	v22 =	vsel vm0, v6, v14;
	v15 =	vor.u32 v21, v15;
	v21 =	vor.u32 v4, v9;
	v16 =	vld.idx.msk [tilespmem:v16+s14+$0x0], $0xffff  }
0x120: {  	v25 =	vmov s22;
	v24 =	vor.u32 v5, v9;
	v23 =	vld.idx.msk [tilespmem:v8+s14+$0x0], $0xffff;
	v8 =	vmov s24  }
0x121: {  	v26 =	vor.u32 v5, v15;
	v9 =	vxor.u32 s24, v1;
	v8 =	vshll.u32 v8, $0x3  }
0x122: {  	v25 =	vshll.u32 v25, $0x3;
	v27 =	vand.u32 $0x7F, v9;
	v8 =	vand.u32 $0xC00, v8  }
0x123: {  	v15 =	vor.u32 v4, v15;
	v27 =	vor.u32 v27, v8;
	v8 =	vxor.u32 s22, v1  }
0x124: {  	v28 =	vxor.u32 s19, v1;
	v19 =	vand.u32 $0xC00, v19;
	v29 =	vand.u32 $0x7F, v8  }
0x125: {  	vm0 =	veq.f32 v16, v12;
	vm1 =	vgt.f32 v16, v12;
	v30 =	vor.u32 v5, v27  }
0x126: {  	v31 =	vand.u32 $0x7F, v28;
	v27 =	vor.u32 v4, v27;
	vm2 =	veq.f32 v23, v13;
	v26 =	vld.idx.msk [tilespmem:v26+s14+$0x0], $0xffff  }
0x127: {  	v6 =	vsel vm0, v22, v6;
	vm0 =	vgt.f32 v23, v13;
	v11 =	vsel vm2, v20, v11  }
0x128: {  	v12 =	vmax.f32 v16, v12;
	v16 =	vor.u32 v31, v19;
	v11 =	vsel vm0, v14, v11;
	v15 =	vld.idx.msk [tilespmem:v15+s14+$0x0], $0xffff  }
0x129: {  	v13 =	vmax.f32 v23, v13;
	v6 =	vsel vm1, v14, v6;
	vm0 =	vlt.s32 v11, v17;
	v14 =	vld.idx.msk [tilespmem:v21+s14+$0x0], $0xffff  }
0x12a: {  	v18 =	vshll.u32 v18, $0x3;
	vm1 =	vlt.s32 v6, v17;
	v19 =	vsel vm0, v11, v17;
	v20 =	vld.idx.msk [tilespmem:v24+s14+$0x0], $0xffff  }
0x12b: {  	v22 =	vand.u32 $0xC00, v25;
	v23 =	vand.u32 $0x7F, v7;
	v21 =	vsel vm1, v6, v17  }
0x12c: {  	v24 =	vor.u32 v4, v16;
	vm0 =	veq.f32 v26, v13;
	vm1 =	vgt.f32 v26, v13  }
0x12d: {  	v16 =	vor.u32 v5, v16;
	v13 =	vmax.f32 v26, v13;
	v11 =	vsel vm0, v19, v11  }
0x12e: {  	vm0 =	veq.f32 v15, v12;
	v19 =	vmax.f32 v15, v12;
	vm2 =	vgt.f32 v15, v12  }
0x12f: {  	v6 =	vsel vm0, v21, v6;
	v12 =	vmax.f32 v14, v19;
	vm0 =	vgt.f32 v14, v19  }
0x130: {  	v15 =	vsel vm2, v17, v6;
	vm2 =	veq.f32 v20, v13;
	v21 =	vmax.f32 v20, v13;
	v25 =	vld.idx.msk [tilespmem:v27+s14+$0x0], $0xffff  }
0x131: {  	v6 =	vsel vm1, v17, v11;
	v11 =	vor.u32 v29, v22;
	vm1 =	vlt.s32 v15, v10  }
0x132: {  	vm3 =	veq.f32 v14, v19;
	vm4 =	vlt.s32 v6, v10;
	v14 =	vld.idx.msk [tilespmem:v16+s14+$0x0], $0xffff;
	v16 =	vor.u32 v5, v11  }
0x133: {  	v18 =	vand.u32 $0xC00, v18;
	v17 =	vsel vm4, v6, v10;
	vm4 =	vgt.f32 v20, v13;
	v13 =	vld.idx.msk [tilespmem:v24+s14+$0x0], $0xffff  }
0x134: {  	v18 =	vor.u32 v23, v18;
	v17 =	vsel vm2, v17, v6;
	v11 =	vor.u32 v4, v11;
	v19 =	vld.idx.msk [tilespmem:v30+s14+$0x0], $0xffff  }
0x135: {  	v22 =	vor.u32 v5, v18;
	v20 =	vsel vm1, v15, v10;
	v6 =	vxor.u32 s20, v1  }
0x136: {  	v15 =	vsel vm3, v20, v15;
	v20 =	vmov s20;
	v23 =	vand.u32 $0x7F, v6  }
0x137: {  	v15 =	vsel vm0, v10, v15;
	v10 =	vsel vm4, v10, v17;
	v17 =	vshll.u32 v20, $0x3  }
0x138: {  	vm1 =	vlt.s32 v10, v28;
	v17 =	vand.u32 $0xC00, v17;
	v20 =	vmax.f32 v14, v21;
	v16 =	vld.idx.msk [tilespmem:v16+s14+$0x0], $0xffff  }
0x139: {  	v17 =	vor.u32 v23, v17;
	vm2 =	veq.f32 v13, v12;
	vm0 =	vgt.f32 v13, v12;
	v11 =	vld.idx.msk [tilespmem:v11+s14+$0x0], $0xffff  }
0x13a: {  	v18 =	vor.u32 v4, v18;
	v23 =	vsel vm1, v10, v28;
	v24 =	vor.u32 v5, v17  }
0x13b: {  	vm1 =	veq.f32 v14, v21;
	v12 =	vmax.f32 v13, v12;
	v13 =	vor.u32 v4, v17  }
0x13c: {  	vm3 =	vlt.s32 v15, v28;
	v10 =	vsel vm1, v23, v10;
	vm1 =	vgt.f32 v14, v21  }
0x13d: {  	v14 =	vsel vm3, v15, v28;
	vm3 =	veq.f32 v19, v20;
	v17 =	vmax.f32 v19, v20  }
0x13e: {  	v10 =	vsel vm1, v28, v10;
	vm4 =	veq.f32 v16, v17;
	vm1 =	vgt.f32 v16, v17  }
0x13f: {  	vm5 =	veq.f32 v25, v12;
	vm7 =	vgt.f32 v19, v20;
	vm6 =	vlt.s32 v10, v9;
	v19 =	vld.idx.msk [tilespmem:v22+s14+$0x0], $0xffff  }
0x140: {  	v14 =	vsel vm2, v14, v15;
	vm2 =	vgt.f32 v25, v12;
	v15 =	vsel vm6, v10, v9  }
0x141: {  	v14 =	vsel vm0, v28, v14;
	v10 =	vsel vm3, v15, v10  }
0x142: {  	vm0 =	vlt.s32 v14, v9;
	v10 =	vsel vm7, v9, v10  }
0x143: {  	v12 =	vmax.f32 v25, v12;
	v15 =	vsel vm0, v14, v9;
	vm0 =	vlt.s32 v10, v8  }
0x144: {  	v14 =	vsel vm5, v15, v14;
	v16 =	vmax.f32 v16, v17;
	v15 =	vsel vm0, v10, v8;
	v17 =	vld.idx.msk [tilespmem:v18+s14+$0x0], $0xffff  }
0x145: {  	v14 =	vsel vm2, v9, v14;
	v10 =	vsel vm4, v15, v10;
	vm0 =	veq.f32 v19, v16;
	v9 =	vld.idx.msk [tilespmem:v24+s14+$0x0], $0xffff  }
0x146: {  	vm2 =	veq.f32 v11, v12;
	vm3 =	vlt.s32 v14, v8;
	v10 =	vsel vm1, v8, v10  }
0x147: {  	v15 =	vsel vm3, v14, v8;
	vm1 =	vlt.s32 v10, v7;
	vm3 =	vgt.f32 v19, v16;
	v13 =	vld.idx.msk [tilespmem:v13+s14+$0x0], $0xffff  }
0x148: {  	v14 =	vsel vm2, v15, v14;
	vm2 =	vgt.f32 v11, v12;
	v15 =	vsel vm1, v10, v7  }
0x149: {  	v11 =	vmax.f32 v11, v12;
	v12 =	vsel vm2, v8, v14;
	v10 =	vsel vm0, v15, v10  }
0x14a: {  	v8 =	vmax.f32 v19, v16;
	vm0 =	vlt.s32 v12, v7;
	v10 =	vsel vm3, v7, v10  }
0x14b: {  	v14 =	vsel vm0, v12, v7;
	vm0 =	vlt.s32 v10, v6;
	vm1 =	veq.f32 v17, v11  }
.Ltmp1:
0x14c: {  	v12 =	vsel vm1, v14, v12;
	vm1 =	vgt.f32 v17, v11;
	vm2 =	veq.f32 v9, v8;
	(pc) =	sbr.rel @p1 .LBB2_5-.Ltmp1, $4  }
0x14d: {  	v7 =	vsel vm1, v7, v12;
	v12 =	vsel vm0, v10, v6;
	vm1 =	vgt.f32 v9, v8  }
0x14e: {  	v11 =	vmax.f32 v17, v11;
	vm0 =	vlt.s32 v7, v6;
	v10 =	vsel vm2, v12, v10  }
0x14f: {  	vm2 =	veq.f32 v13, v11;
	v12 =	vsel vm0, v7, v6;
	vm0 =	vgt.f32 v13, v11  }
0x150: {  	s19 =	smov.u32 s21;
	v7 =	vsel vm2, v12, v7;
	v12 =	vmax.f32 v13, v11;
	v11 =	vsel vm1, v6, v10  }
0x151: {  	s17 =	smin.u32 s17, $0x1C  }
0x152: {  	s17 =	sshll.u32 s17, $0xE  }
0x153: {  	s17 =	sadd.s32 s17, s10  }
0x154: {  	s17 =	sshrl.u32 s17, $0x3  }
0x155: {  	s17 =	sadd.s32 s5, s17  }
0x156: {  	[tilespmem:s14], [sflag:$0x2] =	stream.linear.gather [hbm4b:s17+s4], $0x4000, $0x38;
	[tilespmem:$0xC430] =	vst v63  }
0x157: {  	s17 =	simm.s32 @!p0 $0x6  }
0x158: {  	_ =	swait.ge @!p0 [sflag:s17], $0x2000  }
0x159: {  	v6 =	vsel vm0, v6, v7;
	[sflag:s17] =	ssyncset.done @!p0 $0x0  }
0x15a: {  	v6 =	vshll.u32 v6, $0x4;
	[sflag:s17] =	ssyncadd.s32 @!p0 $0xFFFFE000  }
0x15b: {  	v7 =	vshll.u32 v11, $0x4;
	[tilespmem:$0x8230] =	vst v6  }
0x15c: {  	v8 =	vor.u32 $0x1, v6;
	[tilespmem:$0x8240] =	vst v7  }
0x15d: {  	v37 =	vor.u32 $0x1, v7;
	[tilespmem:$0x8250] =	vst v8  }
0x15e: {  	v38 =	vor.u32 $0x2, v6;
	[tilespmem:$0x8260] =	vst v37  }
0x15f: {  	v39 =	vor.u32 $0x2, v7;
	[tilespmem:$0x8270] =	vst v38  }
0x160: {  	v40 =	vor.u32 $0x3, v6;
	[tilespmem:$0x8280] =	vst v39  }
0x161: {  	v41 =	vor.u32 $0x3, v7;
	[tilespmem:$0x8290] =	vst v40  }
0x162: {  	v42 =	vor.u32 $0x4, v6;
	[tilespmem:$0x82A0] =	vst v41  }
0x163: {  	v43 =	vor.u32 $0x4, v7;
	[tilespmem:$0x82B0] =	vst v42  }
0x164: {  	v44 =	vor.u32 $0x5, v6;
	[tilespmem:$0x82C0] =	vst v43  }
0x165: {  	v45 =	vor.u32 $0x5, v7;
	[tilespmem:$0x82D0] =	vst v44  }
0x166: {  	v46 =	vor.u32 $0x6, v6;
	[tilespmem:$0x82E0] =	vst v45  }
0x167: {  	v47 =	vor.u32 $0x6, v7;
	[tilespmem:$0x82F0] =	vst v46  }
0x168: {  	v48 =	vor.u32 $0x7, v6;
	[tilespmem:$0x8300] =	vst v47  }
0x169: {  	v49 =	vor.u32 $0x7, v7;
	[tilespmem:$0x8310] =	vst v48  }
0x16a: {  	v50 =	vor.u32 $0x8, v6;
	[tilespmem:$0x8320] =	vst v49  }
0x16b: {  	v51 =	vor.u32 $0x8, v7;
	[tilespmem:$0x8330] =	vst v50  }
0x16c: {  	v52 =	vor.u32 $0x9, v6;
	[tilespmem:$0x8340] =	vst v51  }
0x16d: {  	v53 =	vor.u32 $0x9, v7;
	[tilespmem:$0x8350] =	vst v52  }
0x16e: {  	v54 =	vor.u32 $0xA, v6;
	[tilespmem:$0x8360] =	vst v53  }
0x16f: {  	v55 =	vor.u32 $0xA, v7;
	[tilespmem:$0x8370] =	vst v54  }
0x170: {  	v56 =	vor.u32 $0xB, v6;
	[tilespmem:$0x8380] =	vst v55  }
0x171: {  	v57 =	vor.u32 $0xB, v7;
	[tilespmem:$0x8390] =	vst v56  }
0x172: {  	v58 =	vor.u32 $0xC, v6;
	[tilespmem:$0x83A0] =	vst v57  }
0x173: {  	v59 =	vor.u32 $0xC, v7;
	[tilespmem:$0x83B0] =	vst v58  }
0x174: {  	v60 =	vor.u32 $0xD, v6;
	[tilespmem:$0x83C0] =	vst v59  }
0x175: {  	v61 =	vor.u32 $0xD, v7;
	[tilespmem:$0x83D0] =	vst v60  }
0x176: {  	v62 =	vor.u32 $0xE, v6;
	[tilespmem:$0x83E0] =	vst v61  }
0x177: {  	v63 =	vor.u32 $0xE, v7;
	[tilespmem:$0x83F0] =	vst v62  }
0x178: {  	[tilespmem:$0x8400] =	vst v63;
	v6 =	vor.u32 $0xF, v6  }
0x179: {  	[tilespmem:$0x8410] =	vst v6;
	v6 =	vor.u32 $0xF, v7  }
0x17a: {  	s24 =	simm.s32 $0x8230;
	[tilespmem:$0x8420] =	vst v6  }
0x17b: {  	[tilespmem:s28], [sflag:$0x4] =	stream.indirect.gather [hbm4b:s6+s16], $0x10, s24, s16, $0xb8;
	[tilespmem:$0xC430] =	vst v63  }
0x17c: {  	_ = 	snop  }
0x17d: {  	[tilespmem:s30], [sflag:$0x4] =	stream.indirect.gather [hbm4b:s6+s16], $0x10, s29, s16, $0xb8;
	[tilespmem:$0xC430] =	vst v63  }
0x17e: {  	_ = 	snop  }
0x17f: {  	[tilespmem:s2], [sflag:$0x4] =	stream.indirect.gather [hbm4b:s6+s16], $0x10, s31, s16, $0xb8;
	[tilespmem:$0xC430] =	vst v63  }
0x180: {  	_ = 	snop  }
0x181: {  	[tilespmem:s1], [sflag:$0x4] =	stream.indirect.gather [hbm4b:s6+s16], $0x10, s0, s16, $0xb8;
	[tilespmem:$0xC430] =	vst v63  }
0x182: {  	_ =	swait.ge [sflag:s7], $0x800  }
0x183: {  	[sflag:s7] =	ssyncset.done $0x0  }
0x184: {  	[sflag:s7] =	ssyncadd.s32 $0xFFFFF800  }
0x185: {  	_ =	swait.ge [sflag:s7], $0x800  }
0x186: {  	[sflag:s7] =	ssyncset.done $0x0  }
0x187: {  	[sflag:s7] =	ssyncadd.s32 $0xFFFFF800  }
0x188: {  	s26 =	sshll.u32 s11, $0xE;
	s11 =	sadd.s32 $0x1, s11;
	_ =	swait.ge [sflag:s7], $0x800  }
0x189: {  	p0 =	sne.s32 s11, $0x10;
	[sflag:s7] =	ssyncset.done $0x0  }
.Ltmp2:
0x18a: {  	[sflag:s7] =	ssyncadd.s32 $0xFFFFF800;
	(pc) =	sbr.rel @p0 .LBB2_2-.Ltmp2, $4  }
0x18b: {  	s17 =	sadd.s32 s8, s26;
	_ =	swait.ge [sflag:s7], $0x800  }
0x18c: {  	s17 =	sshrl.u32 s17, $0x3;
	[sflag:s7] =	ssyncset.done $0x0  }
0x18d: {  	s17 =	sadd.s32 s3, s17;
	[sflag:s7] =	ssyncadd.s32 $0xFFFFF800  }
0x18e: {  	[hbm4b:s17+s4] =	stream.linear.scatter [tilespmem:s18], [sflag:$0x5], $0x2000, $0x38;
	[tilespmem:$0xC430] =	vst v63  }
0x18f: {  	s10 =	simm.s32 $0x4  }
0x190: {  	_ =	swait.ge [sflag:s10], $0x800  }
0x191: {  	[sflag:s10] =	ssyncset.done $0x0  }
0x192: {  	[sflag:s10] =	ssyncadd.s32 $0xFFFFF800  }
0x193: {  	_ =	swait.ge [sflag:s10], $0x800  }
0x194: {  	[sflag:s10] =	ssyncset.done $0x0  }
0x195: {  	[sflag:s10] =	ssyncadd.s32 $0xFFFFF800  }
0x196: {  	_ =	swait.ge [sflag:s10], $0x800  }
0x197: {  	[sflag:s10] =	ssyncset.done $0x0  }
0x198: {  	[sflag:s10] =	ssyncadd.s32 $0xFFFFF800  }
0x199: {  	_ =	swait.ge [sflag:s10], $0x800  }
0x19a: {  	[sflag:s10] =	ssyncset.done $0x0  }
0x19b: {  	s23 =	simm.s32 $0x5;
	s22 =	rddreg [dreg:$0x5];
	[sflag:s10] =	ssyncadd.s32 $0xFFFFF800  }
0x19c: {  	[hbm4b:s22+s4] =	stream.linear.scatter [tilespmem:s28], [sflag:$0x6], $0x2000, $0x38;
	[tilespmem:$0xC430] =	vst v63  }
0x19d: {  	_ =	swait.ge [sflag:s23], $0x2000  }
0x19e: {  	[sflag:s23] =	ssyncset.done $0x0  }
0x19f: {  	s24 =	simm.s32 $0x6;
	[sflag:s23] =	ssyncadd.s32 $0xFFFFE000  }
0x1a0: {  	_ =	swait.ge [sflag:s24], $0x2000  }
0x1a1: {  	[sflag:s24] =	ssyncset.done $0x0  }
0x1a2: {  	[sflag:s24] =	ssyncadd.s32 $0xFFFFE000  }
0x1a3: {  	_ =	swait.ge [sflag:s15], $0x4000  }
0x1a4: {  	[sflag:s15] =	ssyncset.done $0x0  }
0x1a5: {  	[sflag:s15] =	ssyncadd.s32 $0xFFFFC000  }
0x1a6: {  	_ =	swait.ge [sflag:s25], $0x4000  }
0x1a7: {  	s11 =	rddreg [dreg:$0x7]  }
0x1a8: {  	s26 =	rddreg [dreg:$0x6];
	s11 =	sadd.s32 $0x1, s11  }
0x1a9: {  	p0 =	sne.s32 s11, s26  }
.Ltmp3:
0x1aa: {  	_ = 	snop;
	(pc) =	sbr.rel @p0 .LBB2_1-.Ltmp3, $3  }
0x1ab: {  	_ =	sdelay $0x1  }
0x1ac: {  	[sflag:s25] =	ssyncset.done $0x0  }
0x1ad: {  	[sflag:s25] =	ssyncadd.s32 $0xFFFFC000  }
0x1ae: {  	_ =	sfence.sel $0x180000  }
0x1af: {  	[bflag:$0x0] =	sbarrier.arrive $0xFFFF  }
0x1b0: {  	_ =	strace $0x9000004A  }
0x1b1: {  	s0 =	stileid.u32;
	[bflag:$0x2] =	sbarrier.arrive $0xFFFF  }
0x1b2: {  	p0 =	sne.s32 s0, $0x0;
	s0 =	rddreg [dreg:$0x3]  }
0x1b3: {  	s0 =	sadd.s32 @!p0 $0x100000, s0  }
0x1b4: {  	[sflag:s0] =	ssyncadd.tile.s32 @!p0 $0x1;
	_ =	shalt  }
.Lfunc_end2:
_tile_overlayer_lowered:
.L_overlay_start_2:
0x1b5: {  	(tag) =	ssettag $0x2  }
0x1b6: {  	s0 =	rddreg [dreg:$0x0];
	s2 =	stileid.u32  }
0x1b7: {  	s1 =	rddreg [dreg:$0x1];
	p0 =	sne.s32 s2, $0x0  }
0x1b8: {  	s3 =	rddreg [dreg:$0x2];
	[bflag:$0x3] =	sbarrier.arrive $0xFFFF;
	s2 =	simm.s32 @!p0 $0x1C07  }
0x1b9: {  	[timem:s3], [sflag:s2] =	dma.local @!p0 [hbm:s0], s1  }
0x1ba: {  	s0 =	simm.s32 @!p0 $0x7  }
0x1bb: {  	_ =	swait.ge @!p0 [sflag:s0], s1  }
0x1bc: {  	s1 =	ssub.s32 @!p0 $0x0, s1;
	[sflag:s0] =	ssyncset.done @!p0 $0x0  }
0x1bd: {  	[sflag:s0] =	ssyncadd.s32 @!p0 s1  }
0x1be: {  	[bflag:$0x3] =	sbarrier.arrive $0xFFFF  }
0x1bf: {  	_ =	shalt  }

// kernel: sparse-core-data-format-call.1.cloned.1.call-start
scs
called_computation.1_lowered:
.L_overlay_start_0:
0x0: {  	s2 =	sld [smem:$0x3FD9]  }
0x1: {  	s3 =	sld [smem:$0x3FFE];
	_ =	sdelay $0x1  }
0x2: {  	s1 =	srdreg.scid  }
0x3: {  	s0 =	sand.u32 $0x1, s1  }
0x4: {  	s18 =	sshll.u32 s0, $0xA;
	s2 =	sadd.s32 s3, s2  }
0x5: {  	s2 =	sadd.s32 s2, s18  }
0x6: {  	[smem:$0x3FC5] =	sst s2  }
0x7: {  	_ = 	snop  }
0x8: {  	s2 =	sld [smem:$0x3FC8];
	(tm) =	ssettm $0x1  }
0x9: {  	s19 =	sld [smem:$0x3FFB];
	_ =	sdelay $0x3  }
0xa: {  	_ =	strace s19  }
0xb: {  	s3 =	sld [smem:$0x3FFC];
	_ =	sdelay $0x3  }
0xc: {  	_ =	strace s3  }
0xd: {  	s3 =	sld [smem:$0x3FFD];
	_ =	sdelay $0x3  }
0xe: {  	_ =	strace s3  }
0xf: {  	_ =	strace $0x8FFFFFFF  }
0x10: {  	s20 =	sld [smem:$0x3FDB];
	_ =	sdelay $0x1  }
0x11: {  	s4 =	simm.s32 $_scs_section_size  }
0x12: {  	s5 =	simm.s32 $_size__tile_overlayer_lowered;
	s6 =	simm.s32 $_tile_overlayer_lowered  }
0x13: {  	s23 =	simm.s32 $0x1BFF;
	s22 =	sshll.u32 s6, $0x1;
	s3 =	sadd.s32 s4, s20  }
0x14: {  	s7 =	simm.s32 $0x0;
	s21 =	sshll.u32 s5, $0x1;
	s5 =	sadd.s32 s22, s3  }
0x15: {  	[timem:s7], [sflag:s23] =	dma.local [hbm:s5], s21  }
0x16: {  	_ =	swait.ge [sflag:s23], s21  }
0x17: {  	s4 =	ssub.s32 $0x0, s21;
	[sflag:s23] =	ssyncset.done $0x0  }
0x18: {  	[sflag:s23] =	ssyncadd.s32 s4;
	_ =	sdelay $0x1  }
0x19: {  	s24 =	simm.s32 $0x1B8B  }
0x1a: {  	_ =	swait.ge [sflag:s24], $0x1  }
0x1b: {  	[sflag:s24] =	ssyncset.done $0x0  }
0x1c: {  	s26 =	simm.s32 $0x1B8E;
	s25 =	sld [smem:$0x3FFE];
	[sflag:s24] =	ssyncadd.s32 $0xFFFFFFFF  }
0x1d: {  	s27 =	simm.s32 $execute0_lowered;
	[smem:$0x3FD2] =	sst s26  }
0x1e: {  	s5 =	sshll.u32 s27, $0x1;
	_ =	strace $0x80000046;
	[dreg:$0x1] =	wrdreg $0xFFFFFFFF  }
0x1f: {  	s28 =	simm.s32 $_size_execute0_lowered;
	s3 =	sadd.s32 s3, s5;
	[dreg:$0x0] =	wrdreg $0x0  }
0x20: {  	s5 =	sshll.u32 s28, $0x1;
	[dreg:$0x2] =	wrdreg s3  }
0x21: {  	[dreg:$0x3] =	wrdreg s5  }
0x22: {  	[dreg:$0x4] =	wrdreg $0xC0  }
0x23: {  	_ =	task [dreg:s7], $0x5FFFF  }
0x24: {  	[dreg:$0x1] =	wrdreg $0xFFFFFFFF  }
0x25: {  	[dreg:$0x0] =	wrdreg $0x60  }
0x26: {  	[dreg:$0x2] =	wrdreg s2  }
0x27: {  	[dreg:$0x3] =	wrdreg s25  }
0x28: {  	[dreg:$0x4] =	wrdreg $0x9  }
0x29: {  	_ =	task.clear_ibuf [dreg:s7], $0x5FFFF;
	_ =	strace $0x90000046  }
0x2a: {  	s29 =	simm.s32 $0x9;
	_ =	strace $0x80000048  }
0x2b: {  	_ =	swait.ge [sflag:s29], $0x1  }
0x2c: {  	[sflag:s29] =	ssyncadd.s32 $0xFFFFFFFF  }
0x2d: {  	_ =	strace $0x90000048  }
0x2e: {  	_ =	sfence  }
0x2f: {  	s30 =	sld [smem:$0x0];
	_ =	sdelay $0x2  }
0x30: {  	s31 =	sshll.u32 s1, $0xD;
	s1 =	sshrl.u32 s1, $0x2  }
0x31: {  	s3 =	sand.u32 $0x4000, s31;
	s1 =	sadd.s32 s1, s30  }
0x32: {  	s0 =	sor.u32 s3, s0;
	s1 =	sshll.u32 s1, $0x11  }
0x33: {  	s0 =	sor.u32 s1, s0  }
0x34: {  	s0 =	sadd.s32 $0x8F2B, s0  }
0x35: {  	[sflag:s0] =	ssyncadd.remote.s32 $0x1  }
0x36: {  	_ =	sfence.sel $0xFFFF  }
0x37: {  	[dreg:$0x0] =	wrdreg $0xFFFFFFFF;
	(pc) =	sbr.abs _section_cstart, $3  }
0x38: {  	[dreg:$0x1] =	wrdreg $0xFFFFFFFF  }
0x39: {  	_ =	task.clear_ibuf [dreg:s7], $0x2FFFF;
	_ =	strace $0x9FFFFFFF  }
0x3a: {  	(tm) =	ssettm $0x7FFFFFFF  }
0x3b: {  	_ =	shalt  }
tec
execute0_lowered:
.L_overlay_start_1:
0x0: {  	(tag) =	ssettag $0x1  }
0x1: {  	s2 =	rddreg [dreg:$0x0]  }
0x2: {  	s1 =	rddreg [dreg:$0x1]  }
0x3: {  	s0 =	rddreg [dreg:$0x2];
	_ =	strace $0x80000047;
	s4 =	srdreg.scid  }
0x4: {  	s6 =	simm.s32 $0x2;
	s11 =	simm.s32 $0x0;
	p0 =	por $0x0, $0x0  }
.Ltmp0:
0x5: {  	s7 =	simm.s32 $0x1000;
	s12 =	simm.s32 $0x0;
	(pc) =	sbr.rel .LBB1_1-.Ltmp0, $4  }
0x6: {  	s9 =	simm.s32 $0x0;
	s3 =	sadd.s32 $0xE00, s1;
	s5 =	sshll.u32 s4, $0x4  }
0x7: {  	s1 =	stileid.u32;
	s4 =	simm.s32 $0x1;
	s5 =	sand.u32 $0x10, s5  }
0x8: {  	s8 =	simm.s32 $0x0;
	[sflag:s4] =	ssyncpa.u1 $0x0;
	s5 =	sor.u32 s1, s5  }
0x9: {  	[sflag:s6] =	ssyncpa.u1 $0x0;
	s6 =	simm.s32 $0x800;
	s10 =	smov.u32 s5  }
.LBB1_7:
0xa: {  	s13 =	sadd.s32 $0x10, s9  }
0xb: {  	s11 =	sadd.s32 $0x20, s10;
	s15 =	smov.u32 s10;
	p2 =	sgt.s32 s13, $0x1F  }
0xc: {  	p1 =	slt.u32 s8, $0x2;
	s15 =	smov.u32 @p2 s11  }
0xd: {  	s8 =	sadd.s32 $0x1, s8;
	s13 =	simm.s32 @p2 $0x0;
	p2 =	sgt.s32 s15, $0x63F  }
0xe: {  	s15 =	smov.u32 @p2 s5;
	p2 =	sne.s32 s8, $0x66  }
.Ltmp1:
0xf: {  	_ = 	snop;
	(pc) =	sbr.rel @!p2 .LBB1_8-.Ltmp1, $4  }
0x10: {  	s14 =	simm.s32 @!p1 $0x2  }
0x11: {  	s12 =	smov.u32 s10;
	_ =	swait.ge @!p1 [sflag:s14], $0x4000  }
0x12: {  	p0 =	por !p0, !p0;
	s11 =	smov.u32 s9;
	[sflag:s14] =	ssyncset.done @!p1 $0x0  }
0x13: {  	s9 =	smov.u32 s13;
	[sflag:s14] =	ssyncadd.s32 @!p1 $0xFFFFC000;
	s10 =	smov.u32 s15  }
.LBB1_1:
0x14: {  	p1 =	sgt.u32 s8, $0x63  }
0x15: {  	s13 =	sxor.u32 @!p1 $0xFFFFFFFF, s8;
	s14 =	sshll.u32 @!p1 s10, $0xC  }
0x16: {  	s15 =	sshll.u32 @!p1 s9, $0x7;
	s13 =	sshll.u32 @!p1 s13, $0xE;
	s14 =	sadd.s32 @!p1 s2, s14  }
0x17: {  	s13 =	sand.u32 @!p1 $0x4000, s13;
	s14 =	sadd.s32 @!p1 s15, s14;
	s15 =	simm.s32 @!p1 $0x0  }
0x18: {  	[tilespmem:s13], [sflag:$0x1] =	stream.linear.gather @!p1 [hbm4b:s14+s15], $0x4000, $0x38;
	[tilespmem:$0x10000] =	vst v63  }
0x19: {  	p1 =	seq.s32 s8, $0x0  }
0x1a: {  	p2 =	seq.s32 @!p1 s8, $0x65  }
0x1b: {  	p1 =	por p1, p2  }
.Ltmp2:
0x1c: {  	_ = 	snop;
	(pc) =	sbr.rel @p1 .LBB1_7-.Ltmp2, $1  }
0x1d: {  	_ =	sdelay $0x3  }
0x1e: {  	s13 =	simm.s32 $0x1;
	_ =	swait.ge [sflag:s4], $0x4000;
	s16 =	sshll.u32 s8, $0xE  }
0x1f: {  	s13 =	simm.s32 @!p0 $0x0;
	[sflag:s4] =	ssyncset.done $0x0;
	s31 =	sand.u32 $0x4000, s16  }
0x20: {  	s16 =	simm.s32 $0x0;
	s14 =	sshll.u32 s13, $0xE;
	[sflag:s4] =	ssyncadd.s32 $0xFFFFC000  }
0x21: {  	s13 =	sor.u32 $0x8040, s14;
	s15 =	sor.u32 $0x40, s14;
	s14 =	sor.u32 $0x8000, s31  }
.LBB1_3:
0x22: {  	v0 =	vmov s15;
	_ =	sdelay $0x3  }
0x23: {  	s18 =	simm.s32 $0x0  }
0x24: {  	v6 =	vld.idx.msk [tilespmem:v0+s18+$0x30 ss:$0x1], $0xffff  }
0x25: {  	v7 =	vld.idx.msk [tilespmem:v0+s18+$0xFFFFFFC0 ss:$0x1], $0xffff  }
0x26: {  	v5 =	vld.idx.msk [tilespmem:v0+s18+$0xFFFFFFD0 ss:$0x1], $0xffff  }
0x27: {  	v4 =	vld.idx.msk [tilespmem:v0+s18+$0xFFFFFFE0 ss:$0x1], $0xffff  }
0x28: {  	v3 =	vld.idx.msk [tilespmem:v0+s18+$0xFFFFFFF0 ss:$0x1], $0xffff  }
0x29: {  	v1 =	vld.idx.msk [tilespmem:v0+s18+$0x0 ss:$0x1], $0xffff  }
0x2a: {  	v2 =	vld.idx.msk [tilespmem:v0+s18+$0x10 ss:$0x1], $0xffff;
	[tilespmem:s13+$0x30] =	vst v6  }
0x2b: {  	s17 =	simm.s32 $0x80;
	s19 =	simm.s32 $0x400;
	[tilespmem:s13+$0xFFFFFFC0] =	vst v7;
	v6 =	vld.idx.msk [tilespmem:v0+s18+$0x20 ss:$0x1], $0xffff;
	s18 =	smov.u32 s13  }
.LBB1_4:
0x2c: {  	p1 =	sne.s32 s19, $0xE00;
	v7 =	vld.idx.msk [tilespmem:v0+s17+$0x30 ss:$0x1], $0xffff;
	[tilespmem:s18+$0xFFFFFFD0] =	vst v5  }
0x2d: {  	v8 =	vld.idx.msk [tilespmem:v0+s17+$0xFFFFFFC0 ss:$0x1], $0xffff;
	[tilespmem:s18+$0xFFFFFFE0] =	vst v4  }
0x2e: {  	v5 =	vld.idx.msk [tilespmem:v0+s17+$0xFFFFFFD0 ss:$0x1], $0xffff;
	[tilespmem:s18+$0xFFFFFFF0] =	vst v3  }
.Ltmp3:
0x2f: {  	v4 =	vld.idx.msk [tilespmem:v0+s17+$0xFFFFFFE0 ss:$0x1], $0xffff;
	[tilespmem:s18+$0x0] =	vst v1;
	(pc) =	sbr.rel @p1 .LBB1_4-.Ltmp3, $4  }
0x30: {  	v3 =	vld.idx.msk [tilespmem:v0+s17+$0xFFFFFFF0 ss:$0x1], $0xffff;
	[tilespmem:s18+$0x10] =	vst v2  }
0x31: {  	v1 =	vld.idx.msk [tilespmem:v0+s17+$0x0 ss:$0x1], $0xffff;
	[tilespmem:s18+$0x20] =	vst v6;
	s18 =	sadd.s32 $0x800, s18  }
0x32: {  	v2 =	vld.idx.msk [tilespmem:v0+s17+$0x10 ss:$0x1], $0xffff;
	[tilespmem:s18+$0x30] =	vst v7  }
0x33: {  	[tilespmem:s18+$0xFFFFFFC0] =	vst v8;
	v6 =	vld.idx.msk [tilespmem:v0+s17+$0x20 ss:$0x1], $0xffff;
	s17 =	sshra.s32 s19, $0x2;
	s19 =	sadd.s32 $0x200, s19  }
0x34: {  	_ =	sdelay $0x2  }
0x35: {  	[tilespmem:s18+$0xFFFFFFD0] =	vst v5  }
0x36: {  	v56 =	vld.idx.msk [tilespmem:v0+s17+$0x30 ss:$0x1], $0xffff;
	[tilespmem:s18+$0xFFFFFFE0] =	vst v4  }
0x37: {  	v57 =	vld.idx.msk [tilespmem:v0+s17+$0xFFFFFFC0 ss:$0x1], $0xffff;
	[tilespmem:s18+$0xFFFFFFF0] =	vst v3  }
0x38: {  	v58 =	vld.idx.msk [tilespmem:v0+s17+$0xFFFFFFD0 ss:$0x1], $0xffff;
	[tilespmem:s18+$0x0] =	vst v1  }
0x39: {  	v59 =	vld.idx.msk [tilespmem:v0+s17+$0xFFFFFFE0 ss:$0x1], $0xffff;
	[tilespmem:s18+$0x10] =	vst v2  }
0x3a: {  	v60 =	vld.idx.msk [tilespmem:v0+s17+$0xFFFFFFF0 ss:$0x1], $0xffff;
	s31 =	sadd.s32 $0x800, s18;
	[tilespmem:s18+$0x20] =	vst v6  }
0x3b: {  	v61 =	vld.idx.msk [tilespmem:v0+s17+$0x0 ss:$0x1], $0xffff;
	[tilespmem:s31+$0x30] =	vst v56  }
0x3c: {  	v62 =	vld.idx.msk [tilespmem:v0+s17+$0x10 ss:$0x1], $0xffff;
	s16 =	sadd.s32 $0x1, s16;
	[tilespmem:s31+$0xFFFFFFC0] =	vst v57  }
0x3d: {  	v63 =	vld.idx.msk [tilespmem:v0+s17+$0x20 ss:$0x1], $0xffff;
	p1 =	sne.s32 s16, $0x10;
	[tilespmem:s31+$0xFFFFFFD0] =	vst v58  }
.Ltmp4:
0x3e: {  	[tilespmem:s31+$0xFFFFFFE0] =	vst v59;
	(pc) =	sbr.rel @p1 .LBB1_3-.Ltmp4, $4  }
0x3f: {  	[tilespmem:s31+$0xFFFFFFF0] =	vst v60  }
0x40: {  	[tilespmem:s31+$0x0] =	vst v61  }
0x41: {  	[tilespmem:s31+$0x10] =	vst v62  }
0x42: {  	s13 =	sadd.s32 $0x80, s13;
	s15 =	sadd.s32 $0x400, s15;
	[tilespmem:s31+$0x20] =	vst v63  }
.Ltmp5:
0x43: {  	(pc) =	sbr.rel .LBB1_7-.Ltmp5, $4  }
0x44: {  	s12 =	sshll.u32 s12, $0xC;
	s11 =	sshll.u32 s11, $0x4  }
0x45: {  	s11 =	sand.u32 $0x1F0, s11;
	s12 =	sadd.s32 s3, s12  }
0x46: {  	s11 =	sadd.s32 s11, s12  }
0x47: {  	[hbm4b:s11+s6] =	stream.strided.scatter [tilespmem:s14], [sflag:$0x2], $0x4000, s7, s6, $0x38;
	[tilespmem:$0x10000] =	vst v63  }
.LBB1_8:
0x48: {  	_ =	sfence.sel $0x180000  }
0x49: {  	s2 =	simm.s32 $0x1;
	[bflag:$0x0] =	sbarrier.arrive $0xFFFF  }
0x4a: {  	s31 =	simm.s32 $0x2;
	[sflag:s2] =	ssyncpa.u1 $0x1  }
0x4b: {  	[sflag:s31] =	ssyncpa.u1 $0x1  }
0x4c: {  	p0 =	sne.s32 s1, $0x0;
	_ =	strace $0x90000047  }
0x4d: {  	s0 =	sadd.s32 @!p0 $0x100000, s0;
	[bflag:$0x2] =	sbarrier.arrive $0xFFFF  }
0x4e: {  	[sflag:s0] =	ssyncadd.tile.s32 @!p0 $0x1;
	_ =	shalt  }
.Lfunc_end1:
_tile_overlayer_lowered:
.L_overlay_start_2:
0x4f: {  	(tag) =	ssettag $0x2  }
0x50: {  	s0 =	rddreg [dreg:$0x0];
	s2 =	stileid.u32  }
0x51: {  	s1 =	rddreg [dreg:$0x1];
	p0 =	sne.s32 s2, $0x0  }
0x52: {  	s3 =	rddreg [dreg:$0x2];
	[bflag:$0x3] =	sbarrier.arrive $0xFFFF;
	s2 =	simm.s32 @!p0 $0x1C01  }
0x53: {  	[timem:s3], [sflag:s2] =	dma.local @!p0 [hbm:s0], s1  }
0x54: {  	s0 =	simm.s32 @!p0 $0x1  }
0x55: {  	_ =	swait.ge @!p0 [sflag:s0], s1  }
0x56: {  	s1 =	ssub.s32 @!p0 $0x0, s1;
	[sflag:s0] =	ssyncset.done @!p0 $0x0  }
0x57: {  	[sflag:s0] =	ssyncadd.s32 @!p0 s1  }
0x58: {  	[bflag:$0x3] =	sbarrier.arrive $0xFFFF  }
0x59: {  	_ =	shalt  }

// kernel: sparse-core-data-format-call.cloned.1.call-start
scs
called_computation_lowered:
.L_overlay_start_0:
0x0: {  	s2 =	sld [smem:$0x3FD9]  }
0x1: {  	s3 =	sld [smem:$0x3FFE];
	_ =	sdelay $0x1  }
0x2: {  	s1 =	srdreg.scid  }
0x3: {  	s0 =	sand.u32 $0x1, s1  }
0x4: {  	s18 =	sshll.u32 s0, $0xA;
	s2 =	sadd.s32 s3, s2  }
0x5: {  	s2 =	sadd.s32 s2, s18  }
0x6: {  	[smem:$0x3FC5] =	sst s2  }
0x7: {  	_ = 	snop  }
0x8: {  	s2 =	sld [smem:$0x3FD0];
	(tm) =	ssettm $0x1  }
0x9: {  	s19 =	sld [smem:$0x3FFB];
	_ =	sdelay $0x3  }
0xa: {  	_ =	strace s19  }
0xb: {  	s3 =	sld [smem:$0x3FFC];
	_ =	sdelay $0x3  }
0xc: {  	_ =	strace s3  }
0xd: {  	s3 =	sld [smem:$0x3FFD];
	_ =	sdelay $0x3  }
0xe: {  	_ =	strace s3  }
0xf: {  	_ =	strace $0x8FFFFFFF  }
0x10: {  	s20 =	sld [smem:$0x3FDB];
	_ =	sdelay $0x1  }
0x11: {  	s4 =	simm.s32 $_scs_section_size  }
0x12: {  	s5 =	simm.s32 $_size__tile_overlayer_lowered;
	s6 =	simm.s32 $_tile_overlayer_lowered  }
0x13: {  	s23 =	simm.s32 $0x1BFF;
	s22 =	sshll.u32 s6, $0x1;
	s3 =	sadd.s32 s4, s20  }
0x14: {  	s7 =	simm.s32 $0x0;
	s21 =	sshll.u32 s5, $0x1;
	s5 =	sadd.s32 s22, s3  }
0x15: {  	[timem:s7], [sflag:s23] =	dma.local [hbm:s5], s21  }
0x16: {  	_ =	swait.ge [sflag:s23], s21  }
0x17: {  	s4 =	ssub.s32 $0x0, s21;
	[sflag:s23] =	ssyncset.done $0x0  }
0x18: {  	[sflag:s23] =	ssyncadd.s32 s4;
	_ =	sdelay $0x1  }
0x19: {  	s24 =	simm.s32 $0x1B8B  }
0x1a: {  	_ =	swait.ge [sflag:s24], $0x1  }
0x1b: {  	[sflag:s24] =	ssyncset.done $0x0  }
0x1c: {  	s26 =	simm.s32 $0x1B8E;
	s25 =	sld [smem:$0x3FFE];
	[sflag:s24] =	ssyncadd.s32 $0xFFFFFFFF  }
0x1d: {  	s27 =	simm.s32 $execute0_lowered;
	[smem:$0x3FD2] =	sst s26  }
0x1e: {  	s5 =	sshll.u32 s27, $0x1;
	_ =	strace $0x8000004C;
	[dreg:$0x1] =	wrdreg $0xFFFFFFFF  }
0x1f: {  	s28 =	simm.s32 $_size_execute0_lowered;
	s3 =	sadd.s32 s3, s5;
	[dreg:$0x0] =	wrdreg $0x0  }
0x20: {  	s5 =	sshll.u32 s28, $0x1;
	[dreg:$0x2] =	wrdreg s3  }
0x21: {  	[dreg:$0x3] =	wrdreg s5  }
0x22: {  	[dreg:$0x4] =	wrdreg $0xC0  }
0x23: {  	_ =	task [dreg:s7], $0x5FFFF  }
0x24: {  	[dreg:$0x1] =	wrdreg $0xFFFFFFFF  }
0x25: {  	[dreg:$0x0] =	wrdreg $0x60  }
0x26: {  	[dreg:$0x2] =	wrdreg s25  }
0x27: {  	[dreg:$0x3] =	wrdreg s2  }
0x28: {  	[dreg:$0x4] =	wrdreg $0x9  }
0x29: {  	_ =	task.clear_ibuf [dreg:s7], $0x5FFFF;
	_ =	strace $0x9000004C  }
0x2a: {  	s29 =	simm.s32 $0x9;
	_ =	strace $0x8000004E  }
0x2b: {  	_ =	swait.ge [sflag:s29], $0x1  }
0x2c: {  	[sflag:s29] =	ssyncadd.s32 $0xFFFFFFFF  }
0x2d: {  	_ =	strace $0x9000004E  }
0x2e: {  	_ =	sfence  }
0x2f: {  	s30 =	sld [smem:$0x0];
	_ =	sdelay $0x2  }
0x30: {  	s31 =	sshll.u32 s1, $0xD;
	s1 =	sshrl.u32 s1, $0x2  }
0x31: {  	s3 =	sand.u32 $0x4000, s31;
	s1 =	sadd.s32 s1, s30  }
0x32: {  	s0 =	sor.u32 s3, s0;
	s1 =	sshll.u32 s1, $0x11  }
0x33: {  	s0 =	sor.u32 s1, s0  }
0x34: {  	s0 =	sadd.s32 $0x8F2B, s0  }
0x35: {  	[sflag:s0] =	ssyncadd.remote.s32 $0x1  }
0x36: {  	_ =	sfence.sel $0xFFFF  }
0x37: {  	[dreg:$0x0] =	wrdreg $0xFFFFFFFF;
	(pc) =	sbr.abs _section_cstart, $3  }
0x38: {  	[dreg:$0x1] =	wrdreg $0xFFFFFFFF  }
0x39: {  	_ =	task.clear_ibuf [dreg:s7], $0x2FFFF;
	_ =	strace $0x9FFFFFFF  }
0x3a: {  	(tm) =	ssettm $0x7FFFFFFF  }
0x3b: {  	_ =	shalt  }
tec
execute0_lowered:
.L_overlay_start_1:
0x0: {  	(tag) =	ssettag $0x1  }
0x1: {  	s13 =	rddreg [dreg:$0x0]  }
0x2: {  	s0 =	srdreg.scid;
	s2 =	rddreg [dreg:$0x1]  }
0x3: {  	s4 =	simm.s32 $0x1;
	s7 =	simm.s32 $0x2;
	s19 =	simm.s32 $0x0  }
0x4: {  	s15 =	simm.s32 $0x1000;
	s20 =	simm.s32 $0x0;
	s1 =	sshll.u32 s0, $0x4  }
0x5: {  	s16 =	simm.s32 $0x0;
	s0 =	stileid.u32;
	s1 =	sand.u32 $0x10, s1  }
0x6: {  	s18 =	simm.s32 $0x0;
	s9 =	sadd.s32 $0x6E00, s13;
	s1 =	sor.u32 s0, s1  }
0x7: {  	s10 =	sadd.s32 $0x8E00, s13;
	s11 =	sadd.s32 $0xAE00, s13;
	s3 =	sshll.u32 s1, $0x3  }
0x8: {  	s1 =	rddreg [dreg:$0x2];
	_ =	strace $0x8000004D;
	s5 =	ssub.s32 $0x400, s3  }
0x9: {  	s12 =	sadd.s32 $0xCE00, s13;
	[sflag:s4] =	ssyncpa.u1 $0x0;
	s6 =	sand.u32 $0xF8, s5  }
.Ltmp0:
0xa: {  	p0 =	sne.s32 s6, $0x0;
	s6 =	simm.s32 $0x1;
	(pc) =	sbr.rel .LBB1_1-.Ltmp0, $4  }
0xb: {  	s17 =	smov.u32 s3;
	s8 =	sshrl.u32 s5, $0x8;
	s6 =	simm.s32 @!p0 $0x0  }
0xc: {  	s5 =	sadd.s32 $0xE00, s13;
	[sflag:s7] =	ssyncpa.u1 $0x0;
	s6 =	sadd.s32 s6, s8  }
0xd: {  	s7 =	sadd.s32 $0x2E00, s13;
	p0 =	por $0x0, $0x0;
	s6 =	sshll.u32 s6, $0x2  }
0xe: {  	s8 =	sadd.s32 $0x4E00, s13;
	s13 =	sadd.s32 $0xEE00, s13;
	s14 =	sor.u32 $0x1, s6  }
.LBB1_7:
0xf: {  	s21 =	sadd.s32 $0x80, s16  }
0x10: {  	s19 =	sadd.s32 $0x100, s17;
	s23 =	smov.u32 s17;
	p2 =	sgt.s32 s21, $0x1FF  }
0x11: {  	s23 =	smov.u32 @p2 s19  }
0x12: {  	s21 =	simm.s32 @p2 $0x0;
	p2 =	sgt.s32 s23, $0x3FF  }
0x13: {  	s23 =	smov.u32 @p2 s3;
	p2 =	sne.s32 s18, s14  }
.Ltmp1:
0x14: {  	p1 =	slt.u32 s18, $0x2;
	(pc) =	sbr.rel @!p2 .LBB1_8-.Ltmp1, $4  }
0x15: {  	s22 =	simm.s32 @!p1 $0x2  }
0x16: {  	s20 =	smov.u32 s17;
	p0 =	por !p0, !p0;
	_ =	swait.ge @!p1 [sflag:s22], $0x4000  }
0x17: {  	s19 =	smov.u32 s16;
	[sflag:s22] =	ssyncset.done @!p1 $0x0;
	s16 =	smov.u32 s21  }
0x18: {  	s18 =	sadd.s32 $0x1, s18;
	[sflag:s22] =	ssyncadd.s32 @!p1 $0xFFFFC000;
	s17 =	smov.u32 s23  }
.LBB1_1:
0x19: {  	p1 =	sge.u32 s18, s6  }
0x1a: {  	s21 =	sxor.u32 @!p1 $0xFFFFFFFF, s18  }
0x1b: {  	s22 =	sshll.u32 @!p1 s17, $0xD;
	s23 =	sshll.u32 @!p1 s16, $0x4;
	s25 =	simm.s32 @!p1 $0x10  }
0x1c: {  	s21 =	sshll.u32 @!p1 s21, $0xE;
	s23 =	sand.u32 @!p1 $0x1FF0, s23;
	s24 =	sadd.s32 @!p1 s5, s22  }
0x1d: {  	s26 =	simm.s32 @!p1 $0x80;
	s21 =	sand.u32 @!p1 $0x4000, s21;
	s24 =	sadd.s32 @!p1 s23, s24  }
0x1e: {  	[tilespmem:s21], [sflag:$0x1] =	stream.strided.gather @!p1 [hbm4b:s24+s25], $0x800, s26, s25, $0x38;
	[tilespmem:$0x10100] =	vst v63  }
0x1f: {  	s24 =	sadd.s32 @!p1 s22, s7  }
0x20: {  	s27 =	sor.u32 @!p1 $0x800, s21;
	s24 =	sadd.s32 @!p1 s23, s24  }
0x21: {  	[tilespmem:s27], [sflag:$0x1] =	stream.strided.gather @!p1 [hbm4b:s24+s25], $0x800, s26, s25, $0x38;
	[tilespmem:$0x10100] =	vst v63  }
0x22: {  	s24 =	sadd.s32 @!p1 s22, s8  }
0x23: {  	s27 =	sor.u32 @!p1 $0x1000, s21;
	s24 =	sadd.s32 @!p1 s23, s24  }
0x24: {  	[tilespmem:s27], [sflag:$0x1] =	stream.strided.gather @!p1 [hbm4b:s24+s25], $0x800, s26, s25, $0x38;
	[tilespmem:$0x10100] =	vst v63  }
0x25: {  	s24 =	sadd.s32 @!p1 s22, s9  }
0x26: {  	s27 =	sor.u32 @!p1 $0x1800, s21;
	s24 =	sadd.s32 @!p1 s23, s24  }
0x27: {  	[tilespmem:s27], [sflag:$0x1] =	stream.strided.gather @!p1 [hbm4b:s24+s25], $0x800, s26, s25, $0x38;
	[tilespmem:$0x10100] =	vst v63  }
0x28: {  	s24 =	sadd.s32 @!p1 s22, s10  }
0x29: {  	s27 =	sor.u32 @!p1 $0x2000, s21;
	s24 =	sadd.s32 @!p1 s23, s24  }
0x2a: {  	[tilespmem:s27], [sflag:$0x1] =	stream.strided.gather @!p1 [hbm4b:s24+s25], $0x800, s26, s25, $0x38;
	[tilespmem:$0x10100] =	vst v63  }
0x2b: {  	s24 =	sadd.s32 @!p1 s22, s11  }
0x2c: {  	s27 =	sor.u32 @!p1 $0x2800, s21;
	s24 =	sadd.s32 @!p1 s23, s24  }
0x2d: {  	[tilespmem:s27], [sflag:$0x1] =	stream.strided.gather @!p1 [hbm4b:s24+s25], $0x800, s26, s25, $0x38;
	[tilespmem:$0x10100] =	vst v63  }
0x2e: {  	s24 =	sadd.s32 @!p1 s22, s12  }
0x2f: {  	s27 =	sor.u32 @!p1 $0x3000, s21;
	s22 =	sadd.s32 @!p1 s22, s13;
	s24 =	sadd.s32 @!p1 s23, s24  }
0x30: {  	[tilespmem:s27], [sflag:$0x1] =	stream.strided.gather @!p1 [hbm4b:s24+s25], $0x800, s26, s25, $0x38;
	[tilespmem:$0x10100] =	vst v63  }
0x31: {  	s31 =	sadd.s32 $0xFFFFFFFF, s18;
	s21 =	sor.u32 @!p1 $0x3800, s21;
	s22 =	sadd.s32 @!p1 s23, s22  }
0x32: {  	[tilespmem:s21], [sflag:$0x1] =	stream.strided.gather @!p1 [hbm4b:s22+s25], $0x800, s26, s25, $0x38;
	[tilespmem:$0x10100] =	vst v63  }
0x33: {  	p1 =	sge.u32 s31, s6  }
.Ltmp2:
0x34: {  	_ = 	snop;
	(pc) =	sbr.rel @p1 .LBB1_7-.Ltmp2, $1  }
0x35: {  	_ =	sdelay $0x3  }
0x36: {  	s21 =	simm.s32 $0x1;
	s23 =	sand.u32 $0x1, s18  }
0x37: {  	_ =	swait.ge [sflag:s4], $0x4000;
	s21 =	simm.s32 @!p0 $0x0;
	s24 =	smul.u32 $0x10200, s23  }
0x38: {  	[sflag:s4] =	ssyncset.done $0x0;
	s22 =	smul.u32 $0x10200, s21  }
0x39: {  	s21 =	sshll.u32 s21, $0xE;
	[sflag:s4] =	ssyncadd.s32 $0xFFFFC000  }
0x3a: {  	s23 =	sor.u32 $0x40, s21;
	s31 =	sshrl.u32 s24, $0x2;
	s22 =	sshrl.u32 s22, $0x2  }
0x3b: {  	s24 =	simm.s32 $0x0;
	s21 =	sor.u32 $0x8000, s31;
	s22 =	sor.u32 $0x8007, s22  }
.LBB1_3:
0x3c: {  	v3 =	vld [tilespmem:s23+$0x30]  }
0x3d: {  	v4 =	vld [tilespmem:s23+$0xFFFFFFD0]  }
0x3e: {  	v5 =	vld [tilespmem:s23+$0xFFFFFFE0]  }
0x3f: {  	v1 =	vld [tilespmem:s23+$0xFFFFFFF0]  }
0x40: {  	v0 =	vld [tilespmem:s23+$0x0]  }
0x41: {  	v2 =	vld [tilespmem:s23+$0x10];
	[tilespmem:s22+$0x0 ss:$0x81] =	vst.msk $0xffff, v3  }
0x42: {  	[tilespmem:s22+$0xFFFFFFFA ss:$0x81] =	vst.msk $0xffff, v4;
	v4 =	vld [tilespmem:s23+$0x20]  }
0x43: {  	s26 =	simm.s32 $0x0;
	s27 =	sadd.s32 $0x80, s23;
	s25 =	smov.u32 s22;
	v3 =	vld [tilespmem:s23+$0xFFFFFFC0];
	[tilespmem:s22+$0xFFFFFFFB ss:$0x81] =	vst.msk $0xffff, v5  }
.LBB1_4:
0x44: {  	v5 =	vld [tilespmem:s27+$0x30];
	s26 =	sadd.s32 $0x8, s26;
	[tilespmem:s25+$0xFFFFFFFC ss:$0x81] =	vst.msk $0xffff, v1  }
0x45: {  	v6 =	vld [tilespmem:s27+$0xFFFFFFD0];
	p1 =	slt.u32 s26, $0x78;
	[tilespmem:s25+$0xFFFFFFFD ss:$0x81] =	vst.msk $0xffff, v0  }
0x46: {  	v7 =	vld [tilespmem:s27+$0xFFFFFFE0];
	[tilespmem:s25+$0xFFFFFFFE ss:$0x81] =	vst.msk $0xffff, v2  }
.Ltmp3:
0x47: {  	v1 =	vld [tilespmem:s27+$0xFFFFFFF0];
	[tilespmem:s25+$0xFFFFFFFF ss:$0x81] =	vst.msk $0xffff, v4;
	(pc) =	sbr.rel @p1 .LBB1_4-.Ltmp3, $4  }
0x48: {  	v0 =	vld [tilespmem:s27+$0x0];
	[tilespmem:s25+$0xFFFFFFF9 ss:$0x81] =	vst.msk $0xffff, v3;
	s25 =	sadd.s32 $0x8, s25  }
0x49: {  	v2 =	vld [tilespmem:s27+$0x10];
	[tilespmem:s25+$0x0 ss:$0x81] =	vst.msk $0xffff, v5  }
0x4a: {  	[tilespmem:s25+$0xFFFFFFFA ss:$0x81] =	vst.msk $0xffff, v6;
	v4 =	vld [tilespmem:s27+$0x20]  }
0x4b: {  	v3 =	vld [tilespmem:s27+$0xFFFFFFC0];
	[tilespmem:s25+$0xFFFFFFFB ss:$0x81] =	vst.msk $0xffff, v7;
	s27 =	sadd.s32 $0x80, s27  }
0x4c: {  	s24 =	sadd.s32 $0x1, s24  }
0x4d: {  	p1 =	sne.s32 s24, $0x8  }
.Ltmp4:
0x4e: {  	[tilespmem:s25+$0xFFFFFFFC ss:$0x81] =	vst.msk $0xffff, v1;
	(pc) =	sbr.rel @p1 .LBB1_3-.Ltmp4, $4  }
0x4f: {  	[tilespmem:s25+$0xFFFFFFFD ss:$0x81] =	vst.msk $0xffff, v0  }
0x50: {  	[tilespmem:s25+$0xFFFFFFFE ss:$0x81] =	vst.msk $0xffff, v2  }
0x51: {  	[tilespmem:s25+$0xFFFFFFFF ss:$0x81] =	vst.msk $0xffff, v4  }
0x52: {  	s22 =	sadd.s32 $0x810, s22;
	s23 =	sadd.s32 $0x800, s23;
	[tilespmem:s25+$0xFFFFFFF9 ss:$0x81] =	vst.msk $0xffff, v3  }
.Ltmp5:
0x53: {  	s22 =	sand.u32 $0x380, s19;
	s20 =	sshll.u32 s20, $0xA;
	(pc) =	sbr.rel .LBB1_7-.Ltmp5, $4  }
0x54: {  	s23 =	sshrl.u32 s19, $0x3;
	s31 =	sand.u32 $0x7, s19;
	s20 =	sadd.s32 s2, s20  }
0x55: {  	s23 =	sand.u32 $0xF, s23;
	s19 =	sshll.u32 s31, $0x12;
	s20 =	sadd.s32 s22, s20  }
0x56: {  	s19 =	sor.u32 $0x400, s19;
	s20 =	sadd.s32 s23, s20  }
0x57: {  	[hbm4b:s20+s19] =	stream.strided.scatter [tilespmem:s21], [sflag:$0x2], $0x4000, s15, s19, $0x20;
	[tilespmem:$0x10100] =	vst v63  }
.LBB1_8:
0x58: {  	_ =	sfence.sel $0x180000  }
0x59: {  	s2 =	simm.s32 $0x1;
	[bflag:$0x0] =	sbarrier.arrive $0xFFFF  }
0x5a: {  	s31 =	simm.s32 $0x2;
	[sflag:s2] =	ssyncpa.u1 $0x1  }
0x5b: {  	[sflag:s31] =	ssyncpa.u1 $0x1  }
0x5c: {  	p0 =	sne.s32 s0, $0x0;
	_ =	strace $0x9000004D  }
0x5d: {  	s0 =	sadd.s32 @!p0 $0x100000, s1;
	[bflag:$0x2] =	sbarrier.arrive $0xFFFF  }
0x5e: {  	[sflag:s0] =	ssyncadd.tile.s32 @!p0 $0x1;
	_ =	shalt  }
.Lfunc_end1:
_tile_overlayer_lowered:
.L_overlay_start_2:
0x5f: {  	(tag) =	ssettag $0x2  }
0x60: {  	s0 =	rddreg [dreg:$0x0];
	s2 =	stileid.u32  }
0x61: {  	s1 =	rddreg [dreg:$0x1];
	p0 =	sne.s32 s2, $0x0  }
0x62: {  	s3 =	rddreg [dreg:$0x2];
	[bflag:$0x3] =	sbarrier.arrive $0xFFFF;
	s2 =	simm.s32 @!p0 $0x1C01  }
0x63: {  	[timem:s3], [sflag:s2] =	dma.local @!p0 [hbm:s0], s1  }
0x64: {  	s0 =	simm.s32 @!p0 $0x1  }
0x65: {  	_ =	swait.ge @!p0 [sflag:s0], s1  }
0x66: {  	s1 =	ssub.s32 @!p0 $0x0, s1;
	[sflag:s0] =	ssyncset.done @!p0 $0x0  }
0x67: {  	[sflag:s0] =	ssyncadd.s32 @!p0 s1  }
0x68: {  	[bflag:$0x3] =	sbarrier.arrive $0xFFFF  }
0x69: {  	_ =	shalt  }

</sc_bundles>
